<compile_context>
chip_gen: v7x
topology: tpu7x:2x2x1
jax: 0.10.2.dev20260603
libtpu: 0.0.44.dev20260713+nightly
codegen_flags: <defaults>
</compile_context>

<pallas_src>
import functools

import jax
import jax.numpy as jnp
from jax import lax
from jax.experimental import pallas as pl
from jax.experimental.pallas import tpu as pltpu
from jax.experimental.pallas import tpu_sc as plsc

EMBED_DIM = 32
BATCH = 16384
_LANE = 128

_info = plsc.get_sparse_core_info()
_NC, _NS = _info.num_cores, _info.num_subcores
_NW = _NC * _NS
_BPW = BATCH // _NW
_GRP = 4
_NBUF = 4
_NG = _BPW // _GRP

_mesh = plsc.VectorSubcoreMesh(core_axis_name="c", subcore_axis_name="s")


def _extract(vec, k):
    return lax.squeeze(lax.slice(vec, (k,), (k + 1,)), (0,))


@functools.partial(
    pl.kernel,
    mesh=_mesh,
    out_type=jax.ShapeDtypeStruct((EMBED_DIM, BATCH), jnp.float32),
    scratch_types=[
        pltpu.VMEM((_BPW + 16,), jnp.int32),
        pltpu.VMEM((_NBUF, _GRP, EMBED_DIM, _LANE), jnp.float32),
        pltpu.VMEM((EMBED_DIM, _BPW), jnp.float32),
        pltpu.SemaphoreType.DMA,
        pltpu.SemaphoreType.DMA,
        pltpu.SemaphoreType.DMA,
        pltpu.SemaphoreType.DMA,
    ],
    compiler_params=pltpu.CompilerParams(needs_layout_passes=False),
)
def _sc_slab_gather(label_hbm, table_t_hbm, out_t_hbm,
                    lab_v, slabs, out_local, sem0, sem1, sem2, sem3):
    wid = lax.axis_index("s") * _NC + lax.axis_index("c")
    base = wid * _BPW
    pltpu.sync_copy(label_hbm.at[pl.ds(base, _BPW)],
                    lab_v.at[pl.ds(0, _BPW)])

    rows0 = lax.iota(jnp.int32, 16)
    rows1 = rows0 + 16
    sems = (sem0, sem1, sem2, sem3)

    def issue(g, buf):
        labs = lab_v[pl.ds(g * _GRP, 16)]
        for k in range(_GRP):
            i = _extract(labs, k)
            col = pl.multiple_of((i >> 7) * _LANE, _LANE)
            pltpu.async_copy(
                table_t_hbm.at[:, pl.ds(col, _LANE)],
                slabs.at[buf, k],
                sems[buf],
            )

    def drain(buf):
        for k in range(_GRP):
            pltpu.make_async_copy(
                table_t_hbm.at[:, pl.ds(0, _LANE)],
                slabs.at[buf, k],
                sems[buf],
            ).wait()

    def extract(g, buf):
        labs = lab_v[pl.ds(g * _GRP, 16)]
        for k in range(_GRP):
            i = _extract(labs, k)
            col_l = lax.broadcast(i & (_LANE - 1), (16,))
            col_j = lax.broadcast(g * _GRP + k, (16,))
            slab = slabs.at[buf, k]
            v0 = plsc.load_gather(slab, [rows0, col_l])
            v1 = plsc.load_gather(slab, [rows1, col_l])
            plsc.store_scatter(out_local, [rows0, col_j], v0)
            plsc.store_scatter(out_local, [rows1, col_j], v1)

    for p in range(_NBUF - 1):
        issue(p, p)

    def body(t, carry):
        for p in range(_NBUF):
            g = _NBUF * t + p
            issue(g + _NBUF - 1, (p + _NBUF - 1) % _NBUF)
            drain(p)
            extract(g, p)
        return carry

    lax.fori_loop(0, _NG // _NBUF - 1, body, 0)

    tail = _NG - _NBUF
    for p in range(_NBUF):
        g = tail + p
        if p == 0:
            issue(g + _NBUF - 1, (_NBUF - 1) % _NBUF)
        drain(p)
        extract(g, p)

    pltpu.sync_copy(out_local, out_t_hbm.at[:, pl.ds(base, _BPW)])


def kernel(label, emb_weight):
    out_t = _sc_slab_gather(label.astype(jnp.int32), emb_weight.T)
    return out_t.T

# --- scband reference (transcript-rebuilt; emitter-appended) ---
"""Pipeline reference for scband-base-text-encoder-59279138619580 (READ-ONLY COPY).

The authoritative reference and input builder live on the scoring server;
editing this copy changes nothing except your own understanding.
"""

import jax, jax.numpy as jnp
import numpy as np

NUM_EMBEDDINGS = 1000000
EMBED_DIM = 32
BATCH = 16384

def setup_inputs(seed: int = 0) -> dict:
    key = jax.random.key(seed)
    k_label, k_emb = jax.random.split(key)
    label = jax.random.randint(k_label, (BATCH,), 0, NUM_EMBEDDINGS, dtype=jnp.int64 if jax.config.jax_enable_x64 else jnp.int32)
    emb_weight = jax.random.normal(k_emb, (NUM_EMBEDDINGS, EMBED_DIM), dtype=jnp.float32) * 0.02
    return {"label": label, "emb_weight": emb_weight}

def reference(label, emb_weight):
    # Faithful translation of BaseTextEncoder.get_word_emb: self.emb(label)
    # nn.Embedding lookup == row gather from the embedding table.
    return jnp.take(emb_weight, label, axis=0)

if __name__ == "__main__":
    import jax
    _d = setup_inputs()
    print(jax.jit(kernel)(*tuple(_d.values())))

</pallas_src>

<mosaic_0001>
#map = affine_map<(d0, d1) -> (0)>
#map1 = affine_map<(d0, d1) -> (0, 0)>
module attributes {stable_mosaic.version = 14 : i64} {
  func.func @_sc_slab_gather(%arg0: i32, %arg1: i32, %arg2: memref<16384xi32, #tpu.memory_space<hbm>>, %arg3: memref<32x1000000xf32, #tpu.memory_space<hbm>>, %arg4: memref<32x16384xf32, #tpu.memory_space<hbm>>, %arg5: memref<528xi32, #tpu.memory_space<vmem>>, %arg6: memref<4x4x32x128xf32, #tpu.memory_space<vmem>>, %arg7: memref<32x512xf32, #tpu.memory_space<vmem>>, %arg8: memref<!tpu.dma_semaphore, #tpu.memory_space<semaphore_mem>>, %arg9: memref<!tpu.dma_semaphore, #tpu.memory_space<semaphore_mem>>, %arg10: memref<!tpu.dma_semaphore, #tpu.memory_space<semaphore_mem>>, %arg11: memref<!tpu.dma_semaphore, #tpu.memory_space<semaphore_mem>>) attributes {dimension_semantics = [#tpu.dimension_semantics<core_parallel>, #tpu.dimension_semantics<subcore_parallel>], iteration_bounds = array<i64: 2, 16>, scalar_prefetch = 0 : i64, scratch_operands = 7 : i64, tpu.core_type = #tpu.core_type<sc_vector_subcore>, window_params = [{transform_indices = #map}, {transform_indices = #map1}, {transform_indices = #map1}]} {
    %mul3A = arith.constant 2 : i32
    %mul3A_0 = arith.muli %arg1, %mul3A : i32
    %add3A = arith.addi %mul3A_0, %arg0 : i32
    %mul3A_1 = arith.constant 512 : i32
    %mul3A_2 = arith.muli %add3A, %mul3A_1 : i32
    "tpu.region"() ({
      %run_scoped3A = tpu.sem_alloc : memref<!tpu.dma_semaphore, #tpu.memory_space<semaphore_mem>>
      %dma_start3A_945 = arith.constant 0 : i32
      %dma_start3A_946 = tpu.memref_slice %arg5[%dma_start3A_945] : memref<528xi32, #tpu.memory_space<vmem>> -> memref<512xi32, #tpu.memory_space<vmem>>
      %dma_start3A_947 = tpu.memref_slice %arg2[%mul3A_2] : memref<16384xi32, #tpu.memory_space<hbm>> -> memref<512xi32, #tpu.memory_space<hbm>>
      %dma_start3A_948 = arith.constant 0 : i32
      %dma_start3A_949 = tpu.memref_slice %arg5[%dma_start3A_948] : memref<528xi32, #tpu.memory_space<vmem>> -> memref<512xi32, #tpu.memory_space<vmem>>
      %dma_start3A_950 = tpu.memref_slice %arg2[%mul3A_2] : memref<16384xi32, #tpu.memory_space<hbm>> -> memref<512xi32, #tpu.memory_space<hbm>>
      tpu.enqueue_dma source(%dma_start3A_950 : memref<512xi32, #tpu.memory_space<hbm>>) target(%dma_start3A_949 : memref<512xi32, #tpu.memory_space<vmem>>) target_semaphore(%run_scoped3A : memref<!tpu.dma_semaphore, #tpu.memory_space<semaphore_mem>>)
      %dma_wait3A_951 = arith.constant 0 : i32
      %dma_wait3A_952 = tpu.memref_slice %arg5[%dma_wait3A_951] : memref<528xi32, #tpu.memory_space<vmem>> -> memref<512xi32, #tpu.memory_space<vmem>>
      %dma_wait3A_953 = tpu.memref_slice %arg2[%mul3A_2] : memref<16384xi32, #tpu.memory_space<hbm>> -> memref<512xi32, #tpu.memory_space<hbm>>
      %dma_wait3A_954 = arith.constant 0 : i32
      %dma_wait3A_955 = tpu.memref_slice %arg5[%dma_wait3A_954] : memref<528xi32, #tpu.memory_space<vmem>> -> memref<512xi32, #tpu.memory_space<vmem>>
      %dma_wait3A_956 = tpu.memref_slice %arg2[%mul3A_2] : memref<16384xi32, #tpu.memory_space<hbm>> -> memref<512xi32, #tpu.memory_space<hbm>>
      tpu.wait_dma2 semaphore(%run_scoped3A : memref<!tpu.dma_semaphore, #tpu.memory_space<semaphore_mem>>) src(%dma_wait3A_956 : memref<512xi32, #tpu.memory_space<hbm>>) dst(%dma_wait3A_955 : memref<512xi32, #tpu.memory_space<vmem>>)
      tpu.yield
    }) : () -> ()
    %iota3A = tpu.iota {dimensions = array<i32: 0>} : vector<16xi32>
    %add3A_3 = arith.constant 16 : i32
    %add3A_4 = vector.broadcast %add3A_3 : i32 to vector<16xi32>
    %add3A_5 = arith.addi %iota3A, %add3A_4 : vector<16xi32>
    %get3A = arith.constant 0 : index
    %get3A_6 = tpu.vector_load %arg5[%get3A] {strides = array<i32>} : memref<528xi32, #tpu.memory_space<vmem>>, vector<16xi32>,
    %slice3A = vector.extract_strided_slice %get3A_6 {offsets = [0], sizes = [1], strides = [1]} : vector<16xi32> to vector<1xi32>
    %squeeze3A = vector.extract %slice3A[0] : i32 from vector<1xi32>
    %shift_right_arithmetic3A = arith.constant 7 : i32
    %shift_right_arithmetic3A_7 = arith.shrsi %squeeze3A, %shift_right_arithmetic3A : i32
    %mul3A_8 = arith.constant 128 : i32
    %mul3A_9 = arith.muli %shift_right_arithmetic3A_7, %mul3A_8 : i32
    %multiple_of3A = tpu.assume_multiple %mul3A_9, 128 : i32
    %dma_start3A = arith.constant 0 : i32
    %dma_start3A_10 = arith.constant 0 : i32
    %dma_start3A_11 = arith.constant 0 : i32
    %dma_start3A_12 = arith.constant 0 : i32
    %dma_start3A_13 = tpu.memref_slice %arg6[%dma_start3A, %dma_start3A_10, %dma_start3A_11, %dma_start3A_12] : memref<4x4x32x128xf32, #tpu.memory_space<vmem>> -> memref<1x1x32x128xf32, #tpu.memory_space<vmem>>
    %dma_start3A_14 = tpu.memref_squeeze %dma_start3A_13 : memref<1x1x32x128xf32, #tpu.memory_space<vmem>> -> memref<32x128xf32, #tpu.memory_space<vmem>>
    %dma_start3A_15 = arith.constant 0 : i32
    %dma_start3A_16 = tpu.memref_slice %arg3[%dma_start3A_15, %multiple_of3A] : memref<32x1000000xf32, #tpu.memory_space<hbm>> -> memref<32x128xf32, #tpu.memory_space<hbm>>
    %dma_start3A_17 = arith.constant 0 : i32
    %dma_start3A_18 = arith.constant 0 : i32
    %dma_start3A_19 = tpu.memref_slice %arg6[%dma_start3A, %dma_start3A_10, %dma_start3A_17, %dma_start3A_18] : memref<4x4x32x128xf32, #tpu.memory_space<vmem>> -> memref<1x1x32x128xf32, #tpu.memory_space<vmem>>
    %dma_start3A_20 = tpu.memref_squeeze %dma_start3A_19 : memref<1x1x32x128xf32, #tpu.memory_space<vmem>> -> memref<32x128xf32, #tpu.memory_space<vmem>>
    %dma_start3A_21 = arith.constant 0 : i32
    %dma_start3A_22 = tpu.memref_slice %arg3[%dma_start3A_21, %multiple_of3A] : memref<32x1000000xf32, #tpu.memory_space<hbm>> -> memref<32x128xf32, #tpu.memory_space<hbm>>
    tpu.enqueue_dma source(%dma_start3A_22 : memref<32x128xf32, #tpu.memory_space<hbm>>) target(%dma_start3A_20 : memref<32x128xf32, #tpu.memory_space<vmem>>) target_semaphore(%arg8 : memref<!tpu.dma_semaphore, #tpu.memory_space<semaphore_mem>>)
    %slice3A_23 = vector.extract_strided_slice %get3A_6 {offsets = [1], sizes = [1], strides = [1]} : vector<16xi32> to vector<1xi32>
    %squeeze3A_24 = vector.extract %slice3A_23[0] : i32 from vector<1xi32>
    %shift_right_arithmetic3A_25 = arith.constant 7 : i32
    %shift_right_arithmetic3A_26 = arith.shrsi %squeeze3A_24, %shift_right_arithmetic3A_25 : i32
    %mul3A_27 = arith.constant 128 : i32
    %mul3A_28 = arith.muli %shift_right_arithmetic3A_26, %mul3A_27 : i32
    %multiple_of3A_29 = tpu.assume_multiple %mul3A_28, 128 : i32
    %dma_start3A_30 = arith.constant 0 : i32
    %dma_start3A_31 = arith.constant 1 : i32
    %dma_start3A_32 = arith.constant 0 : i32
    %dma_start3A_33 = arith.constant 0 : i32
    %dma_start3A_34 = tpu.memref_slice %arg6[%dma_start3A_30, %dma_start3A_31, %dma_start3A_32, %dma_start3A_33] : memref<4x4x32x128xf32, #tpu.memory_space<vmem>> -> memref<1x1x32x128xf32, #tpu.memory_space<vmem>>
    %dma_start3A_35 = tpu.memref_squeeze %dma_start3A_34 : memref<1x1x32x128xf32, #tpu.memory_space<vmem>> -> memref<32x128xf32, #tpu.memory_space<vmem>>
    %dma_start3A_36 = arith.constant 0 : i32
    %dma_start3A_37 = tpu.memref_slice %arg3[%dma_start3A_36, %multiple_of3A_29] : memref<32x1000000xf32, #tpu.memory_space<hbm>> -> memref<32x128xf32, #tpu.memory_space<hbm>>
    %dma_start3A_38 = arith.constant 0 : i32
    %dma_start3A_39 = arith.constant 0 : i32
    %dma_start3A_40 = tpu.memref_slice %arg6[%dma_start3A_30, %dma_start3A_31, %dma_start3A_38, %dma_start3A_39] : memref<4x4x32x128xf32, #tpu.memory_space<vmem>> -> memref<1x1x32x128xf32, #tpu.memory_space<vmem>>
    %dma_start3A_41 = tpu.memref_squeeze %dma_start3A_40 : memref<1x1x32x128xf32, #tpu.memory_space<vmem>> -> memref<32x128xf32, #tpu.memory_space<vmem>>
    %dma_start3A_42 = arith.constant 0 : i32
    %dma_start3A_43 = tpu.memref_slice %arg3[%dma_start3A_42, %multiple_of3A_29] : memref<32x1000000xf32, #tpu.memory_space<hbm>> -> memref<32x128xf32, #tpu.memory_space<hbm>>
    tpu.enqueue_dma source(%dma_start3A_43 : memref<32x128xf32, #tpu.memory_space<hbm>>) target(%dma_start3A_41 : memref<32x128xf32, #tpu.memory_space<vmem>>) target_semaphore(%arg8 : memref<!tpu.dma_semaphore, #tpu.memory_space<semaphore_mem>>)
    %slice3A_44 = vector.extract_strided_slice %get3A_6 {offsets = [2], sizes = [1], strides = [1]} : vector<16xi32> to vector<1xi32>
    %squeeze3A_45 = vector.extract %slice3A_44[0] : i32 from vector<1xi32>
    %shift_right_arithmetic3A_46 = arith.constant 7 : i32
    %shift_right_arithmetic3A_47 = arith.shrsi %squeeze3A_45, %shift_right_arithmetic3A_46 : i32
    %mul3A_48 = arith.constant 128 : i32
    %mul3A_49 = arith.muli %shift_right_arithmetic3A_47, %mul3A_48 : i32
    %multiple_of3A_50 = tpu.assume_multiple %mul3A_49, 128 : i32
    %dma_start3A_51 = arith.constant 0 : i32
    %dma_start3A_52 = arith.constant 2 : i32
    %dma_start3A_53 = arith.constant 0 : i32
    %dma_start3A_54 = arith.constant 0 : i32
    %dma_start3A_55 = tpu.memref_slice %arg6[%dma_start3A_51, %dma_start3A_52, %dma_start3A_53, %dma_start3A_54] : memref<4x4x32x128xf32, #tpu.memory_space<vmem>> -> memref<1x1x32x128xf32, #tpu.memory_space<vmem>>
    %dma_start3A_56 = tpu.memref_squeeze %dma_start3A_55 : memref<1x1x32x128xf32, #tpu.memory_space<vmem>> -> memref<32x128xf32, #tpu.memory_space<vmem>>
    %dma_start3A_57 = arith.constant 0 : i32
    %dma_start3A_58 = tpu.memref_slice %arg3[%dma_start3A_57, %multiple_of3A_50] : memref<32x1000000xf32, #tpu.memory_space<hbm>> -> memref<32x128xf32, #tpu.memory_space<hbm>>
    %dma_start3A_59 = arith.constant 0 : i32
    %dma_start3A_60 = arith.constant 0 : i32
    %dma_start3A_61 = tpu.memref_slice %arg6[%dma_start3A_51, %dma_start3A_52, %dma_start3A_59, %dma_start3A_60] : memref<4x4x32x128xf32, #tpu.memory_space<vmem>> -> memref<1x1x32x128xf32, #tpu.memory_space<vmem>>
    %dma_start3A_62 = tpu.memref_squeeze %dma_start3A_61 : memref<1x1x32x128xf32, #tpu.memory_space<vmem>> -> memref<32x128xf32, #tpu.memory_space<vmem>>
    %dma_start3A_63 = arith.constant 0 : i32
    %dma_start3A_64 = tpu.memref_slice %arg3[%dma_start3A_63, %multiple_of3A_50] : memref<32x1000000xf32, #tpu.memory_space<hbm>> -> memref<32x128xf32, #tpu.memory_space<hbm>>
    tpu.enqueue_dma source(%dma_start3A_64 : memref<32x128xf32, #tpu.memory_space<hbm>>) target(%dma_start3A_62 : memref<32x128xf32, #tpu.memory_space<vmem>>) target_semaphore(%arg8 : memref<!tpu.dma_semaphore, #tpu.memory_space<semaphore_mem>>)
    %slice3A_65 = vector.extract_strided_slice %get3A_6 {offsets = [3], sizes = [1], strides = [1]} : vector<16xi32> to vector<1xi32>
    %squeeze3A_66 = vector.extract %slice3A_65[0] : i32 from vector<1xi32>
    %shift_right_arithmetic3A_67 = arith.constant 7 : i32
    %shift_right_arithmetic3A_68 = arith.shrsi %squeeze3A_66, %shift_right_arithmetic3A_67 : i32
    %mul3A_69 = arith.constant 128 : i32
    %mul3A_70 = arith.muli %shift_right_arithmetic3A_68, %mul3A_69 : i32
    %multiple_of3A_71 = tpu.assume_multiple %mul3A_70, 128 : i32
    %dma_start3A_72 = arith.constant 0 : i32
    %dma_start3A_73 = arith.constant 3 : i32
    %dma_start3A_74 = arith.constant 0 : i32
    %dma_start3A_75 = arith.constant 0 : i32
    %dma_start3A_76 = tpu.memref_slice %arg6[%dma_start3A_72, %dma_start3A_73, %dma_start3A_74, %dma_start3A_75] : memref<4x4x32x128xf32, #tpu.memory_space<vmem>> -> memref<1x1x32x128xf32, #tpu.memory_space<vmem>>
    %dma_start3A_77 = tpu.memref_squeeze %dma_start3A_76 : memref<1x1x32x128xf32, #tpu.memory_space<vmem>> -> memref<32x128xf32, #tpu.memory_space<vmem>>
    %dma_start3A_78 = arith.constant 0 : i32
    %dma_start3A_79 = tpu.memref_slice %arg3[%dma_start3A_78, %multiple_of3A_71] : memref<32x1000000xf32, #tpu.memory_space<hbm>> -> memref<32x128xf32, #tpu.memory_space<hbm>>
    %dma_start3A_80 = arith.constant 0 : i32
    %dma_start3A_81 = arith.constant 0 : i32
    %dma_start3A_82 = tpu.memref_slice %arg6[%dma_start3A_72, %dma_start3A_73, %dma_start3A_80, %dma_start3A_81] : memref<4x4x32x128xf32, #tpu.memory_space<vmem>> -> memref<1x1x32x128xf32, #tpu.memory_space<vmem>>
    %dma_start3A_83 = tpu.memref_squeeze %dma_start3A_82 : memref<1x1x32x128xf32, #tpu.memory_space<vmem>> -> memref<32x128xf32, #tpu.memory_space<vmem>>
    %dma_start3A_84 = arith.constant 0 : i32
    %dma_start3A_85 = tpu.memref_slice %arg3[%dma_start3A_84, %multiple_of3A_71] : memref<32x1000000xf32, #tpu.memory_space<hbm>> -> memref<32x128xf32, #tpu.memory_space<hbm>>
    tpu.enqueue_dma source(%dma_start3A_85 : memref<32x128xf32, #tpu.memory_space<hbm>>) target(%dma_start3A_83 : memref<32x128xf32, #tpu.memory_space<vmem>>) target_semaphore(%arg8 : memref<!tpu.dma_semaphore, #tpu.memory_space<semaphore_mem>>)
    %get3A_86 = arith.constant 4 : index
    %get3A_87 = tpu.vector_load %arg5[%get3A_86] {strides = array<i32>} : memref<528xi32, #tpu.memory_space<vmem>>, vector<16xi32>,
    %slice3A_88 = vector.extract_strided_slice %get3A_87 {offsets = [0], sizes = [1], strides = [1]} : vector<16xi32> to vector<1xi32>
    %squeeze3A_89 = vector.extract %slice3A_88[0] : i32 from vector<1xi32>
    %shift_right_arithmetic3A_90 = arith.constant 7 : i32
    %shift_right_arithmetic3A_91 = arith.shrsi %squeeze3A_89, %shift_right_arithmetic3A_90 : i32
    %mul3A_92 = arith.constant 128 : i32
    %mul3A_93 = arith.muli %shift_right_arithmetic3A_91, %mul3A_92 : i32
    %multiple_of3A_94 = tpu.assume_multiple %mul3A_93, 128 : i32
    %dma_start3A_95 = arith.constant 1 : i32
    %dma_start3A_96 = arith.constant 0 : i32
    %dma_start3A_97 = arith.constant 0 : i32
    %dma_start3A_98 = arith.constant 0 : i32
    %dma_start3A_99 = tpu.memref_slice %arg6[%dma_start3A_95, %dma_start3A_96, %dma_start3A_97, %dma_start3A_98] : memref<4x4x32x128xf32, #tpu.memory_space<vmem>> -> memref<1x1x32x128xf32, #tpu.memory_space<vmem>>
    %dma_start3A_100 = tpu.memref_squeeze %dma_start3A_99 : memref<1x1x32x128xf32, #tpu.memory_space<vmem>> -> memref<32x128xf32, #tpu.memory_space<vmem>>
    %dma_start3A_101 = arith.constant 0 : i32
    %dma_start3A_102 = tpu.memref_slice %arg3[%dma_start3A_101, %multiple_of3A_94] : memref<32x1000000xf32, #tpu.memory_space<hbm>> -> memref<32x128xf32, #tpu.memory_space<hbm>>
    %dma_start3A_103 = arith.constant 0 : i32
    %dma_start3A_104 = arith.constant 0 : i32
    %dma_start3A_105 = tpu.memref_slice %arg6[%dma_start3A_95, %dma_start3A_96, %dma_start3A_103, %dma_start3A_104] : memref<4x4x32x128xf32, #tpu.memory_space<vmem>> -> memref<1x1x32x128xf32, #tpu.memory_space<vmem>>
    %dma_start3A_106 = tpu.memref_squeeze %dma_start3A_105 : memref<1x1x32x128xf32, #tpu.memory_space<vmem>> -> memref<32x128xf32, #tpu.memory_space<vmem>>
    %dma_start3A_107 = arith.constant 0 : i32
    %dma_start3A_108 = tpu.memref_slice %arg3[%dma_start3A_107, %multiple_of3A_94] : memref<32x1000000xf32, #tpu.memory_space<hbm>> -> memref<32x128xf32, #tpu.memory_space<hbm>>
    tpu.enqueue_dma source(%dma_start3A_108 : memref<32x128xf32, #tpu.memory_space<hbm>>) target(%dma_start3A_106 : memref<32x128xf32, #tpu.memory_space<vmem>>) target_semaphore(%arg9 : memref<!tpu.dma_semaphore, #tpu.memory_space<semaphore_mem>>)
    %slice3A_109 = vector.extract_strided_slice %get3A_87 {offsets = [1], sizes = [1], strides = [1]} : vector<16xi32> to vector<1xi32>
    %squeeze3A_110 = vector.extract %slice3A_109[0] : i32 from vector<1xi32>
    %shift_right_arithmetic3A_111 = arith.constant 7 : i32
    %shift_right_arithmetic3A_112 = arith.shrsi %squeeze3A_110, %shift_right_arithmetic3A_111 : i32
    %mul3A_113 = arith.constant 128 : i32
    %mul3A_114 = arith.muli %shift_right_arithmetic3A_112, %mul3A_113 : i32
    %multiple_of3A_115 = tpu.assume_multiple %mul3A_114, 128 : i32
    %dma_start3A_116 = arith.constant 1 : i32
    %dma_start3A_117 = arith.constant 1 : i32
    %dma_start3A_118 = arith.constant 0 : i32
    %dma_start3A_119 = arith.constant 0 : i32
    %dma_start3A_120 = tpu.memref_slice %arg6[%dma_start3A_116, %dma_start3A_117, %dma_start3A_118, %dma_start3A_119] : memref<4x4x32x128xf32, #tpu.memory_space<vmem>> -> memref<1x1x32x128xf32, #tpu.memory_space<vmem>>
    %dma_start3A_121 = tpu.memref_squeeze %dma_start3A_120 : memref<1x1x32x128xf32, #tpu.memory_space<vmem>> -> memref<32x128xf32, #tpu.memory_space<vmem>>
    %dma_start3A_122 = arith.constant 0 : i32
    %dma_start3A_123 = tpu.memref_slice %arg3[%dma_start3A_122, %multiple_of3A_115] : memref<32x1000000xf32, #tpu.memory_space<hbm>> -> memref<32x128xf32, #tpu.memory_space<hbm>>
    %dma_start3A_124 = arith.constant 0 : i32
    %dma_start3A_125 = arith.constant 0 : i32
    %dma_start3A_126 = tpu.memref_slice %arg6[%dma_start3A_116, %dma_start3A_117, %dma_start3A_124, %dma_start3A_125] : memref<4x4x32x128xf32, #tpu.memory_space<vmem>> -> memref<1x1x32x128xf32, #tpu.memory_space<vmem>>
    %dma_start3A_127 = tpu.memref_squeeze %dma_start3A_126 : memref<1x1x32x128xf32, #tpu.memory_space<vmem>> -> memref<32x128xf32, #tpu.memory_space<vmem>>
    %dma_start3A_128 = arith.constant 0 : i32
    %dma_start3A_129 = tpu.memref_slice %arg3[%dma_start3A_128, %multiple_of3A_115] : memref<32x1000000xf32, #tpu.memory_space<hbm>> -> memref<32x128xf32, #tpu.memory_space<hbm>>
    tpu.enqueue_dma source(%dma_start3A_129 : memref<32x128xf32, #tpu.memory_space<hbm>>) target(%dma_start3A_127 : memref<32x128xf32, #tpu.memory_space<vmem>>) target_semaphore(%arg9 : memref<!tpu.dma_semaphore, #tpu.memory_space<semaphore_mem>>)
    %slice3A_130 = vector.extract_strided_slice %get3A_87 {offsets = [2], sizes = [1], strides = [1]} : vector<16xi32> to vector<1xi32>
    %squeeze3A_131 = vector.extract %slice3A_130[0] : i32 from vector<1xi32>
    %shift_right_arithmetic3A_132 = arith.constant 7 : i32
    %shift_right_arithmetic3A_133 = arith.shrsi %squeeze3A_131, %shift_right_arithmetic3A_132 : i32
    %mul3A_134 = arith.constant 128 : i32
    %mul3A_135 = arith.muli %shift_right_arithmetic3A_133, %mul3A_134 : i32
    %multiple_of3A_136 = tpu.assume_multiple %mul3A_135, 128 : i32
    %dma_start3A_137 = arith.constant 1 : i32
    %dma_start3A_138 = arith.constant 2 : i32
    %dma_start3A_139 = arith.constant 0 : i32
    %dma_start3A_140 = arith.constant 0 : i32
    %dma_start3A_141 = tpu.memref_slice %arg6[%dma_start3A_137, %dma_start3A_138, %dma_start3A_139, %dma_start3A_140] : memref<4x4x32x128xf32, #tpu.memory_space<vmem>> -> memref<1x1x32x128xf32, #tpu.memory_space<vmem>>
    %dma_start3A_142 = tpu.memref_squeeze %dma_start3A_141 : memref<1x1x32x128xf32, #tpu.memory_space<vmem>> -> memref<32x128xf32, #tpu.memory_space<vmem>>
    %dma_start3A_143 = arith.constant 0 : i32
    %dma_start3A_144 = tpu.memref_slice %arg3[%dma_start3A_143, %multiple_of3A_136] : memref<32x1000000xf32, #tpu.memory_space<hbm>> -> memref<32x128xf32, #tpu.memory_space<hbm>>
    %dma_start3A_145 = arith.constant 0 : i32
    %dma_start3A_146 = arith.constant 0 : i32
    %dma_start3A_147 = tpu.memref_slice %arg6[%dma_start3A_137, %dma_start3A_138, %dma_start3A_145, %dma_start3A_146] : memref<4x4x32x128xf32, #tpu.memory_space<vmem>> -> memref<1x1x32x128xf32, #tpu.memory_space<vmem>>
    %dma_start3A_148 = tpu.memref_squeeze %dma_start3A_147 : memref<1x1x32x128xf32, #tpu.memory_space<vmem>> -> memref<32x128xf32, #tpu.memory_space<vmem>>
    %dma_start3A_149 = arith.constant 0 : i32
    %dma_start3A_150 = tpu.memref_slice %arg3[%dma_start3A_149, %multiple_of3A_136] : memref<32x1000000xf32, #tpu.memory_space<hbm>> -> memref<32x128xf32, #tpu.memory_space<hbm>>
    tpu.enqueue_dma source(%dma_start3A_150 : memref<32x128xf32, #tpu.memory_space<hbm>>) target(%dma_start3A_148 : memref<32x128xf32, #tpu.memory_space<vmem>>) target_semaphore(%arg9 : memref<!tpu.dma_semaphore, #tpu.memory_space<semaphore_mem>>)
    %slice3A_151 = vector.extract_strided_slice %get3A_87 {offsets = [3], sizes = [1], strides = [1]} : vector<16xi32> to vector<1xi32>
    %squeeze3A_152 = vector.extract %slice3A_151[0] : i32 from vector<1xi32>
    %shift_right_arithmetic3A_153 = arith.constant 7 : i32
    %shift_right_arithmetic3A_154 = arith.shrsi %squeeze3A_152, %shift_right_arithmetic3A_153 : i32
    %mul3A_155 = arith.constant 128 : i32
    %mul3A_156 = arith.muli %shift_right_arithmetic3A_154, %mul3A_155 : i32
    %multiple_of3A_157 = tpu.assume_multiple %mul3A_156, 128 : i32
    %dma_start3A_158 = arith.constant 1 : i32
    %dma_start3A_159 = arith.constant 3 : i32
    %dma_start3A_160 = arith.constant 0 : i32
    %dma_start3A_161 = arith.constant 0 : i32
    %dma_start3A_162 = tpu.memref_slice %arg6[%dma_start3A_158, %dma_start3A_159, %dma_start3A_160, %dma_start3A_161] : memref<4x4x32x128xf32, #tpu.memory_space<vmem>> -> memref<1x1x32x128xf32, #tpu.memory_space<vmem>>
    %dma_start3A_163 = tpu.memref_squeeze %dma_start3A_162 : memref<1x1x32x128xf32, #tpu.memory_space<vmem>> -> memref<32x128xf32, #tpu.memory_space<vmem>>
    %dma_start3A_164 = arith.constant 0 : i32
    %dma_start3A_165 = tpu.memref_slice %arg3[%dma_start3A_164, %multiple_of3A_157] : memref<32x1000000xf32, #tpu.memory_space<hbm>> -> memref<32x128xf32, #tpu.memory_space<hbm>>
    %dma_start3A_166 = arith.constant 0 : i32
    %dma_start3A_167 = arith.constant 0 : i32
    %dma_start3A_168 = tpu.memref_slice %arg6[%dma_start3A_158, %dma_start3A_159, %dma_start3A_166, %dma_start3A_167] : memref<4x4x32x128xf32, #tpu.memory_space<vmem>> -> memref<1x1x32x128xf32, #tpu.memory_space<vmem>>
    %dma_start3A_169 = tpu.memref_squeeze %dma_start3A_168 : memref<1x1x32x128xf32, #tpu.memory_space<vmem>> -> memref<32x128xf32, #tpu.memory_space<vmem>>
    %dma_start3A_170 = arith.constant 0 : i32
    %dma_start3A_171 = tpu.memref_slice %arg3[%dma_start3A_170, %multiple_of3A_157] : memref<32x1000000xf32, #tpu.memory_space<hbm>> -> memref<32x128xf32, #tpu.memory_space<hbm>>
    tpu.enqueue_dma source(%dma_start3A_171 : memref<32x128xf32, #tpu.memory_space<hbm>>) target(%dma_start3A_169 : memref<32x128xf32, #tpu.memory_space<vmem>>) target_semaphore(%arg9 : memref<!tpu.dma_semaphore, #tpu.memory_space<semaphore_mem>>)
    %get3A_172 = arith.constant 8 : index
    %get3A_173 = tpu.vector_load %arg5[%get3A_172] {strides = array<i32>} : memref<528xi32, #tpu.memory_space<vmem>>, vector<16xi32>,
    %slice3A_174 = vector.extract_strided_slice %get3A_173 {offsets = [0], sizes = [1], strides = [1]} : vector<16xi32> to vector<1xi32>
    %squeeze3A_175 = vector.extract %slice3A_174[0] : i32 from vector<1xi32>
    %shift_right_arithmetic3A_176 = arith.constant 7 : i32
    %shift_right_arithmetic3A_177 = arith.shrsi %squeeze3A_175, %shift_right_arithmetic3A_176 : i32
    %mul3A_178 = arith.constant 128 : i32
    %mul3A_179 = arith.muli %shift_right_arithmetic3A_177, %mul3A_178 : i32
    %multiple_of3A_180 = tpu.assume_multiple %mul3A_179, 128 : i32
    %dma_start3A_181 = arith.constant 2 : i32
    %dma_start3A_182 = arith.constant 0 : i32
    %dma_start3A_183 = arith.constant 0 : i32
    %dma_start3A_184 = arith.constant 0 : i32
    %dma_start3A_185 = tpu.memref_slice %arg6[%dma_start3A_181, %dma_start3A_182, %dma_start3A_183, %dma_start3A_184] : memref<4x4x32x128xf32, #tpu.memory_space<vmem>> -> memref<1x1x32x128xf32, #tpu.memory_space<vmem>>
    %dma_start3A_186 = tpu.memref_squeeze %dma_start3A_185 : memref<1x1x32x128xf32, #tpu.memory_space<vmem>> -> memref<32x128xf32, #tpu.memory_space<vmem>>
    %dma_start3A_187 = arith.constant 0 : i32
    %dma_start3A_188 = tpu.memref_slice %arg3[%dma_start3A_187, %multiple_of3A_180] : memref<32x1000000xf32, #tpu.memory_space<hbm>> -> memref<32x128xf32, #tpu.memory_space<hbm>>
    %dma_start3A_189 = arith.constant 0 : i32
    %dma_start3A_190 = arith.constant 0 : i32
    %dma_start3A_191 = tpu.memref_slice %arg6[%dma_start3A_181, %dma_start3A_182, %dma_start3A_189, %dma_start3A_190] : memref<4x4x32x128xf32, #tpu.memory_space<vmem>> -> memref<1x1x32x128xf32, #tpu.memory_space<vmem>>
    %dma_start3A_192 = tpu.memref_squeeze %dma_start3A_191 : memref<1x1x32x128xf32, #tpu.memory_space<vmem>> -> memref<32x128xf32, #tpu.memory_space<vmem>>
    %dma_start3A_193 = arith.constant 0 : i32
    %dma_start3A_194 = tpu.memref_slice %arg3[%dma_start3A_193, %multiple_of3A_180] : memref<32x1000000xf32, #tpu.memory_space<hbm>> -> memref<32x128xf32, #tpu.memory_space<hbm>>
    tpu.enqueue_dma source(%dma_start3A_194 : memref<32x128xf32, #tpu.memory_space<hbm>>) target(%dma_start3A_192 : memref<32x128xf32, #tpu.memory_space<vmem>>) target_semaphore(%arg10 : memref<!tpu.dma_semaphore, #tpu.memory_space<semaphore_mem>>)
    %slice3A_195 = vector.extract_strided_slice %get3A_173 {offsets = [1], sizes = [1], strides = [1]} : vector<16xi32> to vector<1xi32>
    %squeeze3A_196 = vector.extract %slice3A_195[0] : i32 from vector<1xi32>
    %shift_right_arithmetic3A_197 = arith.constant 7 : i32
    %shift_right_arithmetic3A_198 = arith.shrsi %squeeze3A_196, %shift_right_arithmetic3A_197 : i32
    %mul3A_199 = arith.constant 128 : i32
    %mul3A_200 = arith.muli %shift_right_arithmetic3A_198, %mul3A_199 : i32
    %multiple_of3A_201 = tpu.assume_multiple %mul3A_200, 128 : i32
    %dma_start3A_202 = arith.constant 2 : i32
    %dma_start3A_203 = arith.constant 1 : i32
    %dma_start3A_204 = arith.constant 0 : i32
    %dma_start3A_205 = arith.constant 0 : i32
    %dma_start3A_206 = tpu.memref_slice %arg6[%dma_start3A_202, %dma_start3A_203, %dma_start3A_204, %dma_start3A_205] : memref<4x4x32x128xf32, #tpu.memory_space<vmem>> -> memref<1x1x32x128xf32, #tpu.memory_space<vmem>>
    %dma_start3A_207 = tpu.memref_squeeze %dma_start3A_206 : memref<1x1x32x128xf32, #tpu.memory_space<vmem>> -> memref<32x128xf32, #tpu.memory_space<vmem>>
    %dma_start3A_208 = arith.constant 0 : i32
    %dma_start3A_209 = tpu.memref_slice %arg3[%dma_start3A_208, %multiple_of3A_201] : memref<32x1000000xf32, #tpu.memory_space<hbm>> -> memref<32x128xf32, #tpu.memory_space<hbm>>
    %dma_start3A_210 = arith.constant 0 : i32
    %dma_start3A_211 = arith.constant 0 : i32
    %dma_start3A_212 = tpu.memref_slice %arg6[%dma_start3A_202, %dma_start3A_203, %dma_start3A_210, %dma_start3A_211] : memref<4x4x32x128xf32, #tpu.memory_space<vmem>> -> memref<1x1x32x128xf32, #tpu.memory_space<vmem>>
    %dma_start3A_213 = tpu.memref_squeeze %dma_start3A_212 : memref<1x1x32x128xf32, #tpu.memory_space<vmem>> -> memref<32x128xf32, #tpu.memory_space<vmem>>
    %dma_start3A_214 = arith.constant 0 : i32
    %dma_start3A_215 = tpu.memref_slice %arg3[%dma_start3A_214, %multiple_of3A_201] : memref<32x1000000xf32, #tpu.memory_space<hbm>> -> memref<32x128xf32, #tpu.memory_space<hbm>>
    tpu.enqueue_dma source(%dma_start3A_215 : memref<32x128xf32, #tpu.memory_space<hbm>>) target(%dma_start3A_213 : memref<32x128xf32, #tpu.memory_space<vmem>>) target_semaphore(%arg10 : memref<!tpu.dma_semaphore, #tpu.memory_space<semaphore_mem>>)
    %slice3A_216 = vector.extract_strided_slice %get3A_173 {offsets = [2], sizes = [1], strides = [1]} : vector<16xi32> to vector<1xi32>
    %squeeze3A_217 = vector.extract %slice3A_216[0] : i32 from vector<1xi32>
    %shift_right_arithmetic3A_218 = arith.constant 7 : i32
    %shift_right_arithmetic3A_219 = arith.shrsi %squeeze3A_217, %shift_right_arithmetic3A_218 : i32
    %mul3A_220 = arith.constant 128 : i32
    %mul3A_221 = arith.muli %shift_right_arithmetic3A_219, %mul3A_220 : i32
    %multiple_of3A_222 = tpu.assume_multiple %mul3A_221, 128 : i32
    %dma_start3A_223 = arith.constant 2 : i32
    %dma_start3A_224 = arith.constant 2 : i32
    %dma_start3A_225 = arith.constant 0 : i32
    %dma_start3A_226 = arith.constant 0 : i32
    %dma_start3A_227 = tpu.memref_slice %arg6[%dma_start3A_223, %dma_start3A_224, %dma_start3A_225, %dma_start3A_226] : memref<4x4x32x128xf32, #tpu.memory_space<vmem>> -> memref<1x1x32x128xf32, #tpu.memory_space<vmem>>
    %dma_start3A_228 = tpu.memref_squeeze %dma_start3A_227 : memref<1x1x32x128xf32, #tpu.memory_space<vmem>> -> memref<32x128xf32, #tpu.memory_space<vmem>>
    %dma_start3A_229 = arith.constant 0 : i32
    %dma_start3A_230 = tpu.memref_slice %arg3[%dma_start3A_229, %multiple_of3A_222] : memref<32x1000000xf32, #tpu.memory_space<hbm>> -> memref<32x128xf32, #tpu.memory_space<hbm>>
    %dma_start3A_231 = arith.constant 0 : i32
    %dma_start3A_232 = arith.constant 0 : i32
    %dma_start3A_233 = tpu.memref_slice %arg6[%dma_start3A_223, %dma_start3A_224, %dma_start3A_231, %dma_start3A_232] : memref<4x4x32x128xf32, #tpu.memory_space<vmem>> -> memref<1x1x32x128xf32, #tpu.memory_space<vmem>>
    %dma_start3A_234 = tpu.memref_squeeze %dma_start3A_233 : memref<1x1x32x128xf32, #tpu.memory_space<vmem>> -> memref<32x128xf32, #tpu.memory_space<vmem>>
    %dma_start3A_235 = arith.constant 0 : i32
    %dma_start3A_236 = tpu.memref_slice %arg3[%dma_start3A_235, %multiple_of3A_222] : memref<32x1000000xf32, #tpu.memory_space<hbm>> -> memref<32x128xf32, #tpu.memory_space<hbm>>
    tpu.enqueue_dma source(%dma_start3A_236 : memref<32x128xf32, #tpu.memory_space<hbm>>) target(%dma_start3A_234 : memref<32x128xf32, #tpu.memory_space<vmem>>) target_semaphore(%arg10 : memref<!tpu.dma_semaphore, #tpu.memory_space<semaphore_mem>>)
    %slice3A_237 = vector.extract_strided_slice %get3A_173 {offsets = [3], sizes = [1], strides = [1]} : vector<16xi32> to vector<1xi32>
    %squeeze3A_238 = vector.extract %slice3A_237[0] : i32 from vector<1xi32>
    %shift_right_arithmetic3A_239 = arith.constant 7 : i32
    %shift_right_arithmetic3A_240 = arith.shrsi %squeeze3A_238, %shift_right_arithmetic3A_239 : i32
    %mul3A_241 = arith.constant 128 : i32
    %mul3A_242 = arith.muli %shift_right_arithmetic3A_240, %mul3A_241 : i32
    %multiple_of3A_243 = tpu.assume_multiple %mul3A_242, 128 : i32
    %dma_start3A_244 = arith.constant 2 : i32
    %dma_start3A_245 = arith.constant 3 : i32
    %dma_start3A_246 = arith.constant 0 : i32
    %dma_start3A_247 = arith.constant 0 : i32
    %dma_start3A_248 = tpu.memref_slice %arg6[%dma_start3A_244, %dma_start3A_245, %dma_start3A_246, %dma_start3A_247] : memref<4x4x32x128xf32, #tpu.memory_space<vmem>> -> memref<1x1x32x128xf32, #tpu.memory_space<vmem>>
    %dma_start3A_249 = tpu.memref_squeeze %dma_start3A_248 : memref<1x1x32x128xf32, #tpu.memory_space<vmem>> -> memref<32x128xf32, #tpu.memory_space<vmem>>
    %dma_start3A_250 = arith.constant 0 : i32
    %dma_start3A_251 = tpu.memref_slice %arg3[%dma_start3A_250, %multiple_of3A_243] : memref<32x1000000xf32, #tpu.memory_space<hbm>> -> memref<32x128xf32, #tpu.memory_space<hbm>>
    %dma_start3A_252 = arith.constant 0 : i32
    %dma_start3A_253 = arith.constant 0 : i32
    %dma_start3A_254 = tpu.memref_slice %arg6[%dma_start3A_244, %dma_start3A_245, %dma_start3A_252, %dma_start3A_253] : memref<4x4x32x128xf32, #tpu.memory_space<vmem>> -> memref<1x1x32x128xf32, #tpu.memory_space<vmem>>
    %dma_start3A_255 = tpu.memref_squeeze %dma_start3A_254 : memref<1x1x32x128xf32, #tpu.memory_space<vmem>> -> memref<32x128xf32, #tpu.memory_space<vmem>>
    %dma_start3A_256 = arith.constant 0 : i32
    %dma_start3A_257 = tpu.memref_slice %arg3[%dma_start3A_256, %multiple_of3A_243] : memref<32x1000000xf32, #tpu.memory_space<hbm>> -> memref<32x128xf32, #tpu.memory_space<hbm>>
    tpu.enqueue_dma source(%dma_start3A_257 : memref<32x128xf32, #tpu.memory_space<hbm>>) target(%dma_start3A_255 : memref<32x128xf32, #tpu.memory_space<vmem>>) target_semaphore(%arg10 : memref<!tpu.dma_semaphore, #tpu.memory_space<semaphore_mem>>)
    %scan3A = arith.constant 0 : i32
    %scan3A_258 = arith.constant 0 : i32
    %scan3A_259 = arith.constant 31 : i32
    %scan3A_260 = arith.addi %scan3A_258, %scan3A_259 : i32
    %scan3A_261 = arith.constant 1 : i32
    scf.for %scan3A_945 = %scan3A_258 to %scan3A_260 step %scan3A_261  : i32 {
      %mul3A_946 = arith.constant 4 : i32
      %mul3A_947 = arith.muli %mul3A_946, %scan3A_945 : i32
      %add3A_948 = arith.constant 0 : i32
      %add3A_949 = arith.addi %mul3A_947, %add3A_948 : i32
      %add3A_950 = arith.constant 4 : i32
      %add3A_951 = arith.addi %add3A_949, %add3A_950 : i32
      %sub3A = arith.constant 1 : i32
      %sub3A_952 = arith.subi %add3A_951, %sub3A : i32
      %mul3A_953 = arith.constant 4 : i32
      %mul3A_954 = arith.muli %sub3A_952, %mul3A_953 : i32
      %get3A_955 = arith.index_cast %mul3A_954 : i32 to index
      %get3A_956 = tpu.vector_load %arg5[%get3A_955] {strides = array<i32>} : memref<528xi32, #tpu.memory_space<vmem>>, vector<16xi32>,
      %slice3A_957 = vector.extract_strided_slice %get3A_956 {offsets = [0], sizes = [1], strides = [1]} : vector<16xi32> to vector<1xi32>
      %squeeze3A_958 = vector.extract %slice3A_957[0] : i32 from vector<1xi32>
      %shift_right_arithmetic3A_959 = arith.constant 7 : i32
      %shift_right_arithmetic3A_960 = arith.shrsi %squeeze3A_958, %shift_right_arithmetic3A_959 : i32
      %mul3A_961 = arith.constant 128 : i32
      %mul3A_962 = arith.muli %shift_right_arithmetic3A_960, %mul3A_961 : i32
      %multiple_of3A_963 = tpu.assume_multiple %mul3A_962, 128 : i32
      %dma_start3A_964 = arith.constant 3 : i32
      %dma_start3A_965 = arith.constant 0 : i32
      %dma_start3A_966 = arith.constant 0 : i32
      %dma_start3A_967 = arith.constant 0 : i32
      %dma_start3A_968 = tpu.memref_slice %arg6[%dma_start3A_964, %dma_start3A_965, %dma_start3A_966, %dma_start3A_967] : memref<4x4x32x128xf32, #tpu.memory_space<vmem>> -> memref<1x1x32x128xf32, #tpu.memory_space<vmem>>
      %dma_start3A_969 = tpu.memref_squeeze %dma_start3A_968 : memref<1x1x32x128xf32, #tpu.memory_space<vmem>> -> memref<32x128xf32, #tpu.memory_space<vmem>>
      %dma_start3A_970 = arith.constant 0 : i32
      %dma_start3A_971 = tpu.memref_slice %arg3[%dma_start3A_970, %multiple_of3A_963] : memref<32x1000000xf32, #tpu.memory_space<hbm>> -> memref<32x128xf32, #tpu.memory_space<hbm>>
      %dma_start3A_972 = arith.constant 0 : i32
      %dma_start3A_973 = arith.constant 0 : i32
      %dma_start3A_974 = tpu.memref_slice %arg6[%dma_start3A_964, %dma_start3A_965, %dma_start3A_972, %dma_start3A_973] : memref<4x4x32x128xf32, #tpu.memory_space<vmem>> -> memref<1x1x32x128xf32, #tpu.memory_space<vmem>>
      %dma_start3A_975 = tpu.memref_squeeze %dma_start3A_974 : memref<1x1x32x128xf32, #tpu.memory_space<vmem>> -> memref<32x128xf32, #tpu.memory_space<vmem>>
      %dma_start3A_976 = arith.constant 0 : i32
      %dma_start3A_977 = tpu.memref_slice %arg3[%dma_start3A_976, %multiple_of3A_963] : memref<32x1000000xf32, #tpu.memory_space<hbm>> -> memref<32x128xf32, #tpu.memory_space<hbm>>
      tpu.enqueue_dma source(%dma_start3A_977 : memref<32x128xf32, #tpu.memory_space<hbm>>) target(%dma_start3A_975 : memref<32x128xf32, #tpu.memory_space<vmem>>) target_semaphore(%arg11 : memref<!tpu.dma_semaphore, #tpu.memory_space<semaphore_mem>>)
      %slice3A_978 = vector.extract_strided_slice %get3A_956 {offsets = [1], sizes = [1], strides = [1]} : vector<16xi32> to vector<1xi32>
      %squeeze3A_979 = vector.extract %slice3A_978[0] : i32 from vector<1xi32>
      %shift_right_arithmetic3A_980 = arith.constant 7 : i32
      %shift_right_arithmetic3A_981 = arith.shrsi %squeeze3A_979, %shift_right_arithmetic3A_980 : i32
      %mul3A_982 = arith.constant 128 : i32
      %mul3A_983 = arith.muli %shift_right_arithmetic3A_981, %mul3A_982 : i32
      %multiple_of3A_984 = tpu.assume_multiple %mul3A_983, 128 : i32
      %dma_start3A_985 = arith.constant 3 : i32
      %dma_start3A_986 = arith.constant 1 : i32
      %dma_start3A_987 = arith.constant 0 : i32
      %dma_start3A_988 = arith.constant 0 : i32
      %dma_start3A_989 = tpu.memref_slice %arg6[%dma_start3A_985, %dma_start3A_986, %dma_start3A_987, %dma_start3A_988] : memref<4x4x32x128xf32, #tpu.memory_space<vmem>> -> memref<1x1x32x128xf32, #tpu.memory_space<vmem>>
      %dma_start3A_990 = tpu.memref_squeeze %dma_start3A_989 : memref<1x1x32x128xf32, #tpu.memory_space<vmem>> -> memref<32x128xf32, #tpu.memory_space<vmem>>
      %dma_start3A_991 = arith.constant 0 : i32
      %dma_start3A_992 = tpu.memref_slice %arg3[%dma_start3A_991, %multiple_of3A_984] : memref<32x1000000xf32, #tpu.memory_space<hbm>> -> memref<32x128xf32, #tpu.memory_space<hbm>>
      %dma_start3A_993 = arith.constant 0 : i32
      %dma_start3A_994 = arith.constant 0 : i32
      %dma_start3A_995 = tpu.memref_slice %arg6[%dma_start3A_985, %dma_start3A_986, %dma_start3A_993, %dma_start3A_994] : memref<4x4x32x128xf32, #tpu.memory_space<vmem>> -> memref<1x1x32x128xf32, #tpu.memory_space<vmem>>
      %dma_start3A_996 = tpu.memref_squeeze %dma_start3A_995 : memref<1x1x32x128xf32, #tpu.memory_space<vmem>> -> memref<32x128xf32, #tpu.memory_space<vmem>>
      %dma_start3A_997 = arith.constant 0 : i32
      %dma_start3A_998 = tpu.memref_slice %arg3[%dma_start3A_997, %multiple_of3A_984] : memref<32x1000000xf32, #tpu.memory_space<hbm>> -> memref<32x128xf32, #tpu.memory_space<hbm>>
      tpu.enqueue_dma source(%dma_start3A_998 : memref<32x128xf32, #tpu.memory_space<hbm>>) target(%dma_start3A_996 : memref<32x128xf32, #tpu.memory_space<vmem>>) target_semaphore(%arg11 : memref<!tpu.dma_semaphore, #tpu.memory_space<semaphore_mem>>)
      %slice3A_999 = vector.extract_strided_slice %get3A_956 {offsets = [2], sizes = [1], strides = [1]} : vector<16xi32> to vector<1xi32>
      %squeeze3A_1000 = vector.extract %slice3A_999[0] : i32 from vector<1xi32>
      %shift_right_arithmetic3A_1001 = arith.constant 7 : i32
      %shift_right_arithmetic3A_1002 = arith.shrsi %squeeze3A_1000, %shift_right_arithmetic3A_1001 : i32
      %mul3A_1003 = arith.constant 128 : i32
      %mul3A_1004 = arith.muli %shift_right_arithmetic3A_1002, %mul3A_1003 : i32
      %multiple_of3A_1005 = tpu.assume_multiple %mul3A_1004, 128 : i32
      %dma_start3A_1006 = arith.constant 3 : i32
      %dma_start3A_1007 = arith.constant 2 : i32
      %dma_start3A_1008 = arith.constant 0 : i32
      %dma_start3A_1009 = arith.constant 0 : i32
      %dma_start3A_1010 = tpu.memref_slice %arg6[%dma_start3A_1006, %dma_start3A_1007, %dma_start3A_1008, %dma_start3A_1009] : memref<4x4x32x128xf32, #tpu.memory_space<vmem>> -> memref<1x1x32x128xf32, #tpu.memory_space<vmem>>
      %dma_start3A_1011 = tpu.memref_squeeze %dma_start3A_1010 : memref<1x1x32x128xf32, #tpu.memory_space<vmem>> -> memref<32x128xf32, #tpu.memory_space<vmem>>
      %dma_start3A_1012 = arith.constant 0 : i32
      %dma_start3A_1013 = tpu.memref_slice %arg3[%dma_start3A_1012, %multiple_of3A_1005] : memref<32x1000000xf32, #tpu.memory_space<hbm>> -> memref<32x128xf32, #tpu.memory_space<hbm>>
      %dma_start3A_1014 = arith.constant 0 : i32
      %dma_start3A_1015 = arith.constant 0 : i32
      %dma_start3A_1016 = tpu.memref_slice %arg6[%dma_start3A_1006, %dma_start3A_1007, %dma_start3A_1014, %dma_start3A_1015] : memref<4x4x32x128xf32, #tpu.memory_space<vmem>> -> memref<1x1x32x128xf32, #tpu.memory_space<vmem>>
      %dma_start3A_1017 = tpu.memref_squeeze %dma_start3A_1016 : memref<1x1x32x128xf32, #tpu.memory_space<vmem>> -> memref<32x128xf32, #tpu.memory_space<vmem>>
      %dma_start3A_1018 = arith.constant 0 : i32
      %dma_start3A_1019 = tpu.memref_slice %arg3[%dma_start3A_1018, %multiple_of3A_1005] : memref<32x1000000xf32, #tpu.memory_space<hbm>> -> memref<32x128xf32, #tpu.memory_space<hbm>>
      tpu.enqueue_dma source(%dma_start3A_1019 : memref<32x128xf32, #tpu.memory_space<hbm>>) target(%dma_start3A_1017 : memref<32x128xf32, #tpu.memory_space<vmem>>) target_semaphore(%arg11 : memref<!tpu.dma_semaphore, #tpu.memory_space<semaphore_mem>>)
      %slice3A_1020 = vector.extract_strided_slice %get3A_956 {offsets = [3], sizes = [1], strides = [1]} : vector<16xi32> to vector<1xi32>
      %squeeze3A_1021 = vector.extract %slice3A_1020[0] : i32 from vector<1xi32>
      %shift_right_arithmetic3A_1022 = arith.constant 7 : i32
      %shift_right_arithmetic3A_1023 = arith.shrsi %squeeze3A_1021, %shift_right_arithmetic3A_1022 : i32
      %mul3A_1024 = arith.constant 128 : i32
      %mul3A_1025 = arith.muli %shift_right_arithmetic3A_1023, %mul3A_1024 : i32
      %multiple_of3A_1026 = tpu.assume_multiple %mul3A_1025, 128 : i32
      %dma_start3A_1027 = arith.constant 3 : i32
      %dma_start3A_1028 = arith.constant 3 : i32
      %dma_start3A_1029 = arith.constant 0 : i32
      %dma_start3A_1030 = arith.constant 0 : i32
      %dma_start3A_1031 = tpu.memref_slice %arg6[%dma_start3A_1027, %dma_start3A_1028, %dma_start3A_1029, %dma_start3A_1030] : memref<4x4x32x128xf32, #tpu.memory_space<vmem>> -> memref<1x1x32x128xf32, #tpu.memory_space<vmem>>
      %dma_start3A_1032 = tpu.memref_squeeze %dma_start3A_1031 : memref<1x1x32x128xf32, #tpu.memory_space<vmem>> -> memref<32x128xf32, #tpu.memory_space<vmem>>
      %dma_start3A_1033 = arith.constant 0 : i32
      %dma_start3A_1034 = tpu.memref_slice %arg3[%dma_start3A_1033, %multiple_of3A_1026] : memref<32x1000000xf32, #tpu.memory_space<hbm>> -> memref<32x128xf32, #tpu.memory_space<hbm>>
      %dma_start3A_1035 = arith.constant 0 : i32
      %dma_start3A_1036 = arith.constant 0 : i32
      %dma_start3A_1037 = tpu.memref_slice %arg6[%dma_start3A_1027, %dma_start3A_1028, %dma_start3A_1035, %dma_start3A_1036] : memref<4x4x32x128xf32, #tpu.memory_space<vmem>> -> memref<1x1x32x128xf32, #tpu.memory_space<vmem>>
      %dma_start3A_1038 = tpu.memref_squeeze %dma_start3A_1037 : memref<1x1x32x128xf32, #tpu.memory_space<vmem>> -> memref<32x128xf32, #tpu.memory_space<vmem>>
      %dma_start3A_1039 = arith.constant 0 : i32
      %dma_start3A_1040 = tpu.memref_slice %arg3[%dma_start3A_1039, %multiple_of3A_1026] : memref<32x1000000xf32, #tpu.memory_space<hbm>> -> memref<32x128xf32, #tpu.memory_space<hbm>>
      tpu.enqueue_dma source(%dma_start3A_1040 : memref<32x128xf32, #tpu.memory_space<hbm>>) target(%dma_start3A_1038 : memref<32x128xf32, #tpu.memory_space<vmem>>) target_semaphore(%arg11 : memref<!tpu.dma_semaphore, #tpu.memory_space<semaphore_mem>>)
      %dma_wait3A_1041 = arith.constant 0 : i32
      %dma_wait3A_1042 = arith.constant 0 : i32
      %dma_wait3A_1043 = arith.constant 0 : i32
      %dma_wait3A_1044 = arith.constant 0 : i32
      %dma_wait3A_1045 = tpu.memref_slice %arg6[%dma_wait3A_1041, %dma_wait3A_1042, %dma_wait3A_1043, %dma_wait3A_1044] : memref<4x4x32x128xf32, #tpu.memory_space<vmem>> -> memref<1x1x32x128xf32, #tpu.memory_space<vmem>>
      %dma_wait3A_1046 = tpu.memref_squeeze %dma_wait3A_1045 : memref<1x1x32x128xf32, #tpu.memory_space<vmem>> -> memref<32x128xf32, #tpu.memory_space<vmem>>
      %dma_wait3A_1047 = arith.constant 0 : i32
      %dma_wait3A_1048 = arith.constant 0 : i32
      %dma_wait3A_1049 = tpu.memref_slice %arg3[%dma_wait3A_1047, %dma_wait3A_1048] : memref<32x1000000xf32, #tpu.memory_space<hbm>> -> memref<32x128xf32, #tpu.memory_space<hbm>>
      %dma_wait3A_1050 = arith.constant 0 : i32
      %dma_wait3A_1051 = arith.constant 0 : i32
      %dma_wait3A_1052 = tpu.memref_slice %arg6[%dma_wait3A_1041, %dma_wait3A_1042, %dma_wait3A_1050, %dma_wait3A_1051] : memref<4x4x32x128xf32, #tpu.memory_space<vmem>> -> memref<1x1x32x128xf32, #tpu.memory_space<vmem>>
      %dma_wait3A_1053 = tpu.memref_squeeze %dma_wait3A_1052 : memref<1x1x32x128xf32, #tpu.memory_space<vmem>> -> memref<32x128xf32, #tpu.memory_space<vmem>>
      %dma_wait3A_1054 = arith.constant 0 : i32
      %dma_wait3A_1055 = arith.constant 0 : i32
      %dma_wait3A_1056 = tpu.memref_slice %arg3[%dma_wait3A_1054, %dma_wait3A_1055] : memref<32x1000000xf32, #tpu.memory_space<hbm>> -> memref<32x128xf32, #tpu.memory_space<hbm>>
      tpu.wait_dma2 semaphore(%arg8 : memref<!tpu.dma_semaphore, #tpu.memory_space<semaphore_mem>>) src(%dma_wait3A_1056 : memref<32x128xf32, #tpu.memory_space<hbm>>) dst(%dma_wait3A_1053 : memref<32x128xf32, #tpu.memory_space<vmem>>)
      %dma_wait3A_1057 = arith.constant 0 : i32
      %dma_wait3A_1058 = arith.constant 1 : i32
      %dma_wait3A_1059 = arith.constant 0 : i32
      %dma_wait3A_1060 = arith.constant 0 : i32
      %dma_wait3A_1061 = tpu.memref_slice %arg6[%dma_wait3A_1057, %dma_wait3A_1058, %dma_wait3A_1059, %dma_wait3A_1060] : memref<4x4x32x128xf32, #tpu.memory_space<vmem>> -> memref<1x1x32x128xf32, #tpu.memory_space<vmem>>
      %dma_wait3A_1062 = tpu.memref_squeeze %dma_wait3A_1061 : memref<1x1x32x128xf32, #tpu.memory_space<vmem>> -> memref<32x128xf32, #tpu.memory_space<vmem>>
      %dma_wait3A_1063 = arith.constant 0 : i32
      %dma_wait3A_1064 = arith.constant 0 : i32
      %dma_wait3A_1065 = tpu.memref_slice %arg3[%dma_wait3A_1063, %dma_wait3A_1064] : memref<32x1000000xf32, #tpu.memory_space<hbm>> -> memref<32x128xf32, #tpu.memory_space<hbm>>
      %dma_wait3A_1066 = arith.constant 0 : i32
      %dma_wait3A_1067 = arith.constant 0 : i32
      %dma_wait3A_1068 = tpu.memref_slice %arg6[%dma_wait3A_1057, %dma_wait3A_1058, %dma_wait3A_1066, %dma_wait3A_1067] : memref<4x4x32x128xf32, #tpu.memory_space<vmem>> -> memref<1x1x32x128xf32, #tpu.memory_space<vmem>>
      %dma_wait3A_1069 = tpu.memref_squeeze %dma_wait3A_1068 : memref<1x1x32x128xf32, #tpu.memory_space<vmem>> -> memref<32x128xf32, #tpu.memory_space<vmem>>
      %dma_wait3A_1070 = arith.constant 0 : i32
      %dma_wait3A_1071 = arith.constant 0 : i32
      %dma_wait3A_1072 = tpu.memref_slice %arg3[%dma_wait3A_1070, %dma_wait3A_1071] : memref<32x1000000xf32, #tpu.memory_space<hbm>> -> memref<32x128xf32, #tpu.memory_space<hbm>>
      tpu.wait_dma2 semaphore(%arg8 : memref<!tpu.dma_semaphore, #tpu.memory_space<semaphore_mem>>) src(%dma_wait3A_1072 : memref<32x128xf32, #tpu.memory_space<hbm>>) dst(%dma_wait3A_1069 : memref<32x128xf32, #tpu.memory_space<vmem>>)
      %dma_wait3A_1073 = arith.constant 0 : i32
      %dma_wait3A_1074 = arith.constant 2 : i32
      %dma_wait3A_1075 = arith.constant 0 : i32
      %dma_wait3A_1076 = arith.constant 0 : i32
      %dma_wait3A_1077 = tpu.memref_slice %arg6[%dma_wait3A_1073, %dma_wait3A_1074, %dma_wait3A_1075, %dma_wait3A_1076] : memref<4x4x32x128xf32, #tpu.memory_space<vmem>> -> memref<1x1x32x128xf32, #tpu.memory_space<vmem>>
      %dma_wait3A_1078 = tpu.memref_squeeze %dma_wait3A_1077 : memref<1x1x32x128xf32, #tpu.memory_space<vmem>> -> memref<32x128xf32, #tpu.memory_space<vmem>>
      %dma_wait3A_1079 = arith.constant 0 : i32
      %dma_wait3A_1080 = arith.constant 0 : i32
      %dma_wait3A_1081 = tpu.memref_slice %arg3[%dma_wait3A_1079, %dma_wait3A_1080] : memref<32x1000000xf32, #tpu.memory_space<hbm>> -> memref<32x128xf32, #tpu.memory_space<hbm>>
      %dma_wait3A_1082 = arith.constant 0 : i32
      %dma_wait3A_1083 = arith.constant 0 : i32
      %dma_wait3A_1084 = tpu.memref_slice %arg6[%dma_wait3A_1073, %dma_wait3A_1074, %dma_wait3A_1082, %dma_wait3A_1083] : memref<4x4x32x128xf32, #tpu.memory_space<vmem>> -> memref<1x1x32x128xf32, #tpu.memory_space<vmem>>
      %dma_wait3A_1085 = tpu.memref_squeeze %dma_wait3A_1084 : memref<1x1x32x128xf32, #tpu.memory_space<vmem>> -> memref<32x128xf32, #tpu.memory_space<vmem>>
      %dma_wait3A_1086 = arith.constant 0 : i32
      %dma_wait3A_1087 = arith.constant 0 : i32
      %dma_wait3A_1088 = tpu.memref_slice %arg3[%dma_wait3A_1086, %dma_wait3A_1087] : memref<32x1000000xf32, #tpu.memory_space<hbm>> -> memref<32x128xf32, #tpu.memory_space<hbm>>
      tpu.wait_dma2 semaphore(%arg8 : memref<!tpu.dma_semaphore, #tpu.memory_space<semaphore_mem>>) src(%dma_wait3A_1088 : memref<32x128xf32, #tpu.memory_space<hbm>>) dst(%dma_wait3A_1085 : memref<32x128xf32, #tpu.memory_space<vmem>>)
      %dma_wait3A_1089 = arith.constant 0 : i32
      %dma_wait3A_1090 = arith.constant 3 : i32
      %dma_wait3A_1091 = arith.constant 0 : i32
      %dma_wait3A_1092 = arith.constant 0 : i32
      %dma_wait3A_1093 = tpu.memref_slice %arg6[%dma_wait3A_1089, %dma_wait3A_1090, %dma_wait3A_1091, %dma_wait3A_1092] : memref<4x4x32x128xf32, #tpu.memory_space<vmem>> -> memref<1x1x32x128xf32, #tpu.memory_space<vmem>>
      %dma_wait3A_1094 = tpu.memref_squeeze %dma_wait3A_1093 : memref<1x1x32x128xf32, #tpu.memory_space<vmem>> -> memref<32x128xf32, #tpu.memory_space<vmem>>
      %dma_wait3A_1095 = arith.constant 0 : i32
      %dma_wait3A_1096 = arith.constant 0 : i32
      %dma_wait3A_1097 = tpu.memref_slice %arg3[%dma_wait3A_1095, %dma_wait3A_1096] : memref<32x1000000xf32, #tpu.memory_space<hbm>> -> memref<32x128xf32, #tpu.memory_space<hbm>>
      %dma_wait3A_1098 = arith.constant 0 : i32
      %dma_wait3A_1099 = arith.constant 0 : i32
      %dma_wait3A_1100 = tpu.memref_slice %arg6[%dma_wait3A_1089, %dma_wait3A_1090, %dma_wait3A_1098, %dma_wait3A_1099] : memref<4x4x32x128xf32, #tpu.memory_space<vmem>> -> memref<1x1x32x128xf32, #tpu.memory_space<vmem>>
      %dma_wait3A_1101 = tpu.memref_squeeze %dma_wait3A_1100 : memref<1x1x32x128xf32, #tpu.memory_space<vmem>> -> memref<32x128xf32, #tpu.memory_space<vmem>>
      %dma_wait3A_1102 = arith.constant 0 : i32
      %dma_wait3A_1103 = arith.constant 0 : i32
      %dma_wait3A_1104 = tpu.memref_slice %arg3[%dma_wait3A_1102, %dma_wait3A_1103] : memref<32x1000000xf32, #tpu.memory_space<hbm>> -> memref<32x128xf32, #tpu.memory_space<hbm>>
      tpu.wait_dma2 semaphore(%arg8 : memref<!tpu.dma_semaphore, #tpu.memory_space<semaphore_mem>>) src(%dma_wait3A_1104 : memref<32x128xf32, #tpu.memory_space<hbm>>) dst(%dma_wait3A_1101 : memref<32x128xf32, #tpu.memory_space<vmem>>)
      %mul3A_1105 = arith.constant 4 : i32
      %mul3A_1106 = arith.muli %add3A_949, %mul3A_1105 : i32
      %get3A_1107 = arith.index_cast %mul3A_1106 : i32 to index
      %get3A_1108 = tpu.vector_load %arg5[%get3A_1107] {strides = array<i32>} : memref<528xi32, #tpu.memory_space<vmem>>, vector<16xi32>,
      %slice3A_1109 = vector.extract_strided_slice %get3A_1108 {offsets = [0], sizes = [1], strides = [1]} : vector<16xi32> to vector<1xi32>
      %squeeze3A_1110 = vector.extract %slice3A_1109[0] : i32 from vector<1xi32>
      %and3A_1111 = arith.constant 127 : i32
      %and3A_1112 = arith.andi %squeeze3A_1110, %and3A_1111 : i32
      %broadcast_in_dim3A_1113 = vector.broadcast %and3A_1112 : i32 to vector<16xi32>
      %mul3A_1114 = arith.constant 4 : i32
      %mul3A_1115 = arith.muli %add3A_949, %mul3A_1114 : i32
      %add3A_1116 = arith.constant 0 : i32
      %add3A_1117 = arith.addi %mul3A_1115, %add3A_1116 : i32
      %broadcast_in_dim3A_1118 = vector.broadcast %add3A_1117 : i32 to vector<16xi32>
      %gather3A_1119 = arith.constant 0 : i32
      %gather3A_1120 = arith.constant 0 : i32
      %gather3A_1121 = arith.constant 0 : i32
      %gather3A_1122 = arith.constant 0 : i32
      %gather3A_1123 = tpu.memref_slice %arg6[%gather3A_1119, %gather3A_1120, %gather3A_1121, %gather3A_1122] : memref<4x4x32x128xf32, #tpu.memory_space<vmem>> -> memref<1x1x32x128xf32, #tpu.memory_space<vmem>>
      %gather3A_1124 = tpu.memref_squeeze %gather3A_1123 : memref<1x1x32x128xf32, #tpu.memory_space<vmem>> -> memref<32x128xf32, #tpu.memory_space<vmem>>
      %gather3A_1125 = tpu.vector_load_idx %gather3A_1124[%iota3A, %broadcast_in_dim3A_1113] : memref<32x128xf32, #tpu.memory_space<vmem>>[vector<16xi32>, vector<16xi32>], vector<16xf32>,
      %gather3A_1126 = arith.constant 0 : i32
      %gather3A_1127 = arith.constant 0 : i32
      %gather3A_1128 = arith.constant 0 : i32
      %gather3A_1129 = arith.constant 0 : i32
      %gather3A_1130 = tpu.memref_slice %arg6[%gather3A_1126, %gather3A_1127, %gather3A_1128, %gather3A_1129] : memref<4x4x32x128xf32, #tpu.memory_space<vmem>> -> memref<1x1x32x128xf32, #tpu.memory_space<vmem>>
      %gather3A_1131 = tpu.memref_squeeze %gather3A_1130 : memref<1x1x32x128xf32, #tpu.memory_space<vmem>> -> memref<32x128xf32, #tpu.memory_space<vmem>>
      %gather3A_1132 = tpu.vector_load_idx %gather3A_1131[%add3A_5, %broadcast_in_dim3A_1113] : memref<32x128xf32, #tpu.memory_space<vmem>>[vector<16xi32>, vector<16xi32>], vector<16xf32>,
      tpu.vector_store_idx %arg7[%iota3A, %broadcast_in_dim3A_1118], %gather3A_1125 : memref<32x512xf32, #tpu.memory_space<vmem>>[vector<16xi32>, vector<16xi32>], vector<16xf32>,
      tpu.vector_store_idx %arg7[%add3A_5, %broadcast_in_dim3A_1118], %gather3A_1132 : memref<32x512xf32, #tpu.memory_space<vmem>>[vector<16xi32>, vector<16xi32>], vector<16xf32>,
      %slice3A_1133 = vector.extract_strided_slice %get3A_1108 {offsets = [1], sizes = [1], strides = [1]} : vector<16xi32> to vector<1xi32>
      %squeeze3A_1134 = vector.extract %slice3A_1133[0] : i32 from vector<1xi32>
      %and3A_1135 = arith.constant 127 : i32
      %and3A_1136 = arith.andi %squeeze3A_1134, %and3A_1135 : i32
      %broadcast_in_dim3A_1137 = vector.broadcast %and3A_1136 : i32 to vector<16xi32>
      %mul3A_1138 = arith.constant 4 : i32
      %mul3A_1139 = arith.muli %add3A_949, %mul3A_1138 : i32
      %add3A_1140 = arith.constant 1 : i32
      %add3A_1141 = arith.addi %mul3A_1139, %add3A_1140 : i32
      %broadcast_in_dim3A_1142 = vector.broadcast %add3A_1141 : i32 to vector<16xi32>
      %gather3A_1143 = arith.constant 0 : i32
      %gather3A_1144 = arith.constant 1 : i32
      %gather3A_1145 = arith.constant 0 : i32
      %gather3A_1146 = arith.constant 0 : i32
      %gather3A_1147 = tpu.memref_slice %arg6[%gather3A_1143, %gather3A_1144, %gather3A_1145, %gather3A_1146] : memref<4x4x32x128xf32, #tpu.memory_space<vmem>> -> memref<1x1x32x128xf32, #tpu.memory_space<vmem>>
      %gather3A_1148 = tpu.memref_squeeze %gather3A_1147 : memref<1x1x32x128xf32, #tpu.memory_space<vmem>> -> memref<32x128xf32, #tpu.memory_space<vmem>>
      %gather3A_1149 = tpu.vector_load_idx %gather3A_1148[%iota3A, %broadcast_in_dim3A_1137] : memref<32x128xf32, #tpu.memory_space<vmem>>[vector<16xi32>, vector<16xi32>], vector<16xf32>,
      %gather3A_1150 = arith.constant 0 : i32
      %gather3A_1151 = arith.constant 1 : i32
      %gather3A_1152 = arith.constant 0 : i32
      %gather3A_1153 = arith.constant 0 : i32
      %gather3A_1154 = tpu.memref_slice %arg6[%gather3A_1150, %gather3A_1151, %gather3A_1152, %gather3A_1153] : memref<4x4x32x128xf32, #tpu.memory_space<vmem>> -> memref<1x1x32x128xf32, #tpu.memory_space<vmem>>
      %gather3A_1155 = tpu.memref_squeeze %gather3A_1154 : memref<1x1x32x128xf32, #tpu.memory_space<vmem>> -> memref<32x128xf32, #tpu.memory_space<vmem>>
      %gather3A_1156 = tpu.vector_load_idx %gather3A_1155[%add3A_5, %broadcast_in_dim3A_1137] : memref<32x128xf32, #tpu.memory_space<vmem>>[vector<16xi32>, vector<16xi32>], vector<16xf32>,
      tpu.vector_store_idx %arg7[%iota3A, %broadcast_in_dim3A_1142], %gather3A_1149 : memref<32x512xf32, #tpu.memory_space<vmem>>[vector<16xi32>, vector<16xi32>], vector<16xf32>,
      tpu.vector_store_idx %arg7[%add3A_5, %broadcast_in_dim3A_1142], %gather3A_1156 : memref<32x512xf32, #tpu.memory_space<vmem>>[vector<16xi32>, vector<16xi32>], vector<16xf32>,
      %slice3A_1157 = vector.extract_strided_slice %get3A_1108 {offsets = [2], sizes = [1], strides = [1]} : vector<16xi32> to vector<1xi32>
      %squeeze3A_1158 = vector.extract %slice3A_1157[0] : i32 from vector<1xi32>
      %and3A_1159 = arith.constant 127 : i32
      %and3A_1160 = arith.andi %squeeze3A_1158, %and3A_1159 : i32
      %broadcast_in_dim3A_1161 = vector.broadcast %and3A_1160 : i32 to vector<16xi32>
      %mul3A_1162 = arith.constant 4 : i32
      %mul3A_1163 = arith.muli %add3A_949, %mul3A_1162 : i32
      %add3A_1164 = arith.constant 2 : i32
      %add3A_1165 = arith.addi %mul3A_1163, %add3A_1164 : i32
      %broadcast_in_dim3A_1166 = vector.broadcast %add3A_1165 : i32 to vector<16xi32>
      %gather3A_1167 = arith.constant 0 : i32
      %gather3A_1168 = arith.constant 2 : i32
      %gather3A_1169 = arith.constant 0 : i32
      %gather3A_1170 = arith.constant 0 : i32
      %gather3A_1171 = tpu.memref_slice %arg6[%gather3A_1167, %gather3A_1168, %gather3A_1169, %gather3A_1170] : memref<4x4x32x128xf32, #tpu.memory_space<vmem>> -> memref<1x1x32x128xf32, #tpu.memory_space<vmem>>
      %gather3A_1172 = tpu.memref_squeeze %gather3A_1171 : memref<1x1x32x128xf32, #tpu.memory_space<vmem>> -> memref<32x128xf32, #tpu.memory_space<vmem>>
      %gather3A_1173 = tpu.vector_load_idx %gather3A_1172[%iota3A, %broadcast_in_dim3A_1161] : memref<32x128xf32, #tpu.memory_space<vmem>>[vector<16xi32>, vector<16xi32>], vector<16xf32>,
      %gather3A_1174 = arith.constant 0 : i32
      %gather3A_1175 = arith.constant 2 : i32
      %gather3A_1176 = arith.constant 0 : i32
      %gather3A_1177 = arith.constant 0 : i32
      %gather3A_1178 = tpu.memref_slice %arg6[%gather3A_1174, %gather3A_1175, %gather3A_1176, %gather3A_1177] : memref<4x4x32x128xf32, #tpu.memory_space<vmem>> -> memref<1x1x32x128xf32, #tpu.memory_space<vmem>>
      %gather3A_1179 = tpu.memref_squeeze %gather3A_1178 : memref<1x1x32x128xf32, #tpu.memory_space<vmem>> -> memref<32x128xf32, #tpu.memory_space<vmem>>
      %gather3A_1180 = tpu.vector_load_idx %gather3A_1179[%add3A_5, %broadcast_in_dim3A_1161] : memref<32x128xf32, #tpu.memory_space<vmem>>[vector<16xi32>, vector<16xi32>], vector<16xf32>,
      tpu.vector_store_idx %arg7[%iota3A, %broadcast_in_dim3A_1166], %gather3A_1173 : memref<32x512xf32, #tpu.memory_space<vmem>>[vector<16xi32>, vector<16xi32>], vector<16xf32>,
      tpu.vector_store_idx %arg7[%add3A_5, %broadcast_in_dim3A_1166], %gather3A_1180 : memref<32x512xf32, #tpu.memory_space<vmem>>[vector<16xi32>, vector<16xi32>], vector<16xf32>,
      %slice3A_1181 = vector.extract_strided_slice %get3A_1108 {offsets = [3], sizes = [1], strides = [1]} : vector<16xi32> to vector<1xi32>
      %squeeze3A_1182 = vector.extract %slice3A_1181[0] : i32 from vector<1xi32>
      %and3A_1183 = arith.constant 127 : i32
      %and3A_1184 = arith.andi %squeeze3A_1182, %and3A_1183 : i32
      %broadcast_in_dim3A_1185 = vector.broadcast %and3A_1184 : i32 to vector<16xi32>
      %mul3A_1186 = arith.constant 4 : i32
      %mul3A_1187 = arith.muli %add3A_949, %mul3A_1186 : i32
      %add3A_1188 = arith.constant 3 : i32
      %add3A_1189 = arith.addi %mul3A_1187, %add3A_1188 : i32
      %broadcast_in_dim3A_1190 = vector.broadcast %add3A_1189 : i32 to vector<16xi32>
      %gather3A_1191 = arith.constant 0 : i32
      %gather3A_1192 = arith.constant 3 : i32
      %gather3A_1193 = arith.constant 0 : i32
      %gather3A_1194 = arith.constant 0 : i32
      %gather3A_1195 = tpu.memref_slice %arg6[%gather3A_1191, %gather3A_1192, %gather3A_1193, %gather3A_1194] : memref<4x4x32x128xf32, #tpu.memory_space<vmem>> -> memref<1x1x32x128xf32, #tpu.memory_space<vmem>>
      %gather3A_1196 = tpu.memref_squeeze %gather3A_1195 : memref<1x1x32x128xf32, #tpu.memory_space<vmem>> -> memref<32x128xf32, #tpu.memory_space<vmem>>
      %gather3A_1197 = tpu.vector_load_idx %gather3A_1196[%iota3A, %broadcast_in_dim3A_1185] : memref<32x128xf32, #tpu.memory_space<vmem>>[vector<16xi32>, vector<16xi32>], vector<16xf32>,
      %gather3A_1198 = arith.constant 0 : i32
      %gather3A_1199 = arith.constant 3 : i32
      %gather3A_1200 = arith.constant 0 : i32
      %gather3A_1201 = arith.constant 0 : i32
      %gather3A_1202 = tpu.memref_slice %arg6[%gather3A_1198, %gather3A_1199, %gather3A_1200, %gather3A_1201] : memref<4x4x32x128xf32, #tpu.memory_space<vmem>> -> memref<1x1x32x128xf32, #tpu.memory_space<vmem>>
      %gather3A_1203 = tpu.memref_squeeze %gather3A_1202 : memref<1x1x32x128xf32, #tpu.memory_space<vmem>> -> memref<32x128xf32, #tpu.memory_space<vmem>>
      %gather3A_1204 = tpu.vector_load_idx %gather3A_1203[%add3A_5, %broadcast_in_dim3A_1185] : memref<32x128xf32, #tpu.memory_space<vmem>>[vector<16xi32>, vector<16xi32>], vector<16xf32>,
      tpu.vector_store_idx %arg7[%iota3A, %broadcast_in_dim3A_1190], %gather3A_1197 : memref<32x512xf32, #tpu.memory_space<vmem>>[vector<16xi32>, vector<16xi32>], vector<16xf32>,
      tpu.vector_store_idx %arg7[%add3A_5, %broadcast_in_dim3A_1190], %gather3A_1204 : memref<32x512xf32, #tpu.memory_space<vmem>>[vector<16xi32>, vector<16xi32>], vector<16xf32>,
      %mul3A_1205 = arith.constant 4 : i32
      %mul3A_1206 = arith.muli %mul3A_1205, %scan3A_945 : i32
      %add3A_1207 = arith.constant 1 : i32
      %add3A_1208 = arith.addi %mul3A_1206, %add3A_1207 : i32
      %add3A_1209 = arith.constant 4 : i32
      %add3A_1210 = arith.addi %add3A_1208, %add3A_1209 : i32
      %sub3A_1211 = arith.constant 1 : i32
      %sub3A_1212 = arith.subi %add3A_1210, %sub3A_1211 : i32
      %mul3A_1213 = arith.constant 4 : i32
      %mul3A_1214 = arith.muli %sub3A_1212, %mul3A_1213 : i32
      %get3A_1215 = arith.index_cast %mul3A_1214 : i32 to index
      %get3A_1216 = tpu.vector_load %arg5[%get3A_1215] {strides = array<i32>} : memref<528xi32, #tpu.memory_space<vmem>>, vector<16xi32>,
      %slice3A_1217 = vector.extract_strided_slice %get3A_1216 {offsets = [0], sizes = [1], strides = [1]} : vector<16xi32> to vector<1xi32>
      %squeeze3A_1218 = vector.extract %slice3A_1217[0] : i32 from vector<1xi32>
      %shift_right_arithmetic3A_1219 = arith.constant 7 : i32
      %shift_right_arithmetic3A_1220 = arith.shrsi %squeeze3A_1218, %shift_right_arithmetic3A_1219 : i32
      %mul3A_1221 = arith.constant 128 : i32
      %mul3A_1222 = arith.muli %shift_right_arithmetic3A_1220, %mul3A_1221 : i32
      %multiple_of3A_1223 = tpu.assume_multiple %mul3A_1222, 128 : i32
      %dma_start3A_1224 = arith.constant 0 : i32
      %dma_start3A_1225 = arith.constant 0 : i32
      %dma_start3A_1226 = arith.constant 0 : i32
      %dma_start3A_1227 = arith.constant 0 : i32
      %dma_start3A_1228 = tpu.memref_slice %arg6[%dma_start3A_1224, %dma_start3A_1225, %dma_start3A_1226, %dma_start3A_1227] : memref<4x4x32x128xf32, #tpu.memory_space<vmem>> -> memref<1x1x32x128xf32, #tpu.memory_space<vmem>>
      %dma_start3A_1229 = tpu.memref_squeeze %dma_start3A_1228 : memref<1x1x32x128xf32, #tpu.memory_space<vmem>> -> memref<32x128xf32, #tpu.memory_space<vmem>>
      %dma_start3A_1230 = arith.constant 0 : i32
      %dma_start3A_1231 = tpu.memref_slice %arg3[%dma_start3A_1230, %multiple_of3A_1223] : memref<32x1000000xf32, #tpu.memory_space<hbm>> -> memref<32x128xf32, #tpu.memory_space<hbm>>
      %dma_start3A_1232 = arith.constant 0 : i32
      %dma_start3A_1233 = arith.constant 0 : i32
      %dma_start3A_1234 = tpu.memref_slice %arg6[%dma_start3A_1224, %dma_start3A_1225, %dma_start3A_1232, %dma_start3A_1233] : memref<4x4x32x128xf32, #tpu.memory_space<vmem>> -> memref<1x1x32x128xf32, #tpu.memory_space<vmem>>
      %dma_start3A_1235 = tpu.memref_squeeze %dma_start3A_1234 : memref<1x1x32x128xf32, #tpu.memory_space<vmem>> -> memref<32x128xf32, #tpu.memory_space<vmem>>
      %dma_start3A_1236 = arith.constant 0 : i32
      %dma_start3A_1237 = tpu.memref_slice %arg3[%dma_start3A_1236, %multiple_of3A_1223] : memref<32x1000000xf32, #tpu.memory_space<hbm>> -> memref<32x128xf32, #tpu.memory_space<hbm>>
      tpu.enqueue_dma source(%dma_start3A_1237 : memref<32x128xf32, #tpu.memory_space<hbm>>) target(%dma_start3A_1235 : memref<32x128xf32, #tpu.memory_space<vmem>>) target_semaphore(%arg8 : memref<!tpu.dma_semaphore, #tpu.memory_space<semaphore_mem>>)
      %slice3A_1238 = vector.extract_strided_slice %get3A_1216 {offsets = [1], sizes = [1], strides = [1]} : vector<16xi32> to vector<1xi32>
      %squeeze3A_1239 = vector.extract %slice3A_1238[0] : i32 from vector<1xi32>
      %shift_right_arithmetic3A_1240 = arith.constant 7 : i32
      %shift_right_arithmetic3A_1241 = arith.shrsi %squeeze3A_1239, %shift_right_arithmetic3A_1240 : i32
      %mul3A_1242 = arith.constant 128 : i32
      %mul3A_1243 = arith.muli %shift_right_arithmetic3A_1241, %mul3A_1242 : i32
      %multiple_of3A_1244 = tpu.assume_multiple %mul3A_1243, 128 : i32
      %dma_start3A_1245 = arith.constant 0 : i32
      %dma_start3A_1246 = arith.constant 1 : i32
      %dma_start3A_1247 = arith.constant 0 : i32
      %dma_start3A_1248 = arith.constant 0 : i32
      %dma_start3A_1249 = tpu.memref_slice %arg6[%dma_start3A_1245, %dma_start3A_1246, %dma_start3A_1247, %dma_start3A_1248] : memref<4x4x32x128xf32, #tpu.memory_space<vmem>> -> memref<1x1x32x128xf32, #tpu.memory_space<vmem>>
      %dma_start3A_1250 = tpu.memref_squeeze %dma_start3A_1249 : memref<1x1x32x128xf32, #tpu.memory_space<vmem>> -> memref<32x128xf32, #tpu.memory_space<vmem>>
      %dma_start3A_1251 = arith.constant 0 : i32
      %dma_start3A_1252 = tpu.memref_slice %arg3[%dma_start3A_1251, %multiple_of3A_1244] : memref<32x1000000xf32, #tpu.memory_space<hbm>> -> memref<32x128xf32, #tpu.memory_space<hbm>>
      %dma_start3A_1253 = arith.constant 0 : i32
      %dma_start3A_1254 = arith.constant 0 : i32
      %dma_start3A_1255 = tpu.memref_slice %arg6[%dma_start3A_1245, %dma_start3A_1246, %dma_start3A_1253, %dma_start3A_1254] : memref<4x4x32x128xf32, #tpu.memory_space<vmem>> -> memref<1x1x32x128xf32, #tpu.memory_space<vmem>>
      %dma_start3A_1256 = tpu.memref_squeeze %dma_start3A_1255 : memref<1x1x32x128xf32, #tpu.memory_space<vmem>> -> memref<32x128xf32, #tpu.memory_space<vmem>>
      %dma_start3A_1257 = arith.constant 0 : i32
      %dma_start3A_1258 = tpu.memref_slice %arg3[%dma_start3A_1257, %multiple_of3A_1244] : memref<32x1000000xf32, #tpu.memory_space<hbm>> -> memref<32x128xf32, #tpu.memory_space<hbm>>
      tpu.enqueue_dma source(%dma_start3A_1258 : memref<32x128xf32, #tpu.memory_space<hbm>>) target(%dma_start3A_1256 : memref<32x128xf32, #tpu.memory_space<vmem>>) target_semaphore(%arg8 : memref<!tpu.dma_semaphore, #tpu.memory_space<semaphore_mem>>)
      %slice3A_1259 = vector.extract_strided_slice %get3A_1216 {offsets = [2], sizes = [1], strides = [1]} : vector<16xi32> to vector<1xi32>
      %squeeze3A_1260 = vector.extract %slice3A_1259[0] : i32 from vector<1xi32>
      %shift_right_arithmetic3A_1261 = arith.constant 7 : i32
      %shift_right_arithmetic3A_1262 = arith.shrsi %squeeze3A_1260, %shift_right_arithmetic3A_1261 : i32
      %mul3A_1263 = arith.constant 128 : i32
      %mul3A_1264 = arith.muli %shift_right_arithmetic3A_1262, %mul3A_1263 : i32
      %multiple_of3A_1265 = tpu.assume_multiple %mul3A_1264, 128 : i32
      %dma_start3A_1266 = arith.constant 0 : i32
      %dma_start3A_1267 = arith.constant 2 : i32
      %dma_start3A_1268 = arith.constant 0 : i32
      %dma_start3A_1269 = arith.constant 0 : i32
      %dma_start3A_1270 = tpu.memref_slice %arg6[%dma_start3A_1266, %dma_start3A_1267, %dma_start3A_1268, %dma_start3A_1269] : memref<4x4x32x128xf32, #tpu.memory_space<vmem>> -> memref<1x1x32x128xf32, #tpu.memory_space<vmem>>
      %dma_start3A_1271 = tpu.memref_squeeze %dma_start3A_1270 : memref<1x1x32x128xf32, #tpu.memory_space<vmem>> -> memref<32x128xf32, #tpu.memory_space<vmem>>
      %dma_start3A_1272 = arith.constant 0 : i32
      %dma_start3A_1273 = tpu.memref_slice %arg3[%dma_start3A_1272, %multiple_of3A_1265] : memref<32x1000000xf32, #tpu.memory_space<hbm>> -> memref<32x128xf32, #tpu.memory_space<hbm>>
      %dma_start3A_1274 = arith.constant 0 : i32
      %dma_start3A_1275 = arith.constant 0 : i32
      %dma_start3A_1276 = tpu.memref_slice %arg6[%dma_start3A_1266, %dma_start3A_1267, %dma_start3A_1274, %dma_start3A_1275] : memref<4x4x32x128xf32, #tpu.memory_space<vmem>> -> memref<1x1x32x128xf32, #tpu.memory_space<vmem>>
      %dma_start3A_1277 = tpu.memref_squeeze %dma_start3A_1276 : memref<1x1x32x128xf32, #tpu.memory_space<vmem>> -> memref<32x128xf32, #tpu.memory_space<vmem>>
      %dma_start3A_1278 = arith.constant 0 : i32
      %dma_start3A_1279 = tpu.memref_slice %arg3[%dma_start3A_1278, %multiple_of3A_1265] : memref<32x1000000xf32, #tpu.memory_space<hbm>> -> memref<32x128xf32, #tpu.memory_space<hbm>>
      tpu.enqueue_dma source(%dma_start3A_1279 : memref<32x128xf32, #tpu.memory_space<hbm>>) target(%dma_start3A_1277 : memref<32x128xf32, #tpu.memory_space<vmem>>) target_semaphore(%arg8 : memref<!tpu.dma_semaphore, #tpu.memory_space<semaphore_mem>>)
      %slice3A_1280 = vector.extract_strided_slice %get3A_1216 {offsets = [3], sizes = [1], strides = [1]} : vector<16xi32> to vector<1xi32>
      %squeeze3A_1281 = vector.extract %slice3A_1280[0] : i32 from vector<1xi32>
      %shift_right_arithmetic3A_1282 = arith.constant 7 : i32
      %shift_right_arithmetic3A_1283 = arith.shrsi %squeeze3A_1281, %shift_right_arithmetic3A_1282 : i32
      %mul3A_1284 = arith.constant 128 : i32
      %mul3A_1285 = arith.muli %shift_right_arithmetic3A_1283, %mul3A_1284 : i32
      %multiple_of3A_1286 = tpu.assume_multiple %mul3A_1285, 128 : i32
      %dma_start3A_1287 = arith.constant 0 : i32
      %dma_start3A_1288 = arith.constant 3 : i32
      %dma_start3A_1289 = arith.constant 0 : i32
      %dma_start3A_1290 = arith.constant 0 : i32
      %dma_start3A_1291 = tpu.memref_slice %arg6[%dma_start3A_1287, %dma_start3A_1288, %dma_start3A_1289, %dma_start3A_1290] : memref<4x4x32x128xf32, #tpu.memory_space<vmem>> -> memref<1x1x32x128xf32, #tpu.memory_space<vmem>>
      %dma_start3A_1292 = tpu.memref_squeeze %dma_start3A_1291 : memref<1x1x32x128xf32, #tpu.memory_space<vmem>> -> memref<32x128xf32, #tpu.memory_space<vmem>>
      %dma_start3A_1293 = arith.constant 0 : i32
      %dma_start3A_1294 = tpu.memref_slice %arg3[%dma_start3A_1293, %multiple_of3A_1286] : memref<32x1000000xf32, #tpu.memory_space<hbm>> -> memref<32x128xf32, #tpu.memory_space<hbm>>
      %dma_start3A_1295 = arith.constant 0 : i32
      %dma_start3A_1296 = arith.constant 0 : i32
      %dma_start3A_1297 = tpu.memref_slice %arg6[%dma_start3A_1287, %dma_start3A_1288, %dma_start3A_1295, %dma_start3A_1296] : memref<4x4x32x128xf32, #tpu.memory_space<vmem>> -> memref<1x1x32x128xf32, #tpu.memory_space<vmem>>
      %dma_start3A_1298 = tpu.memref_squeeze %dma_start3A_1297 : memref<1x1x32x128xf32, #tpu.memory_space<vmem>> -> memref<32x128xf32, #tpu.memory_space<vmem>>
      %dma_start3A_1299 = arith.constant 0 : i32
      %dma_start3A_1300 = tpu.memref_slice %arg3[%dma_start3A_1299, %multiple_of3A_1286] : memref<32x1000000xf32, #tpu.memory_space<hbm>> -> memref<32x128xf32, #tpu.memory_space<hbm>>
      tpu.enqueue_dma source(%dma_start3A_1300 : memref<32x128xf32, #tpu.memory_space<hbm>>) target(%dma_start3A_1298 : memref<32x128xf32, #tpu.memory_space<vmem>>) target_semaphore(%arg8 : memref<!tpu.dma_semaphore, #tpu.memory_space<semaphore_mem>>)
      %dma_wait3A_1301 = arith.constant 1 : i32
      %dma_wait3A_1302 = arith.constant 0 : i32
      %dma_wait3A_1303 = arith.constant 0 : i32
      %dma_wait3A_1304 = arith.constant 0 : i32
      %dma_wait3A_1305 = tpu.memref_slice %arg6[%dma_wait3A_1301, %dma_wait3A_1302, %dma_wait3A_1303, %dma_wait3A_1304] : memref<4x4x32x128xf32, #tpu.memory_space<vmem>> -> memref<1x1x32x128xf32, #tpu.memory_space<vmem>>
      %dma_wait3A_1306 = tpu.memref_squeeze %dma_wait3A_1305 : memref<1x1x32x128xf32, #tpu.memory_space<vmem>> -> memref<32x128xf32, #tpu.memory_space<vmem>>
      %dma_wait3A_1307 = arith.constant 0 : i32
      %dma_wait3A_1308 = arith.constant 0 : i32
      %dma_wait3A_1309 = tpu.memref_slice %arg3[%dma_wait3A_1307, %dma_wait3A_1308] : memref<32x1000000xf32, #tpu.memory_space<hbm>> -> memref<32x128xf32, #tpu.memory_space<hbm>>
      %dma_wait3A_1310 = arith.constant 0 : i32
      %dma_wait3A_1311 = arith.constant 0 : i32
      %dma_wait3A_1312 = tpu.memref_slice %arg6[%dma_wait3A_1301, %dma_wait3A_1302, %dma_wait3A_1310, %dma_wait3A_1311] : memref<4x4x32x128xf32, #tpu.memory_space<vmem>> -> memref<1x1x32x128xf32, #tpu.memory_space<vmem>>
      %dma_wait3A_1313 = tpu.memref_squeeze %dma_wait3A_1312 : memref<1x1x32x128xf32, #tpu.memory_space<vmem>> -> memref<32x128xf32, #tpu.memory_space<vmem>>
      %dma_wait3A_1314 = arith.constant 0 : i32
      %dma_wait3A_1315 = arith.constant 0 : i32
      %dma_wait3A_1316 = tpu.memref_slice %arg3[%dma_wait3A_1314, %dma_wait3A_1315] : memref<32x1000000xf32, #tpu.memory_space<hbm>> -> memref<32x128xf32, #tpu.memory_space<hbm>>
      tpu.wait_dma2 semaphore(%arg9 : memref<!tpu.dma_semaphore, #tpu.memory_space<semaphore_mem>>) src(%dma_wait3A_1316 : memref<32x128xf32, #tpu.memory_space<hbm>>) dst(%dma_wait3A_1313 : memref<32x128xf32, #tpu.memory_space<vmem>>)
      %dma_wait3A_1317 = arith.constant 1 : i32
      %dma_wait3A_1318 = arith.constant 1 : i32
      %dma_wait3A_1319 = arith.constant 0 : i32
      %dma_wait3A_1320 = arith.constant 0 : i32
      %dma_wait3A_1321 = tpu.memref_slice %arg6[%dma_wait3A_1317, %dma_wait3A_1318, %dma_wait3A_1319, %dma_wait3A_1320] : memref<4x4x32x128xf32, #tpu.memory_space<vmem>> -> memref<1x1x32x128xf32, #tpu.memory_space<vmem>>
      %dma_wait3A_1322 = tpu.memref_squeeze %dma_wait3A_1321 : memref<1x1x32x128xf32, #tpu.memory_space<vmem>> -> memref<32x128xf32, #tpu.memory_space<vmem>>
      %dma_wait3A_1323 = arith.constant 0 : i32
      %dma_wait3A_1324 = arith.constant 0 : i32
      %dma_wait3A_1325 = tpu.memref_slice %arg3[%dma_wait3A_1323, %dma_wait3A_1324] : memref<32x1000000xf32, #tpu.memory_space<hbm>> -> memref<32x128xf32, #tpu.memory_space<hbm>>
      %dma_wait3A_1326 = arith.constant 0 : i32
      %dma_wait3A_1327 = arith.constant 0 : i32
      %dma_wait3A_1328 = tpu.memref_slice %arg6[%dma_wait3A_1317, %dma_wait3A_1318, %dma_wait3A_1326, %dma_wait3A_1327] : memref<4x4x32x128xf32, #tpu.memory_space<vmem>> -> memref<1x1x32x128xf32, #tpu.memory_space<vmem>>
      %dma_wait3A_1329 = tpu.memref_squeeze %dma_wait3A_1328 : memref<1x1x32x128xf32, #tpu.memory_space<vmem>> -> memref<32x128xf32, #tpu.memory_space<vmem>>
      %dma_wait3A_1330 = arith.constant 0 : i32
      %dma_wait3A_1331 = arith.constant 0 : i32
      %dma_wait3A_1332 = tpu.memref_slice %arg3[%dma_wait3A_1330, %dma_wait3A_1331] : memref<32x1000000xf32, #tpu.memory_space<hbm>> -> memref<32x128xf32, #tpu.memory_space<hbm>>
      tpu.wait_dma2 semaphore(%arg9 : memref<!tpu.dma_semaphore, #tpu.memory_space<semaphore_mem>>) src(%dma_wait3A_1332 : memref<32x128xf32, #tpu.memory_space<hbm>>) dst(%dma_wait3A_1329 : memref<32x128xf32, #tpu.memory_space<vmem>>)
      %dma_wait3A_1333 = arith.constant 1 : i32
      %dma_wait3A_1334 = arith.constant 2 : i32
      %dma_wait3A_1335 = arith.constant 0 : i32
      %dma_wait3A_1336 = arith.constant 0 : i32
      %dma_wait3A_1337 = tpu.memref_slice %arg6[%dma_wait3A_1333, %dma_wait3A_1334, %dma_wait3A_1335, %dma_wait3A_1336] : memref<4x4x32x128xf32, #tpu.memory_space<vmem>> -> memref<1x1x32x128xf32, #tpu.memory_space<vmem>>
      %dma_wait3A_1338 = tpu.memref_squeeze %dma_wait3A_1337 : memref<1x1x32x128xf32, #tpu.memory_space<vmem>> -> memref<32x128xf32, #tpu.memory_space<vmem>>
      %dma_wait3A_1339 = arith.constant 0 : i32
      %dma_wait3A_1340 = arith.constant 0 : i32
      %dma_wait3A_1341 = tpu.memref_slice %arg3[%dma_wait3A_1339, %dma_wait3A_1340] : memref<32x1000000xf32, #tpu.memory_space<hbm>> -> memref<32x128xf32, #tpu.memory_space<hbm>>
      %dma_wait3A_1342 = arith.constant 0 : i32
      %dma_wait3A_1343 = arith.constant 0 : i32
      %dma_wait3A_1344 = tpu.memref_slice %arg6[%dma_wait3A_1333, %dma_wait3A_1334, %dma_wait3A_1342, %dma_wait3A_1343] : memref<4x4x32x128xf32, #tpu.memory_space<vmem>> -> memref<1x1x32x128xf32, #tpu.memory_space<vmem>>
      %dma_wait3A_1345 = tpu.memref_squeeze %dma_wait3A_1344 : memref<1x1x32x128xf32, #tpu.memory_space<vmem>> -> memref<32x128xf32, #tpu.memory_space<vmem>>
      %dma_wait3A_1346 = arith.constant 0 : i32
      %dma_wait3A_1347 = arith.constant 0 : i32
      %dma_wait3A_1348 = tpu.memref_slice %arg3[%dma_wait3A_1346, %dma_wait3A_1347] : memref<32x1000000xf32, #tpu.memory_space<hbm>> -> memref<32x128xf32, #tpu.memory_space<hbm>>
      tpu.wait_dma2 semaphore(%arg9 : memref<!tpu.dma_semaphore, #tpu.memory_space<semaphore_mem>>) src(%dma_wait3A_1348 : memref<32x128xf32, #tpu.memory_space<hbm>>) dst(%dma_wait3A_1345 : memref<32x128xf32, #tpu.memory_space<vmem>>)
      %dma_wait3A_1349 = arith.constant 1 : i32
      %dma_wait3A_1350 = arith.constant 3 : i32
      %dma_wait3A_1351 = arith.constant 0 : i32
      %dma_wait3A_1352 = arith.constant 0 : i32
      %dma_wait3A_1353 = tpu.memref_slice %arg6[%dma_wait3A_1349, %dma_wait3A_1350, %dma_wait3A_1351, %dma_wait3A_1352] : memref<4x4x32x128xf32, #tpu.memory_space<vmem>> -> memref<1x1x32x128xf32, #tpu.memory_space<vmem>>
      %dma_wait3A_1354 = tpu.memref_squeeze %dma_wait3A_1353 : memref<1x1x32x128xf32, #tpu.memory_space<vmem>> -> memref<32x128xf32, #tpu.memory_space<vmem>>
      %dma_wait3A_1355 = arith.constant 0 : i32
      %dma_wait3A_1356 = arith.constant 0 : i32
      %dma_wait3A_1357 = tpu.memref_slice %arg3[%dma_wait3A_1355, %dma_wait3A_1356] : memref<32x1000000xf32, #tpu.memory_space<hbm>> -> memref<32x128xf32, #tpu.memory_space<hbm>>
      %dma_wait3A_1358 = arith.constant 0 : i32
      %dma_wait3A_1359 = arith.constant 0 : i32
      %dma_wait3A_1360 = tpu.memref_slice %arg6[%dma_wait3A_1349, %dma_wait3A_1350, %dma_wait3A_1358, %dma_wait3A_1359] : memref<4x4x32x128xf32, #tpu.memory_space<vmem>> -> memref<1x1x32x128xf32, #tpu.memory_space<vmem>>
      %dma_wait3A_1361 = tpu.memref_squeeze %dma_wait3A_1360 : memref<1x1x32x128xf32, #tpu.memory_space<vmem>> -> memref<32x128xf32, #tpu.memory_space<vmem>>
      %dma_wait3A_1362 = arith.constant 0 : i32
      %dma_wait3A_1363 = arith.constant 0 : i32
      %dma_wait3A_1364 = tpu.memref_slice %arg3[%dma_wait3A_1362, %dma_wait3A_1363] : memref<32x1000000xf32, #tpu.memory_space<hbm>> -> memref<32x128xf32, #tpu.memory_space<hbm>>
      tpu.wait_dma2 semaphore(%arg9 : memref<!tpu.dma_semaphore, #tpu.memory_space<semaphore_mem>>) src(%dma_wait3A_1364 : memref<32x128xf32, #tpu.memory_space<hbm>>) dst(%dma_wait3A_1361 : memref<32x128xf32, #tpu.memory_space<vmem>>)
      %mul3A_1365 = arith.constant 4 : i32
      %mul3A_1366 = arith.muli %add3A_1208, %mul3A_1365 : i32
      %get3A_1367 = arith.index_cast %mul3A_1366 : i32 to index
      %get3A_1368 = tpu.vector_load %arg5[%get3A_1367] {strides = array<i32>} : memref<528xi32, #tpu.memory_space<vmem>>, vector<16xi32>,
      %slice3A_1369 = vector.extract_strided_slice %get3A_1368 {offsets = [0], sizes = [1], strides = [1]} : vector<16xi32> to vector<1xi32>
      %squeeze3A_1370 = vector.extract %slice3A_1369[0] : i32 from vector<1xi32>
      %and3A_1371 = arith.constant 127 : i32
      %and3A_1372 = arith.andi %squeeze3A_1370, %and3A_1371 : i32
      %broadcast_in_dim3A_1373 = vector.broadcast %and3A_1372 : i32 to vector<16xi32>
      %mul3A_1374 = arith.constant 4 : i32
      %mul3A_1375 = arith.muli %add3A_1208, %mul3A_1374 : i32
      %add3A_1376 = arith.constant 0 : i32
      %add3A_1377 = arith.addi %mul3A_1375, %add3A_1376 : i32
      %broadcast_in_dim3A_1378 = vector.broadcast %add3A_1377 : i32 to vector<16xi32>
      %gather3A_1379 = arith.constant 1 : i32
      %gather3A_1380 = arith.constant 0 : i32
      %gather3A_1381 = arith.constant 0 : i32
      %gather3A_1382 = arith.constant 0 : i32
      %gather3A_1383 = tpu.memref_slice %arg6[%gather3A_1379, %gather3A_1380, %gather3A_1381, %gather3A_1382] : memref<4x4x32x128xf32, #tpu.memory_space<vmem>> -> memref<1x1x32x128xf32, #tpu.memory_space<vmem>>
      %gather3A_1384 = tpu.memref_squeeze %gather3A_1383 : memref<1x1x32x128xf32, #tpu.memory_space<vmem>> -> memref<32x128xf32, #tpu.memory_space<vmem>>
      %gather3A_1385 = tpu.vector_load_idx %gather3A_1384[%iota3A, %broadcast_in_dim3A_1373] : memref<32x128xf32, #tpu.memory_space<vmem>>[vector<16xi32>, vector<16xi32>], vector<16xf32>,
      %gather3A_1386 = arith.constant 1 : i32
      %gather3A_1387 = arith.constant 0 : i32
      %gather3A_1388 = arith.constant 0 : i32
      %gather3A_1389 = arith.constant 0 : i32
      %gather3A_1390 = tpu.memref_slice %arg6[%gather3A_1386, %gather3A_1387, %gather3A_1388, %gather3A_1389] : memref<4x4x32x128xf32, #tpu.memory_space<vmem>> -> memref<1x1x32x128xf32, #tpu.memory_space<vmem>>
      %gather3A_1391 = tpu.memref_squeeze %gather3A_1390 : memref<1x1x32x128xf32, #tpu.memory_space<vmem>> -> memref<32x128xf32, #tpu.memory_space<vmem>>
      %gather3A_1392 = tpu.vector_load_idx %gather3A_1391[%add3A_5, %broadcast_in_dim3A_1373] : memref<32x128xf32, #tpu.memory_space<vmem>>[vector<16xi32>, vector<16xi32>], vector<16xf32>,
      tpu.vector_store_idx %arg7[%iota3A, %broadcast_in_dim3A_1378], %gather3A_1385 : memref<32x512xf32, #tpu.memory_space<vmem>>[vector<16xi32>, vector<16xi32>], vector<16xf32>,
      tpu.vector_store_idx %arg7[%add3A_5, %broadcast_in_dim3A_1378], %gather3A_1392 : memref<32x512xf32, #tpu.memory_space<vmem>>[vector<16xi32>, vector<16xi32>], vector<16xf32>,
      %slice3A_1393 = vector.extract_strided_slice %get3A_1368 {offsets = [1], sizes = [1], strides = [1]} : vector<16xi32> to vector<1xi32>
      %squeeze3A_1394 = vector.extract %slice3A_1393[0] : i32 from vector<1xi32>
      %and3A_1395 = arith.constant 127 : i32
      %and3A_1396 = arith.andi %squeeze3A_1394, %and3A_1395 : i32
      %broadcast_in_dim3A_1397 = vector.broadcast %and3A_1396 : i32 to vector<16xi32>
      %mul3A_1398 = arith.constant 4 : i32
      %mul3A_1399 = arith.muli %add3A_1208, %mul3A_1398 : i32
      %add3A_1400 = arith.constant 1 : i32
      %add3A_1401 = arith.addi %mul3A_1399, %add3A_1400 : i32
      %broadcast_in_dim3A_1402 = vector.broadcast %add3A_1401 : i32 to vector<16xi32>
      %gather3A_1403 = arith.constant 1 : i32
      %gather3A_1404 = arith.constant 1 : i32
      %gather3A_1405 = arith.constant 0 : i32
      %gather3A_1406 = arith.constant 0 : i32
      %gather3A_1407 = tpu.memref_slice %arg6[%gather3A_1403, %gather3A_1404, %gather3A_1405, %gather3A_1406] : memref<4x4x32x128xf32, #tpu.memory_space<vmem>> -> memref<1x1x32x128xf32, #tpu.memory_space<vmem>>
      %gather3A_1408 = tpu.memref_squeeze %gather3A_1407 : memref<1x1x32x128xf32, #tpu.memory_space<vmem>> -> memref<32x128xf32, #tpu.memory_space<vmem>>
      %gather3A_1409 = tpu.vector_load_idx %gather3A_1408[%iota3A, %broadcast_in_dim3A_1397] : memref<32x128xf32, #tpu.memory_space<vmem>>[vector<16xi32>, vector<16xi32>], vector<16xf32>,
      %gather3A_1410 = arith.constant 1 : i32
      %gather3A_1411 = arith.constant 1 : i32
      %gather3A_1412 = arith.constant 0 : i32
      %gather3A_1413 = arith.constant 0 : i32
      %gather3A_1414 = tpu.memref_slice %arg6[%gather3A_1410, %gather3A_1411, %gather3A_1412, %gather3A_1413] : memref<4x4x32x128xf32, #tpu.memory_space<vmem>> -> memref<1x1x32x128xf32, #tpu.memory_space<vmem>>
      %gather3A_1415 = tpu.memref_squeeze %gather3A_1414 : memref<1x1x32x128xf32, #tpu.memory_space<vmem>> -> memref<32x128xf32, #tpu.memory_space<vmem>>
      %gather3A_1416 = tpu.vector_load_idx %gather3A_1415[%add3A_5, %broadcast_in_dim3A_1397] : memref<32x128xf32, #tpu.memory_space<vmem>>[vector<16xi32>, vector<16xi32>], vector<16xf32>,
      tpu.vector_store_idx %arg7[%iota3A, %broadcast_in_dim3A_1402], %gather3A_1409 : memref<32x512xf32, #tpu.memory_space<vmem>>[vector<16xi32>, vector<16xi32>], vector<16xf32>,
      tpu.vector_store_idx %arg7[%add3A_5, %broadcast_in_dim3A_1402], %gather3A_1416 : memref<32x512xf32, #tpu.memory_space<vmem>>[vector<16xi32>, vector<16xi32>], vector<16xf32>,
      %slice3A_1417 = vector.extract_strided_slice %get3A_1368 {offsets = [2], sizes = [1], strides = [1]} : vector<16xi32> to vector<1xi32>
      %squeeze3A_1418 = vector.extract %slice3A_1417[0] : i32 from vector<1xi32>
      %and3A_1419 = arith.constant 127 : i32
      %and3A_1420 = arith.andi %squeeze3A_1418, %and3A_1419 : i32
      %broadcast_in_dim3A_1421 = vector.broadcast %and3A_1420 : i32 to vector<16xi32>
      %mul3A_1422 = arith.constant 4 : i32
      %mul3A_1423 = arith.muli %add3A_1208, %mul3A_1422 : i32
      %add3A_1424 = arith.constant 2 : i32
      %add3A_1425 = arith.addi %mul3A_1423, %add3A_1424 : i32
      %broadcast_in_dim3A_1426 = vector.broadcast %add3A_1425 : i32 to vector<16xi32>
      %gather3A_1427 = arith.constant 1 : i32
      %gather3A_1428 = arith.constant 2 : i32
      %gather3A_1429 = arith.constant 0 : i32
      %gather3A_1430 = arith.constant 0 : i32
      %gather3A_1431 = tpu.memref_slice %arg6[%gather3A_1427, %gather3A_1428, %gather3A_1429, %gather3A_1430] : memref<4x4x32x128xf32, #tpu.memory_space<vmem>> -> memref<1x1x32x128xf32, #tpu.memory_space<vmem>>
      %gather3A_1432 = tpu.memref_squeeze %gather3A_1431 : memref<1x1x32x128xf32, #tpu.memory_space<vmem>> -> memref<32x128xf32, #tpu.memory_space<vmem>>
      %gather3A_1433 = tpu.vector_load_idx %gather3A_1432[%iota3A, %broadcast_in_dim3A_1421] : memref<32x128xf32, #tpu.memory_space<vmem>>[vector<16xi32>, vector<16xi32>], vector<16xf32>,
      %gather3A_1434 = arith.constant 1 : i32
      %gather3A_1435 = arith.constant 2 : i32
      %gather3A_1436 = arith.constant 0 : i32
      %gather3A_1437 = arith.constant 0 : i32
      %gather3A_1438 = tpu.memref_slice %arg6[%gather3A_1434, %gather3A_1435, %gather3A_1436, %gather3A_1437] : memref<4x4x32x128xf32, #tpu.memory_space<vmem>> -> memref<1x1x32x128xf32, #tpu.memory_space<vmem>>
      %gather3A_1439 = tpu.memref_squeeze %gather3A_1438 : memref<1x1x32x128xf32, #tpu.memory_space<vmem>> -> memref<32x128xf32, #tpu.memory_space<vmem>>
      %gather3A_1440 = tpu.vector_load_idx %gather3A_1439[%add3A_5, %broadcast_in_dim3A_1421] : memref<32x128xf32, #tpu.memory_space<vmem>>[vector<16xi32>, vector<16xi32>], vector<16xf32>,
      tpu.vector_store_idx %arg7[%iota3A, %broadcast_in_dim3A_1426], %gather3A_1433 : memref<32x512xf32, #tpu.memory_space<vmem>>[vector<16xi32>, vector<16xi32>], vector<16xf32>,
      tpu.vector_store_idx %arg7[%add3A_5, %broadcast_in_dim3A_1426], %gather3A_1440 : memref<32x512xf32, #tpu.memory_space<vmem>>[vector<16xi32>, vector<16xi32>], vector<16xf32>,
      %slice3A_1441 = vector.extract_strided_slice %get3A_1368 {offsets = [3], sizes = [1], strides = [1]} : vector<16xi32> to vector<1xi32>
      %squeeze3A_1442 = vector.extract %slice3A_1441[0] : i32 from vector<1xi32>
      %and3A_1443 = arith.constant 127 : i32
      %and3A_1444 = arith.andi %squeeze3A_1442, %and3A_1443 : i32
      %broadcast_in_dim3A_1445 = vector.broadcast %and3A_1444 : i32 to vector<16xi32>
      %mul3A_1446 = arith.constant 4 : i32
      %mul3A_1447 = arith.muli %add3A_1208, %mul3A_1446 : i32
      %add3A_1448 = arith.constant 3 : i32
      %add3A_1449 = arith.addi %mul3A_1447, %add3A_1448 : i32
      %broadcast_in_dim3A_1450 = vector.broadcast %add3A_1449 : i32 to vector<16xi32>
      %gather3A_1451 = arith.constant 1 : i32
      %gather3A_1452 = arith.constant 3 : i32
      %gather3A_1453 = arith.constant 0 : i32
      %gather3A_1454 = arith.constant 0 : i32
      %gather3A_1455 = tpu.memref_slice %arg6[%gather3A_1451, %gather3A_1452, %gather3A_1453, %gather3A_1454] : memref<4x4x32x128xf32, #tpu.memory_space<vmem>> -> memref<1x1x32x128xf32, #tpu.memory_space<vmem>>
      %gather3A_1456 = tpu.memref_squeeze %gather3A_1455 : memref<1x1x32x128xf32, #tpu.memory_space<vmem>> -> memref<32x128xf32, #tpu.memory_space<vmem>>
      %gather3A_1457 = tpu.vector_load_idx %gather3A_1456[%iota3A, %broadcast_in_dim3A_1445] : memref<32x128xf32, #tpu.memory_space<vmem>>[vector<16xi32>, vector<16xi32>], vector<16xf32>,
      %gather3A_1458 = arith.constant 1 : i32
      %gather3A_1459 = arith.constant 3 : i32
      %gather3A_1460 = arith.constant 0 : i32
      %gather3A_1461 = arith.constant 0 : i32
      %gather3A_1462 = tpu.memref_slice %arg6[%gather3A_1458, %gather3A_1459, %gather3A_1460, %gather3A_1461] : memref<4x4x32x128xf32, #tpu.memory_space<vmem>> -> memref<1x1x32x128xf32, #tpu.memory_space<vmem>>
      %gather3A_1463 = tpu.memref_squeeze %gather3A_1462 : memref<1x1x32x128xf32, #tpu.memory_space<vmem>> -> memref<32x128xf32, #tpu.memory_space<vmem>>
      %gather3A_1464 = tpu.vector_load_idx %gather3A_1463[%add3A_5, %broadcast_in_dim3A_1445] : memref<32x128xf32, #tpu.memory_space<vmem>>[vector<16xi32>, vector<16xi32>], vector<16xf32>,
      tpu.vector_store_idx %arg7[%iota3A, %broadcast_in_dim3A_1450], %gather3A_1457 : memref<32x512xf32, #tpu.memory_space<vmem>>[vector<16xi32>, vector<16xi32>], vector<16xf32>,
      tpu.vector_store_idx %arg7[%add3A_5, %broadcast_in_dim3A_1450], %gather3A_1464 : memref<32x512xf32, #tpu.memory_space<vmem>>[vector<16xi32>, vector<16xi32>], vector<16xf32>,
      %mul3A_1465 = arith.constant 4 : i32
      %mul3A_1466 = arith.muli %mul3A_1465, %scan3A_945 : i32
      %add3A_1467 = arith.constant 2 : i32
      %add3A_1468 = arith.addi %mul3A_1466, %add3A_1467 : i32
      %add3A_1469 = arith.constant 4 : i32
      %add3A_1470 = arith.addi %add3A_1468, %add3A_1469 : i32
      %sub3A_1471 = arith.constant 1 : i32
      %sub3A_1472 = arith.subi %add3A_1470, %sub3A_1471 : i32
      %mul3A_1473 = arith.constant 4 : i32
      %mul3A_1474 = arith.muli %sub3A_1472, %mul3A_1473 : i32
      %get3A_1475 = arith.index_cast %mul3A_1474 : i32 to index
      %get3A_1476 = tpu.vector_load %arg5[%get3A_1475] {strides = array<i32>} : memref<528xi32, #tpu.memory_space<vmem>>, vector<16xi32>,
      %slice3A_1477 = vector.extract_strided_slice %get3A_1476 {offsets = [0], sizes = [1], strides = [1]} : vector<16xi32> to vector<1xi32>
      %squeeze3A_1478 = vector.extract %slice3A_1477[0] : i32 from vector<1xi32>
      %shift_right_arithmetic3A_1479 = arith.constant 7 : i32
      %shift_right_arithmetic3A_1480 = arith.shrsi %squeeze3A_1478, %shift_right_arithmetic3A_1479 : i32
      %mul3A_1481 = arith.constant 128 : i32
      %mul3A_1482 = arith.muli %shift_right_arithmetic3A_1480, %mul3A_1481 : i32
      %multiple_of3A_1483 = tpu.assume_multiple %mul3A_1482, 128 : i32
      %dma_start3A_1484 = arith.constant 1 : i32
      %dma_start3A_1485 = arith.constant 0 : i32
      %dma_start3A_1486 = arith.constant 0 : i32
      %dma_start3A_1487 = arith.constant 0 : i32
      %dma_start3A_1488 = tpu.memref_slice %arg6[%dma_start3A_1484, %dma_start3A_1485, %dma_start3A_1486, %dma_start3A_1487] : memref<4x4x32x128xf32, #tpu.memory_space<vmem>> -> memref<1x1x32x128xf32, #tpu.memory_space<vmem>>
      %dma_start3A_1489 = tpu.memref_squeeze %dma_start3A_1488 : memref<1x1x32x128xf32, #tpu.memory_space<vmem>> -> memref<32x128xf32, #tpu.memory_space<vmem>>
      %dma_start3A_1490 = arith.constant 0 : i32
      %dma_start3A_1491 = tpu.memref_slice %arg3[%dma_start3A_1490, %multiple_of3A_1483] : memref<32x1000000xf32, #tpu.memory_space<hbm>> -> memref<32x128xf32, #tpu.memory_space<hbm>>
      %dma_start3A_1492 = arith.constant 0 : i32
      %dma_start3A_1493 = arith.constant 0 : i32
      %dma_start3A_1494 = tpu.memref_slice %arg6[%dma_start3A_1484, %dma_start3A_1485, %dma_start3A_1492, %dma_start3A_1493] : memref<4x4x32x128xf32, #tpu.memory_space<vmem>> -> memref<1x1x32x128xf32, #tpu.memory_space<vmem>>
      %dma_start3A_1495 = tpu.memref_squeeze %dma_start3A_1494 : memref<1x1x32x128xf32, #tpu.memory_space<vmem>> -> memref<32x128xf32, #tpu.memory_space<vmem>>
      %dma_start3A_1496 = arith.constant 0 : i32
      %dma_start3A_1497 = tpu.memref_slice %arg3[%dma_start3A_1496, %multiple_of3A_1483] : memref<32x1000000xf32, #tpu.memory_space<hbm>> -> memref<32x128xf32, #tpu.memory_space<hbm>>
      tpu.enqueue_dma source(%dma_start3A_1497 : memref<32x128xf32, #tpu.memory_space<hbm>>) target(%dma_start3A_1495 : memref<32x128xf32, #tpu.memory_space<vmem>>) target_semaphore(%arg9 : memref<!tpu.dma_semaphore, #tpu.memory_space<semaphore_mem>>)
      %slice3A_1498 = vector.extract_strided_slice %get3A_1476 {offsets = [1], sizes = [1], strides = [1]} : vector<16xi32> to vector<1xi32>
      %squeeze3A_1499 = vector.extract %slice3A_1498[0] : i32 from vector<1xi32>
      %shift_right_arithmetic3A_1500 = arith.constant 7 : i32
      %shift_right_arithmetic3A_1501 = arith.shrsi %squeeze3A_1499, %shift_right_arithmetic3A_1500 : i32
      %mul3A_1502 = arith.constant 128 : i32
      %mul3A_1503 = arith.muli %shift_right_arithmetic3A_1501, %mul3A_1502 : i32
      %multiple_of3A_1504 = tpu.assume_multiple %mul3A_1503, 128 : i32
      %dma_start3A_1505 = arith.constant 1 : i32
      %dma_start3A_1506 = arith.constant 1 : i32
      %dma_start3A_1507 = arith.constant 0 : i32
      %dma_start3A_1508 = arith.constant 0 : i32
      %dma_start3A_1509 = tpu.memref_slice %arg6[%dma_start3A_1505, %dma_start3A_1506, %dma_start3A_1507, %dma_start3A_1508] : memref<4x4x32x128xf32, #tpu.memory_space<vmem>> -> memref<1x1x32x128xf32, #tpu.memory_space<vmem>>
      %dma_start3A_1510 = tpu.memref_squeeze %dma_start3A_1509 : memref<1x1x32x128xf32, #tpu.memory_space<vmem>> -> memref<32x128xf32, #tpu.memory_space<vmem>>
      %dma_start3A_1511 = arith.constant 0 : i32
      %dma_start3A_1512 = tpu.memref_slice %arg3[%dma_start3A_1511, %multiple_of3A_1504] : memref<32x1000000xf32, #tpu.memory_space<hbm>> -> memref<32x128xf32, #tpu.memory_space<hbm>>
      %dma_start3A_1513 = arith.constant 0 : i32
      %dma_start3A_1514 = arith.constant 0 : i32
      %dma_start3A_1515 = tpu.memref_slice %arg6[%dma_start3A_1505, %dma_start3A_1506, %dma_start3A_1513, %dma_start3A_1514] : memref<4x4x32x128xf32, #tpu.memory_space<vmem>> -> memref<1x1x32x128xf32, #tpu.memory_space<vmem>>
      %dma_start3A_1516 = tpu.memref_squeeze %dma_start3A_1515 : memref<1x1x32x128xf32, #tpu.memory_space<vmem>> -> memref<32x128xf32, #tpu.memory_space<vmem>>
      %dma_start3A_1517 = arith.constant 0 : i32
      %dma_start3A_1518 = tpu.memref_slice %arg3[%dma_start3A_1517, %multiple_of3A_1504] : memref<32x1000000xf32, #tpu.memory_space<hbm>> -> memref<32x128xf32, #tpu.memory_space<hbm>>
      tpu.enqueue_dma source(%dma_start3A_1518 : memref<32x128xf32, #tpu.memory_space<hbm>>) target(%dma_start3A_1516 : memref<32x128xf32, #tpu.memory_space<vmem>>) target_semaphore(%arg9 : memref<!tpu.dma_semaphore, #tpu.memory_space<semaphore_mem>>)
      %slice3A_1519 = vector.extract_strided_slice %get3A_1476 {offsets = [2], sizes = [1], strides = [1]} : vector<16xi32> to vector<1xi32>
      %squeeze3A_1520 = vector.extract %slice3A_1519[0] : i32 from vector<1xi32>
      %shift_right_arithmetic3A_1521 = arith.constant 7 : i32
      %shift_right_arithmetic3A_1522 = arith.shrsi %squeeze3A_1520, %shift_right_arithmetic3A_1521 : i32
      %mul3A_1523 = arith.constant 128 : i32
      %mul3A_1524 = arith.muli %shift_right_arithmetic3A_1522, %mul3A_1523 : i32
      %multiple_of3A_1525 = tpu.assume_multiple %mul3A_1524, 128 : i32
      %dma_start3A_1526 = arith.constant 1 : i32
      %dma_start3A_1527 = arith.constant 2 : i32
      %dma_start3A_1528 = arith.constant 0 : i32
      %dma_start3A_1529 = arith.constant 0 : i32
      %dma_start3A_1530 = tpu.memref_slice %arg6[%dma_start3A_1526, %dma_start3A_1527, %dma_start3A_1528, %dma_start3A_1529] : memref<4x4x32x128xf32, #tpu.memory_space<vmem>> -> memref<1x1x32x128xf32, #tpu.memory_space<vmem>>
      %dma_start3A_1531 = tpu.memref_squeeze %dma_start3A_1530 : memref<1x1x32x128xf32, #tpu.memory_space<vmem>> -> memref<32x128xf32, #tpu.memory_space<vmem>>
      %dma_start3A_1532 = arith.constant 0 : i32
      %dma_start3A_1533 = tpu.memref_slice %arg3[%dma_start3A_1532, %multiple_of3A_1525] : memref<32x1000000xf32, #tpu.memory_space<hbm>> -> memref<32x128xf32, #tpu.memory_space<hbm>>
      %dma_start3A_1534 = arith.constant 0 : i32
      %dma_start3A_1535 = arith.constant 0 : i32
      %dma_start3A_1536 = tpu.memref_slice %arg6[%dma_start3A_1526, %dma_start3A_1527, %dma_start3A_1534, %dma_start3A_1535] : memref<4x4x32x128xf32, #tpu.memory_space<vmem>> -> memref<1x1x32x128xf32, #tpu.memory_space<vmem>>
      %dma_start3A_1537 = tpu.memref_squeeze %dma_start3A_1536 : memref<1x1x32x128xf32, #tpu.memory_space<vmem>> -> memref<32x128xf32, #tpu.memory_space<vmem>>
      %dma_start3A_1538 = arith.constant 0 : i32
      %dma_start3A_1539 = tpu.memref_slice %arg3[%dma_start3A_1538, %multiple_of3A_1525] : memref<32x1000000xf32, #tpu.memory_space<hbm>> -> memref<32x128xf32, #tpu.memory_space<hbm>>
      tpu.enqueue_dma source(%dma_start3A_1539 : memref<32x128xf32, #tpu.memory_space<hbm>>) target(%dma_start3A_1537 : memref<32x128xf32, #tpu.memory_space<vmem>>) target_semaphore(%arg9 : memref<!tpu.dma_semaphore, #tpu.memory_space<semaphore_mem>>)
      %slice3A_1540 = vector.extract_strided_slice %get3A_1476 {offsets = [3], sizes = [1], strides = [1]} : vector<16xi32> to vector<1xi32>
      %squeeze3A_1541 = vector.extract %slice3A_1540[0] : i32 from vector<1xi32>
      %shift_right_arithmetic3A_1542 = arith.constant 7 : i32
      %shift_right_arithmetic3A_1543 = arith.shrsi %squeeze3A_1541, %shift_right_arithmetic3A_1542 : i32
      %mul3A_1544 = arith.constant 128 : i32
      %mul3A_1545 = arith.muli %shift_right_arithmetic3A_1543, %mul3A_1544 : i32
      %multiple_of3A_1546 = tpu.assume_multiple %mul3A_1545, 128 : i32
      %dma_start3A_1547 = arith.constant 1 : i32
      %dma_start3A_1548 = arith.constant 3 : i32
      %dma_start3A_1549 = arith.constant 0 : i32
      %dma_start3A_1550 = arith.constant 0 : i32
      %dma_start3A_1551 = tpu.memref_slice %arg6[%dma_start3A_1547, %dma_start3A_1548, %dma_start3A_1549, %dma_start3A_1550] : memref<4x4x32x128xf32, #tpu.memory_space<vmem>> -> memref<1x1x32x128xf32, #tpu.memory_space<vmem>>
      %dma_start3A_1552 = tpu.memref_squeeze %dma_start3A_1551 : memref<1x1x32x128xf32, #tpu.memory_space<vmem>> -> memref<32x128xf32, #tpu.memory_space<vmem>>
      %dma_start3A_1553 = arith.constant 0 : i32
      %dma_start3A_1554 = tpu.memref_slice %arg3[%dma_start3A_1553, %multiple_of3A_1546] : memref<32x1000000xf32, #tpu.memory_space<hbm>> -> memref<32x128xf32, #tpu.memory_space<hbm>>
      %dma_start3A_1555 = arith.constant 0 : i32
      %dma_start3A_1556 = arith.constant 0 : i32
      %dma_start3A_1557 = tpu.memref_slice %arg6[%dma_start3A_1547, %dma_start3A_1548, %dma_start3A_1555, %dma_start3A_1556] : memref<4x4x32x128xf32, #tpu.memory_space<vmem>> -> memref<1x1x32x128xf32, #tpu.memory_space<vmem>>
      %dma_start3A_1558 = tpu.memref_squeeze %dma_start3A_1557 : memref<1x1x32x128xf32, #tpu.memory_space<vmem>> -> memref<32x128xf32, #tpu.memory_space<vmem>>
      %dma_start3A_1559 = arith.constant 0 : i32
      %dma_start3A_1560 = tpu.memref_slice %arg3[%dma_start3A_1559, %multiple_of3A_1546] : memref<32x1000000xf32, #tpu.memory_space<hbm>> -> memref<32x128xf32, #tpu.memory_space<hbm>>
      tpu.enqueue_dma source(%dma_start3A_1560 : memref<32x128xf32, #tpu.memory_space<hbm>>) target(%dma_start3A_1558 : memref<32x128xf32, #tpu.memory_space<vmem>>) target_semaphore(%arg9 : memref<!tpu.dma_semaphore, #tpu.memory_space<semaphore_mem>>)
      %dma_wait3A_1561 = arith.constant 2 : i32
      %dma_wait3A_1562 = arith.constant 0 : i32
      %dma_wait3A_1563 = arith.constant 0 : i32
      %dma_wait3A_1564 = arith.constant 0 : i32
      %dma_wait3A_1565 = tpu.memref_slice %arg6[%dma_wait3A_1561, %dma_wait3A_1562, %dma_wait3A_1563, %dma_wait3A_1564] : memref<4x4x32x128xf32, #tpu.memory_space<vmem>> -> memref<1x1x32x128xf32, #tpu.memory_space<vmem>>
      %dma_wait3A_1566 = tpu.memref_squeeze %dma_wait3A_1565 : memref<1x1x32x128xf32, #tpu.memory_space<vmem>> -> memref<32x128xf32, #tpu.memory_space<vmem>>
      %dma_wait3A_1567 = arith.constant 0 : i32
      %dma_wait3A_1568 = arith.constant 0 : i32
      %dma_wait3A_1569 = tpu.memref_slice %arg3[%dma_wait3A_1567, %dma_wait3A_1568] : memref<32x1000000xf32, #tpu.memory_space<hbm>> -> memref<32x128xf32, #tpu.memory_space<hbm>>
      %dma_wait3A_1570 = arith.constant 0 : i32
      %dma_wait3A_1571 = arith.constant 0 : i32
      %dma_wait3A_1572 = tpu.memref_slice %arg6[%dma_wait3A_1561, %dma_wait3A_1562, %dma_wait3A_1570, %dma_wait3A_1571] : memref<4x4x32x128xf32, #tpu.memory_space<vmem>> -> memref<1x1x32x128xf32, #tpu.memory_space<vmem>>
      %dma_wait3A_1573 = tpu.memref_squeeze %dma_wait3A_1572 : memref<1x1x32x128xf32, #tpu.memory_space<vmem>> -> memref<32x128xf32, #tpu.memory_space<vmem>>
      %dma_wait3A_1574 = arith.constant 0 : i32
      %dma_wait3A_1575 = arith.constant 0 : i32
      %dma_wait3A_1576 = tpu.memref_slice %arg3[%dma_wait3A_1574, %dma_wait3A_1575] : memref<32x1000000xf32, #tpu.memory_space<hbm>> -> memref<32x128xf32, #tpu.memory_space<hbm>>
      tpu.wait_dma2 semaphore(%arg10 : memref<!tpu.dma_semaphore, #tpu.memory_space<semaphore_mem>>) src(%dma_wait3A_1576 : memref<32x128xf32, #tpu.memory_space<hbm>>) dst(%dma_wait3A_1573 : memref<32x128xf32, #tpu.memory_space<vmem>>)
      %dma_wait3A_1577 = arith.constant 2 : i32
      %dma_wait3A_1578 = arith.constant 1 : i32
      %dma_wait3A_1579 = arith.constant 0 : i32
      %dma_wait3A_1580 = arith.constant 0 : i32
      %dma_wait3A_1581 = tpu.memref_slice %arg6[%dma_wait3A_1577, %dma_wait3A_1578, %dma_wait3A_1579, %dma_wait3A_1580] : memref<4x4x32x128xf32, #tpu.memory_space<vmem>> -> memref<1x1x32x128xf32, #tpu.memory_space<vmem>>
      %dma_wait3A_1582 = tpu.memref_squeeze %dma_wait3A_1581 : memref<1x1x32x128xf32, #tpu.memory_space<vmem>> -> memref<32x128xf32, #tpu.memory_space<vmem>>
      %dma_wait3A_1583 = arith.constant 0 : i32
      %dma_wait3A_1584 = arith.constant 0 : i32
      %dma_wait3A_1585 = tpu.memref_slice %arg3[%dma_wait3A_1583, %dma_wait3A_1584] : memref<32x1000000xf32, #tpu.memory_space<hbm>> -> memref<32x128xf32, #tpu.memory_space<hbm>>
      %dma_wait3A_1586 = arith.constant 0 : i32
      %dma_wait3A_1587 = arith.constant 0 : i32
      %dma_wait3A_1588 = tpu.memref_slice %arg6[%dma_wait3A_1577, %dma_wait3A_1578, %dma_wait3A_1586, %dma_wait3A_1587] : memref<4x4x32x128xf32, #tpu.memory_space<vmem>> -> memref<1x1x32x128xf32, #tpu.memory_space<vmem>>
      %dma_wait3A_1589 = tpu.memref_squeeze %dma_wait3A_1588 : memref<1x1x32x128xf32, #tpu.memory_space<vmem>> -> memref<32x128xf32, #tpu.memory_space<vmem>>
      %dma_wait3A_1590 = arith.constant 0 : i32
      %dma_wait3A_1591 = arith.constant 0 : i32
      %dma_wait3A_1592 = tpu.memref_slice %arg3[%dma_wait3A_1590, %dma_wait3A_1591] : memref<32x1000000xf32, #tpu.memory_space<hbm>> -> memref<32x128xf32, #tpu.memory_space<hbm>>
      tpu.wait_dma2 semaphore(%arg10 : memref<!tpu.dma_semaphore, #tpu.memory_space<semaphore_mem>>) src(%dma_wait3A_1592 : memref<32x128xf32, #tpu.memory_space<hbm>>) dst(%dma_wait3A_1589 : memref<32x128xf32, #tpu.memory_space<vmem>>)
      %dma_wait3A_1593 = arith.constant 2 : i32
      %dma_wait3A_1594 = arith.constant 2 : i32
      %dma_wait3A_1595 = arith.constant 0 : i32
      %dma_wait3A_1596 = arith.constant 0 : i32
      %dma_wait3A_1597 = tpu.memref_slice %arg6[%dma_wait3A_1593, %dma_wait3A_1594, %dma_wait3A_1595, %dma_wait3A_1596] : memref<4x4x32x128xf32, #tpu.memory_space<vmem>> -> memref<1x1x32x128xf32, #tpu.memory_space<vmem>>
      %dma_wait3A_1598 = tpu.memref_squeeze %dma_wait3A_1597 : memref<1x1x32x128xf32, #tpu.memory_space<vmem>> -> memref<32x128xf32, #tpu.memory_space<vmem>>
      %dma_wait3A_1599 = arith.constant 0 : i32
      %dma_wait3A_1600 = arith.constant 0 : i32
      %dma_wait3A_1601 = tpu.memref_slice %arg3[%dma_wait3A_1599, %dma_wait3A_1600] : memref<32x1000000xf32, #tpu.memory_space<hbm>> -> memref<32x128xf32, #tpu.memory_space<hbm>>
      %dma_wait3A_1602 = arith.constant 0 : i32
      %dma_wait3A_1603 = arith.constant 0 : i32
      %dma_wait3A_1604 = tpu.memref_slice %arg6[%dma_wait3A_1593, %dma_wait3A_1594, %dma_wait3A_1602, %dma_wait3A_1603] : memref<4x4x32x128xf32, #tpu.memory_space<vmem>> -> memref<1x1x32x128xf32, #tpu.memory_space<vmem>>
      %dma_wait3A_1605 = tpu.memref_squeeze %dma_wait3A_1604 : memref<1x1x32x128xf32, #tpu.memory_space<vmem>> -> memref<32x128xf32, #tpu.memory_space<vmem>>
      %dma_wait3A_1606 = arith.constant 0 : i32
      %dma_wait3A_1607 = arith.constant 0 : i32
      %dma_wait3A_1608 = tpu.memref_slice %arg3[%dma_wait3A_1606, %dma_wait3A_1607] : memref<32x1000000xf32, #tpu.memory_space<hbm>> -> memref<32x128xf32, #tpu.memory_space<hbm>>
      tpu.wait_dma2 semaphore(%arg10 : memref<!tpu.dma_semaphore, #tpu.memory_space<semaphore_mem>>) src(%dma_wait3A_1608 : memref<32x128xf32, #tpu.memory_space<hbm>>) dst(%dma_wait3A_1605 : memref<32x128xf32, #tpu.memory_space<vmem>>)
      %dma_wait3A_1609 = arith.constant 2 : i32
      %dma_wait3A_1610 = arith.constant 3 : i32
      %dma_wait3A_1611 = arith.constant 0 : i32
      %dma_wait3A_1612 = arith.constant 0 : i32
      %dma_wait3A_1613 = tpu.memref_slice %arg6[%dma_wait3A_1609, %dma_wait3A_1610, %dma_wait3A_1611, %dma_wait3A_1612] : memref<4x4x32x128xf32, #tpu.memory_space<vmem>> -> memref<1x1x32x128xf32, #tpu.memory_space<vmem>>
      %dma_wait3A_1614 = tpu.memref_squeeze %dma_wait3A_1613 : memref<1x1x32x128xf32, #tpu.memory_space<vmem>> -> memref<32x128xf32, #tpu.memory_space<vmem>>
      %dma_wait3A_1615 = arith.constant 0 : i32
      %dma_wait3A_1616 = arith.constant 0 : i32
      %dma_wait3A_1617 = tpu.memref_slice %arg3[%dma_wait3A_1615, %dma_wait3A_1616] : memref<32x1000000xf32, #tpu.memory_space<hbm>> -> memref<32x128xf32, #tpu.memory_space<hbm>>
      %dma_wait3A_1618 = arith.constant 0 : i32
      %dma_wait3A_1619 = arith.constant 0 : i32
      %dma_wait3A_1620 = tpu.memref_slice %arg6[%dma_wait3A_1609, %dma_wait3A_1610, %dma_wait3A_1618, %dma_wait3A_1619] : memref<4x4x32x128xf32, #tpu.memory_space<vmem>> -> memref<1x1x32x128xf32, #tpu.memory_space<vmem>>
      %dma_wait3A_1621 = tpu.memref_squeeze %dma_wait3A_1620 : memref<1x1x32x128xf32, #tpu.memory_space<vmem>> -> memref<32x128xf32, #tpu.memory_space<vmem>>
      %dma_wait3A_1622 = arith.constant 0 : i32
      %dma_wait3A_1623 = arith.constant 0 : i32
      %dma_wait3A_1624 = tpu.memref_slice %arg3[%dma_wait3A_1622, %dma_wait3A_1623] : memref<32x1000000xf32, #tpu.memory_space<hbm>> -> memref<32x128xf32, #tpu.memory_space<hbm>>
      tpu.wait_dma2 semaphore(%arg10 : memref<!tpu.dma_semaphore, #tpu.memory_space<semaphore_mem>>) src(%dma_wait3A_1624 : memref<32x128xf32, #tpu.memory_space<hbm>>) dst(%dma_wait3A_1621 : memref<32x128xf32, #tpu.memory_space<vmem>>)
      %mul3A_1625 = arith.constant 4 : i32
      %mul3A_1626 = arith.muli %add3A_1468, %mul3A_1625 : i32
      %get3A_1627 = arith.index_cast %mul3A_1626 : i32 to index
      %get3A_1628 = tpu.vector_load %arg5[%get3A_1627] {strides = array<i32>} : memref<528xi32, #tpu.memory_space<vmem>>, vector<16xi32>,
      %slice3A_1629 = vector.extract_strided_slice %get3A_1628 {offsets = [0], sizes = [1], strides = [1]} : vector<16xi32> to vector<1xi32>
      %squeeze3A_1630 = vector.extract %slice3A_1629[0] : i32 from vector<1xi32>
      %and3A_1631 = arith.constant 127 : i32
      %and3A_1632 = arith.andi %squeeze3A_1630, %and3A_1631 : i32
      %broadcast_in_dim3A_1633 = vector.broadcast %and3A_1632 : i32 to vector<16xi32>
      %mul3A_1634 = arith.constant 4 : i32
      %mul3A_1635 = arith.muli %add3A_1468, %mul3A_1634 : i32
      %add3A_1636 = arith.constant 0 : i32
      %add3A_1637 = arith.addi %mul3A_1635, %add3A_1636 : i32
      %broadcast_in_dim3A_1638 = vector.broadcast %add3A_1637 : i32 to vector<16xi32>
      %gather3A_1639 = arith.constant 2 : i32
      %gather3A_1640 = arith.constant 0 : i32
      %gather3A_1641 = arith.constant 0 : i32
      %gather3A_1642 = arith.constant 0 : i32
      %gather3A_1643 = tpu.memref_slice %arg6[%gather3A_1639, %gather3A_1640, %gather3A_1641, %gather3A_1642] : memref<4x4x32x128xf32, #tpu.memory_space<vmem>> -> memref<1x1x32x128xf32, #tpu.memory_space<vmem>>
      %gather3A_1644 = tpu.memref_squeeze %gather3A_1643 : memref<1x1x32x128xf32, #tpu.memory_space<vmem>> -> memref<32x128xf32, #tpu.memory_space<vmem>>
      %gather3A_1645 = tpu.vector_load_idx %gather3A_1644[%iota3A, %broadcast_in_dim3A_1633] : memref<32x128xf32, #tpu.memory_space<vmem>>[vector<16xi32>, vector<16xi32>], vector<16xf32>,
      %gather3A_1646 = arith.constant 2 : i32
      %gather3A_1647 = arith.constant 0 : i32
      %gather3A_1648 = arith.constant 0 : i32
      %gather3A_1649 = arith.constant 0 : i32
      %gather3A_1650 = tpu.memref_slice %arg6[%gather3A_1646, %gather3A_1647, %gather3A_1648, %gather3A_1649] : memref<4x4x32x128xf32, #tpu.memory_space<vmem>> -> memref<1x1x32x128xf32, #tpu.memory_space<vmem>>
      %gather3A_1651 = tpu.memref_squeeze %gather3A_1650 : memref<1x1x32x128xf32, #tpu.memory_space<vmem>> -> memref<32x128xf32, #tpu.memory_space<vmem>>
      %gather3A_1652 = tpu.vector_load_idx %gather3A_1651[%add3A_5, %broadcast_in_dim3A_1633] : memref<32x128xf32, #tpu.memory_space<vmem>>[vector<16xi32>, vector<16xi32>], vector<16xf32>,
      tpu.vector_store_idx %arg7[%iota3A, %broadcast_in_dim3A_1638], %gather3A_1645 : memref<32x512xf32, #tpu.memory_space<vmem>>[vector<16xi32>, vector<16xi32>], vector<16xf32>,
      tpu.vector_store_idx %arg7[%add3A_5, %broadcast_in_dim3A_1638], %gather3A_1652 : memref<32x512xf32, #tpu.memory_space<vmem>>[vector<16xi32>, vector<16xi32>], vector<16xf32>,
      %slice3A_1653 = vector.extract_strided_slice %get3A_1628 {offsets = [1], sizes = [1], strides = [1]} : vector<16xi32> to vector<1xi32>
      %squeeze3A_1654 = vector.extract %slice3A_1653[0] : i32 from vector<1xi32>
      %and3A_1655 = arith.constant 127 : i32
      %and3A_1656 = arith.andi %squeeze3A_1654, %and3A_1655 : i32
      %broadcast_in_dim3A_1657 = vector.broadcast %and3A_1656 : i32 to vector<16xi32>
      %mul3A_1658 = arith.constant 4 : i32
      %mul3A_1659 = arith.muli %add3A_1468, %mul3A_1658 : i32
      %add3A_1660 = arith.constant 1 : i32
      %add3A_1661 = arith.addi %mul3A_1659, %add3A_1660 : i32
      %broadcast_in_dim3A_1662 = vector.broadcast %add3A_1661 : i32 to vector<16xi32>
      %gather3A_1663 = arith.constant 2 : i32
      %gather3A_1664 = arith.constant 1 : i32
      %gather3A_1665 = arith.constant 0 : i32
      %gather3A_1666 = arith.constant 0 : i32
      %gather3A_1667 = tpu.memref_slice %arg6[%gather3A_1663, %gather3A_1664, %gather3A_1665, %gather3A_1666] : memref<4x4x32x128xf32, #tpu.memory_space<vmem>> -> memref<1x1x32x128xf32, #tpu.memory_space<vmem>>
      %gather3A_1668 = tpu.memref_squeeze %gather3A_1667 : memref<1x1x32x128xf32, #tpu.memory_space<vmem>> -> memref<32x128xf32, #tpu.memory_space<vmem>>
      %gather3A_1669 = tpu.vector_load_idx %gather3A_1668[%iota3A, %broadcast_in_dim3A_1657] : memref<32x128xf32, #tpu.memory_space<vmem>>[vector<16xi32>, vector<16xi32>], vector<16xf32>,
      %gather3A_1670 = arith.constant 2 : i32
      %gather3A_1671 = arith.constant 1 : i32
      %gather3A_1672 = arith.constant 0 : i32
      %gather3A_1673 = arith.constant 0 : i32
      %gather3A_1674 = tpu.memref_slice %arg6[%gather3A_1670, %gather3A_1671, %gather3A_1672, %gather3A_1673] : memref<4x4x32x128xf32, #tpu.memory_space<vmem>> -> memref<1x1x32x128xf32, #tpu.memory_space<vmem>>
      %gather3A_1675 = tpu.memref_squeeze %gather3A_1674 : memref<1x1x32x128xf32, #tpu.memory_space<vmem>> -> memref<32x128xf32, #tpu.memory_space<vmem>>
      %gather3A_1676 = tpu.vector_load_idx %gather3A_1675[%add3A_5, %broadcast_in_dim3A_1657] : memref<32x128xf32, #tpu.memory_space<vmem>>[vector<16xi32>, vector<16xi32>], vector<16xf32>,
      tpu.vector_store_idx %arg7[%iota3A, %broadcast_in_dim3A_1662], %gather3A_1669 : memref<32x512xf32, #tpu.memory_space<vmem>>[vector<16xi32>, vector<16xi32>], vector<16xf32>,
      tpu.vector_store_idx %arg7[%add3A_5, %broadcast_in_dim3A_1662], %gather3A_1676 : memref<32x512xf32, #tpu.memory_space<vmem>>[vector<16xi32>, vector<16xi32>], vector<16xf32>,
      %slice3A_1677 = vector.extract_strided_slice %get3A_1628 {offsets = [2], sizes = [1], strides = [1]} : vector<16xi32> to vector<1xi32>
      %squeeze3A_1678 = vector.extract %slice3A_1677[0] : i32 from vector<1xi32>
      %and3A_1679 = arith.constant 127 : i32
      %and3A_1680 = arith.andi %squeeze3A_1678, %and3A_1679 : i32
      %broadcast_in_dim3A_1681 = vector.broadcast %and3A_1680 : i32 to vector<16xi32>
      %mul3A_1682 = arith.constant 4 : i32
      %mul3A_1683 = arith.muli %add3A_1468, %mul3A_1682 : i32
      %add3A_1684 = arith.constant 2 : i32
      %add3A_1685 = arith.addi %mul3A_1683, %add3A_1684 : i32
      %broadcast_in_dim3A_1686 = vector.broadcast %add3A_1685 : i32 to vector<16xi32>
      %gather3A_1687 = arith.constant 2 : i32
      %gather3A_1688 = arith.constant 2 : i32
      %gather3A_1689 = arith.constant 0 : i32
      %gather3A_1690 = arith.constant 0 : i32
      %gather3A_1691 = tpu.memref_slice %arg6[%gather3A_1687, %gather3A_1688, %gather3A_1689, %gather3A_1690] : memref<4x4x32x128xf32, #tpu.memory_space<vmem>> -> memref<1x1x32x128xf32, #tpu.memory_space<vmem>>
      %gather3A_1692 = tpu.memref_squeeze %gather3A_1691 : memref<1x1x32x128xf32, #tpu.memory_space<vmem>> -> memref<32x128xf32, #tpu.memory_space<vmem>>
      %gather3A_1693 = tpu.vector_load_idx %gather3A_1692[%iota3A, %broadcast_in_dim3A_1681] : memref<32x128xf32, #tpu.memory_space<vmem>>[vector<16xi32>, vector<16xi32>], vector<16xf32>,
      %gather3A_1694 = arith.constant 2 : i32
      %gather3A_1695 = arith.constant 2 : i32
      %gather3A_1696 = arith.constant 0 : i32
      %gather3A_1697 = arith.constant 0 : i32
      %gather3A_1698 = tpu.memref_slice %arg6[%gather3A_1694, %gather3A_1695, %gather3A_1696, %gather3A_1697] : memref<4x4x32x128xf32, #tpu.memory_space<vmem>> -> memref<1x1x32x128xf32, #tpu.memory_space<vmem>>
      %gather3A_1699 = tpu.memref_squeeze %gather3A_1698 : memref<1x1x32x128xf32, #tpu.memory_space<vmem>> -> memref<32x128xf32, #tpu.memory_space<vmem>>
      %gather3A_1700 = tpu.vector_load_idx %gather3A_1699[%add3A_5, %broadcast_in_dim3A_1681] : memref<32x128xf32, #tpu.memory_space<vmem>>[vector<16xi32>, vector<16xi32>], vector<16xf32>,
      tpu.vector_store_idx %arg7[%iota3A, %broadcast_in_dim3A_1686], %gather3A_1693 : memref<32x512xf32, #tpu.memory_space<vmem>>[vector<16xi32>, vector<16xi32>], vector<16xf32>,
      tpu.vector_store_idx %arg7[%add3A_5, %broadcast_in_dim3A_1686], %gather3A_1700 : memref<32x512xf32, #tpu.memory_space<vmem>>[vector<16xi32>, vector<16xi32>], vector<16xf32>,
      %slice3A_1701 = vector.extract_strided_slice %get3A_1628 {offsets = [3], sizes = [1], strides = [1]} : vector<16xi32> to vector<1xi32>
      %squeeze3A_1702 = vector.extract %slice3A_1701[0] : i32 from vector<1xi32>
      %and3A_1703 = arith.constant 127 : i32
      %and3A_1704 = arith.andi %squeeze3A_1702, %and3A_1703 : i32
      %broadcast_in_dim3A_1705 = vector.broadcast %and3A_1704 : i32 to vector<16xi32>
      %mul3A_1706 = arith.constant 4 : i32
      %mul3A_1707 = arith.muli %add3A_1468, %mul3A_1706 : i32
      %add3A_1708 = arith.constant 3 : i32
      %add3A_1709 = arith.addi %mul3A_1707, %add3A_1708 : i32
      %broadcast_in_dim3A_1710 = vector.broadcast %add3A_1709 : i32 to vector<16xi32>
      %gather3A_1711 = arith.constant 2 : i32
      %gather3A_1712 = arith.constant 3 : i32
      %gather3A_1713 = arith.constant 0 : i32
      %gather3A_1714 = arith.constant 0 : i32
      %gather3A_1715 = tpu.memref_slice %arg6[%gather3A_1711, %gather3A_1712, %gather3A_1713, %gather3A_1714] : memref<4x4x32x128xf32, #tpu.memory_space<vmem>> -> memref<1x1x32x128xf32, #tpu.memory_space<vmem>>
      %gather3A_1716 = tpu.memref_squeeze %gather3A_1715 : memref<1x1x32x128xf32, #tpu.memory_space<vmem>> -> memref<32x128xf32, #tpu.memory_space<vmem>>
      %gather3A_1717 = tpu.vector_load_idx %gather3A_1716[%iota3A, %broadcast_in_dim3A_1705] : memref<32x128xf32, #tpu.memory_space<vmem>>[vector<16xi32>, vector<16xi32>], vector<16xf32>,
      %gather3A_1718 = arith.constant 2 : i32
      %gather3A_1719 = arith.constant 3 : i32
      %gather3A_1720 = arith.constant 0 : i32
      %gather3A_1721 = arith.constant 0 : i32
      %gather3A_1722 = tpu.memref_slice %arg6[%gather3A_1718, %gather3A_1719, %gather3A_1720, %gather3A_1721] : memref<4x4x32x128xf32, #tpu.memory_space<vmem>> -> memref<1x1x32x128xf32, #tpu.memory_space<vmem>>
      %gather3A_1723 = tpu.memref_squeeze %gather3A_1722 : memref<1x1x32x128xf32, #tpu.memory_space<vmem>> -> memref<32x128xf32, #tpu.memory_space<vmem>>
      %gather3A_1724 = tpu.vector_load_idx %gather3A_1723[%add3A_5, %broadcast_in_dim3A_1705] : memref<32x128xf32, #tpu.memory_space<vmem>>[vector<16xi32>, vector<16xi32>], vector<16xf32>,
      tpu.vector_store_idx %arg7[%iota3A, %broadcast_in_dim3A_1710], %gather3A_1717 : memref<32x512xf32, #tpu.memory_space<vmem>>[vector<16xi32>, vector<16xi32>], vector<16xf32>,
      tpu.vector_store_idx %arg7[%add3A_5, %broadcast_in_dim3A_1710], %gather3A_1724 : memref<32x512xf32, #tpu.memory_space<vmem>>[vector<16xi32>, vector<16xi32>], vector<16xf32>,
      %mul3A_1725 = arith.constant 4 : i32
      %mul3A_1726 = arith.muli %mul3A_1725, %scan3A_945 : i32
      %add3A_1727 = arith.constant 3 : i32
      %add3A_1728 = arith.addi %mul3A_1726, %add3A_1727 : i32
      %add3A_1729 = arith.constant 4 : i32
      %add3A_1730 = arith.addi %add3A_1728, %add3A_1729 : i32
      %sub3A_1731 = arith.constant 1 : i32
      %sub3A_1732 = arith.subi %add3A_1730, %sub3A_1731 : i32
      %mul3A_1733 = arith.constant 4 : i32
      %mul3A_1734 = arith.muli %sub3A_1732, %mul3A_1733 : i32
      %get3A_1735 = arith.index_cast %mul3A_1734 : i32 to index
      %get3A_1736 = tpu.vector_load %arg5[%get3A_1735] {strides = array<i32>} : memref<528xi32, #tpu.memory_space<vmem>>, vector<16xi32>,
      %slice3A_1737 = vector.extract_strided_slice %get3A_1736 {offsets = [0], sizes = [1], strides = [1]} : vector<16xi32> to vector<1xi32>
      %squeeze3A_1738 = vector.extract %slice3A_1737[0] : i32 from vector<1xi32>
      %shift_right_arithmetic3A_1739 = arith.constant 7 : i32
      %shift_right_arithmetic3A_1740 = arith.shrsi %squeeze3A_1738, %shift_right_arithmetic3A_1739 : i32
      %mul3A_1741 = arith.constant 128 : i32
      %mul3A_1742 = arith.muli %shift_right_arithmetic3A_1740, %mul3A_1741 : i32
      %multiple_of3A_1743 = tpu.assume_multiple %mul3A_1742, 128 : i32
      %dma_start3A_1744 = arith.constant 2 : i32
      %dma_start3A_1745 = arith.constant 0 : i32
      %dma_start3A_1746 = arith.constant 0 : i32
      %dma_start3A_1747 = arith.constant 0 : i32
      %dma_start3A_1748 = tpu.memref_slice %arg6[%dma_start3A_1744, %dma_start3A_1745, %dma_start3A_1746, %dma_start3A_1747] : memref<4x4x32x128xf32, #tpu.memory_space<vmem>> -> memref<1x1x32x128xf32, #tpu.memory_space<vmem>>
      %dma_start3A_1749 = tpu.memref_squeeze %dma_start3A_1748 : memref<1x1x32x128xf32, #tpu.memory_space<vmem>> -> memref<32x128xf32, #tpu.memory_space<vmem>>
      %dma_start3A_1750 = arith.constant 0 : i32
      %dma_start3A_1751 = tpu.memref_slice %arg3[%dma_start3A_1750, %multiple_of3A_1743] : memref<32x1000000xf32, #tpu.memory_space<hbm>> -> memref<32x128xf32, #tpu.memory_space<hbm>>
      %dma_start3A_1752 = arith.constant 0 : i32
      %dma_start3A_1753 = arith.constant 0 : i32
      %dma_start3A_1754 = tpu.memref_slice %arg6[%dma_start3A_1744, %dma_start3A_1745, %dma_start3A_1752, %dma_start3A_1753] : memref<4x4x32x128xf32, #tpu.memory_space<vmem>> -> memref<1x1x32x128xf32, #tpu.memory_space<vmem>>
      %dma_start3A_1755 = tpu.memref_squeeze %dma_start3A_1754 : memref<1x1x32x128xf32, #tpu.memory_space<vmem>> -> memref<32x128xf32, #tpu.memory_space<vmem>>
      %dma_start3A_1756 = arith.constant 0 : i32
      %dma_start3A_1757 = tpu.memref_slice %arg3[%dma_start3A_1756, %multiple_of3A_1743] : memref<32x1000000xf32, #tpu.memory_space<hbm>> -> memref<32x128xf32, #tpu.memory_space<hbm>>
      tpu.enqueue_dma source(%dma_start3A_1757 : memref<32x128xf32, #tpu.memory_space<hbm>>) target(%dma_start3A_1755 : memref<32x128xf32, #tpu.memory_space<vmem>>) target_semaphore(%arg10 : memref<!tpu.dma_semaphore, #tpu.memory_space<semaphore_mem>>)
      %slice3A_1758 = vector.extract_strided_slice %get3A_1736 {offsets = [1], sizes = [1], strides = [1]} : vector<16xi32> to vector<1xi32>
      %squeeze3A_1759 = vector.extract %slice3A_1758[0] : i32 from vector<1xi32>
      %shift_right_arithmetic3A_1760 = arith.constant 7 : i32
      %shift_right_arithmetic3A_1761 = arith.shrsi %squeeze3A_1759, %shift_right_arithmetic3A_1760 : i32
      %mul3A_1762 = arith.constant 128 : i32
      %mul3A_1763 = arith.muli %shift_right_arithmetic3A_1761, %mul3A_1762 : i32
      %multiple_of3A_1764 = tpu.assume_multiple %mul3A_1763, 128 : i32
      %dma_start3A_1765 = arith.constant 2 : i32
      %dma_start3A_1766 = arith.constant 1 : i32
      %dma_start3A_1767 = arith.constant 0 : i32
      %dma_start3A_1768 = arith.constant 0 : i32
      %dma_start3A_1769 = tpu.memref_slice %arg6[%dma_start3A_1765, %dma_start3A_1766, %dma_start3A_1767, %dma_start3A_1768] : memref<4x4x32x128xf32, #tpu.memory_space<vmem>> -> memref<1x1x32x128xf32, #tpu.memory_space<vmem>>
      %dma_start3A_1770 = tpu.memref_squeeze %dma_start3A_1769 : memref<1x1x32x128xf32, #tpu.memory_space<vmem>> -> memref<32x128xf32, #tpu.memory_space<vmem>>
      %dma_start3A_1771 = arith.constant 0 : i32
      %dma_start3A_1772 = tpu.memref_slice %arg3[%dma_start3A_1771, %multiple_of3A_1764] : memref<32x1000000xf32, #tpu.memory_space<hbm>> -> memref<32x128xf32, #tpu.memory_space<hbm>>
      %dma_start3A_1773 = arith.constant 0 : i32
      %dma_start3A_1774 = arith.constant 0 : i32
      %dma_start3A_1775 = tpu.memref_slice %arg6[%dma_start3A_1765, %dma_start3A_1766, %dma_start3A_1773, %dma_start3A_1774] : memref<4x4x32x128xf32, #tpu.memory_space<vmem>> -> memref<1x1x32x128xf32, #tpu.memory_space<vmem>>
      %dma_start3A_1776 = tpu.memref_squeeze %dma_start3A_1775 : memref<1x1x32x128xf32, #tpu.memory_space<vmem>> -> memref<32x128xf32, #tpu.memory_space<vmem>>
      %dma_start3A_1777 = arith.constant 0 : i32
      %dma_start3A_1778 = tpu.memref_slice %arg3[%dma_start3A_1777, %multiple_of3A_1764] : memref<32x1000000xf32, #tpu.memory_space<hbm>> -> memref<32x128xf32, #tpu.memory_space<hbm>>
      tpu.enqueue_dma source(%dma_start3A_1778 : memref<32x128xf32, #tpu.memory_space<hbm>>) target(%dma_start3A_1776 : memref<32x128xf32, #tpu.memory_space<vmem>>) target_semaphore(%arg10 : memref<!tpu.dma_semaphore, #tpu.memory_space<semaphore_mem>>)
      %slice3A_1779 = vector.extract_strided_slice %get3A_1736 {offsets = [2], sizes = [1], strides = [1]} : vector<16xi32> to vector<1xi32>
      %squeeze3A_1780 = vector.extract %slice3A_1779[0] : i32 from vector<1xi32>
      %shift_right_arithmetic3A_1781 = arith.constant 7 : i32
      %shift_right_arithmetic3A_1782 = arith.shrsi %squeeze3A_1780, %shift_right_arithmetic3A_1781 : i32
      %mul3A_1783 = arith.constant 128 : i32
      %mul3A_1784 = arith.muli %shift_right_arithmetic3A_1782, %mul3A_1783 : i32
      %multiple_of3A_1785 = tpu.assume_multiple %mul3A_1784, 128 : i32
      %dma_start3A_1786 = arith.constant 2 : i32
      %dma_start3A_1787 = arith.constant 2 : i32
      %dma_start3A_1788 = arith.constant 0 : i32
      %dma_start3A_1789 = arith.constant 0 : i32
      %dma_start3A_1790 = tpu.memref_slice %arg6[%dma_start3A_1786, %dma_start3A_1787, %dma_start3A_1788, %dma_start3A_1789] : memref<4x4x32x128xf32, #tpu.memory_space<vmem>> -> memref<1x1x32x128xf32, #tpu.memory_space<vmem>>
      %dma_start3A_1791 = tpu.memref_squeeze %dma_start3A_1790 : memref<1x1x32x128xf32, #tpu.memory_space<vmem>> -> memref<32x128xf32, #tpu.memory_space<vmem>>
      %dma_start3A_1792 = arith.constant 0 : i32
      %dma_start3A_1793 = tpu.memref_slice %arg3[%dma_start3A_1792, %multiple_of3A_1785] : memref<32x1000000xf32, #tpu.memory_space<hbm>> -> memref<32x128xf32, #tpu.memory_space<hbm>>
      %dma_start3A_1794 = arith.constant 0 : i32
      %dma_start3A_1795 = arith.constant 0 : i32
      %dma_start3A_1796 = tpu.memref_slice %arg6[%dma_start3A_1786, %dma_start3A_1787, %dma_start3A_1794, %dma_start3A_1795] : memref<4x4x32x128xf32, #tpu.memory_space<vmem>> -> memref<1x1x32x128xf32, #tpu.memory_space<vmem>>
      %dma_start3A_1797 = tpu.memref_squeeze %dma_start3A_1796 : memref<1x1x32x128xf32, #tpu.memory_space<vmem>> -> memref<32x128xf32, #tpu.memory_space<vmem>>
      %dma_start3A_1798 = arith.constant 0 : i32
      %dma_start3A_1799 = tpu.memref_slice %arg3[%dma_start3A_1798, %multiple_of3A_1785] : memref<32x1000000xf32, #tpu.memory_space<hbm>> -> memref<32x128xf32, #tpu.memory_space<hbm>>
      tpu.enqueue_dma source(%dma_start3A_1799 : memref<32x128xf32, #tpu.memory_space<hbm>>) target(%dma_start3A_1797 : memref<32x128xf32, #tpu.memory_space<vmem>>) target_semaphore(%arg10 : memref<!tpu.dma_semaphore, #tpu.memory_space<semaphore_mem>>)
      %slice3A_1800 = vector.extract_strided_slice %get3A_1736 {offsets = [3], sizes = [1], strides = [1]} : vector<16xi32> to vector<1xi32>
      %squeeze3A_1801 = vector.extract %slice3A_1800[0] : i32 from vector<1xi32>
      %shift_right_arithmetic3A_1802 = arith.constant 7 : i32
      %shift_right_arithmetic3A_1803 = arith.shrsi %squeeze3A_1801, %shift_right_arithmetic3A_1802 : i32
      %mul3A_1804 = arith.constant 128 : i32
      %mul3A_1805 = arith.muli %shift_right_arithmetic3A_1803, %mul3A_1804 : i32
      %multiple_of3A_1806 = tpu.assume_multiple %mul3A_1805, 128 : i32
      %dma_start3A_1807 = arith.constant 2 : i32
      %dma_start3A_1808 = arith.constant 3 : i32
      %dma_start3A_1809 = arith.constant 0 : i32
      %dma_start3A_1810 = arith.constant 0 : i32
      %dma_start3A_1811 = tpu.memref_slice %arg6[%dma_start3A_1807, %dma_start3A_1808, %dma_start3A_1809, %dma_start3A_1810] : memref<4x4x32x128xf32, #tpu.memory_space<vmem>> -> memref<1x1x32x128xf32, #tpu.memory_space<vmem>>
      %dma_start3A_1812 = tpu.memref_squeeze %dma_start3A_1811 : memref<1x1x32x128xf32, #tpu.memory_space<vmem>> -> memref<32x128xf32, #tpu.memory_space<vmem>>
      %dma_start3A_1813 = arith.constant 0 : i32
      %dma_start3A_1814 = tpu.memref_slice %arg3[%dma_start3A_1813, %multiple_of3A_1806] : memref<32x1000000xf32, #tpu.memory_space<hbm>> -> memref<32x128xf32, #tpu.memory_space<hbm>>
      %dma_start3A_1815 = arith.constant 0 : i32
      %dma_start3A_1816 = arith.constant 0 : i32
      %dma_start3A_1817 = tpu.memref_slice %arg6[%dma_start3A_1807, %dma_start3A_1808, %dma_start3A_1815, %dma_start3A_1816] : memref<4x4x32x128xf32, #tpu.memory_space<vmem>> -> memref<1x1x32x128xf32, #tpu.memory_space<vmem>>
      %dma_start3A_1818 = tpu.memref_squeeze %dma_start3A_1817 : memref<1x1x32x128xf32, #tpu.memory_space<vmem>> -> memref<32x128xf32, #tpu.memory_space<vmem>>
      %dma_start3A_1819 = arith.constant 0 : i32
      %dma_start3A_1820 = tpu.memref_slice %arg3[%dma_start3A_1819, %multiple_of3A_1806] : memref<32x1000000xf32, #tpu.memory_space<hbm>> -> memref<32x128xf32, #tpu.memory_space<hbm>>
      tpu.enqueue_dma source(%dma_start3A_1820 : memref<32x128xf32, #tpu.memory_space<hbm>>) target(%dma_start3A_1818 : memref<32x128xf32, #tpu.memory_space<vmem>>) target_semaphore(%arg10 : memref<!tpu.dma_semaphore, #tpu.memory_space<semaphore_mem>>)
      %dma_wait3A_1821 = arith.constant 3 : i32
      %dma_wait3A_1822 = arith.constant 0 : i32
      %dma_wait3A_1823 = arith.constant 0 : i32
      %dma_wait3A_1824 = arith.constant 0 : i32
      %dma_wait3A_1825 = tpu.memref_slice %arg6[%dma_wait3A_1821, %dma_wait3A_1822, %dma_wait3A_1823, %dma_wait3A_1824] : memref<4x4x32x128xf32, #tpu.memory_space<vmem>> -> memref<1x1x32x128xf32, #tpu.memory_space<vmem>>
      %dma_wait3A_1826 = tpu.memref_squeeze %dma_wait3A_1825 : memref<1x1x32x128xf32, #tpu.memory_space<vmem>> -> memref<32x128xf32, #tpu.memory_space<vmem>>
      %dma_wait3A_1827 = arith.constant 0 : i32
      %dma_wait3A_1828 = arith.constant 0 : i32
      %dma_wait3A_1829 = tpu.memref_slice %arg3[%dma_wait3A_1827, %dma_wait3A_1828] : memref<32x1000000xf32, #tpu.memory_space<hbm>> -> memref<32x128xf32, #tpu.memory_space<hbm>>
      %dma_wait3A_1830 = arith.constant 0 : i32
      %dma_wait3A_1831 = arith.constant 0 : i32
      %dma_wait3A_1832 = tpu.memref_slice %arg6[%dma_wait3A_1821, %dma_wait3A_1822, %dma_wait3A_1830, %dma_wait3A_1831] : memref<4x4x32x128xf32, #tpu.memory_space<vmem>> -> memref<1x1x32x128xf32, #tpu.memory_space<vmem>>
      %dma_wait3A_1833 = tpu.memref_squeeze %dma_wait3A_1832 : memref<1x1x32x128xf32, #tpu.memory_space<vmem>> -> memref<32x128xf32, #tpu.memory_space<vmem>>
      %dma_wait3A_1834 = arith.constant 0 : i32
      %dma_wait3A_1835 = arith.constant 0 : i32
      %dma_wait3A_1836 = tpu.memref_slice %arg3[%dma_wait3A_1834, %dma_wait3A_1835] : memref<32x1000000xf32, #tpu.memory_space<hbm>> -> memref<32x128xf32, #tpu.memory_space<hbm>>
      tpu.wait_dma2 semaphore(%arg11 : memref<!tpu.dma_semaphore, #tpu.memory_space<semaphore_mem>>) src(%dma_wait3A_1836 : memref<32x128xf32, #tpu.memory_space<hbm>>) dst(%dma_wait3A_1833 : memref<32x128xf32, #tpu.memory_space<vmem>>)
      %dma_wait3A_1837 = arith.constant 3 : i32
      %dma_wait3A_1838 = arith.constant 1 : i32
      %dma_wait3A_1839 = arith.constant 0 : i32
      %dma_wait3A_1840 = arith.constant 0 : i32
      %dma_wait3A_1841 = tpu.memref_slice %arg6[%dma_wait3A_1837, %dma_wait3A_1838, %dma_wait3A_1839, %dma_wait3A_1840] : memref<4x4x32x128xf32, #tpu.memory_space<vmem>> -> memref<1x1x32x128xf32, #tpu.memory_space<vmem>>
      %dma_wait3A_1842 = tpu.memref_squeeze %dma_wait3A_1841 : memref<1x1x32x128xf32, #tpu.memory_space<vmem>> -> memref<32x128xf32, #tpu.memory_space<vmem>>
      %dma_wait3A_1843 = arith.constant 0 : i32
      %dma_wait3A_1844 = arith.constant 0 : i32
      %dma_wait3A_1845 = tpu.memref_slice %arg3[%dma_wait3A_1843, %dma_wait3A_1844] : memref<32x1000000xf32, #tpu.memory_space<hbm>> -> memref<32x128xf32, #tpu.memory_space<hbm>>
      %dma_wait3A_1846 = arith.constant 0 : i32
      %dma_wait3A_1847 = arith.constant 0 : i32
      %dma_wait3A_1848 = tpu.memref_slice %arg6[%dma_wait3A_1837, %dma_wait3A_1838, %dma_wait3A_1846, %dma_wait3A_1847] : memref<4x4x32x128xf32, #tpu.memory_space<vmem>> -> memref<1x1x32x128xf32, #tpu.memory_space<vmem>>
      %dma_wait3A_1849 = tpu.memref_squeeze %dma_wait3A_1848 : memref<1x1x32x128xf32, #tpu.memory_space<vmem>> -> memref<32x128xf32, #tpu.memory_space<vmem>>
      %dma_wait3A_1850 = arith.constant 0 : i32
      %dma_wait3A_1851 = arith.constant 0 : i32
      %dma_wait3A_1852 = tpu.memref_slice %arg3[%dma_wait3A_1850, %dma_wait3A_1851] : memref<32x1000000xf32, #tpu.memory_space<hbm>> -> memref<32x128xf32, #tpu.memory_space<hbm>>
      tpu.wait_dma2 semaphore(%arg11 : memref<!tpu.dma_semaphore, #tpu.memory_space<semaphore_mem>>) src(%dma_wait3A_1852 : memref<32x128xf32, #tpu.memory_space<hbm>>) dst(%dma_wait3A_1849 : memref<32x128xf32, #tpu.memory_space<vmem>>)
      %dma_wait3A_1853 = arith.constant 3 : i32
      %dma_wait3A_1854 = arith.constant 2 : i32
      %dma_wait3A_1855 = arith.constant 0 : i32
      %dma_wait3A_1856 = arith.constant 0 : i32
      %dma_wait3A_1857 = tpu.memref_slice %arg6[%dma_wait3A_1853, %dma_wait3A_1854, %dma_wait3A_1855, %dma_wait3A_1856] : memref<4x4x32x128xf32, #tpu.memory_space<vmem>> -> memref<1x1x32x128xf32, #tpu.memory_space<vmem>>
      %dma_wait3A_1858 = tpu.memref_squeeze %dma_wait3A_1857 : memref<1x1x32x128xf32, #tpu.memory_space<vmem>> -> memref<32x128xf32, #tpu.memory_space<vmem>>
      %dma_wait3A_1859 = arith.constant 0 : i32
      %dma_wait3A_1860 = arith.constant 0 : i32
      %dma_wait3A_1861 = tpu.memref_slice %arg3[%dma_wait3A_1859, %dma_wait3A_1860] : memref<32x1000000xf32, #tpu.memory_space<hbm>> -> memref<32x128xf32, #tpu.memory_space<hbm>>
      %dma_wait3A_1862 = arith.constant 0 : i32
      %dma_wait3A_1863 = arith.constant 0 : i32
      %dma_wait3A_1864 = tpu.memref_slice %arg6[%dma_wait3A_1853, %dma_wait3A_1854, %dma_wait3A_1862, %dma_wait3A_1863] : memref<4x4x32x128xf32, #tpu.memory_space<vmem>> -> memref<1x1x32x128xf32, #tpu.memory_space<vmem>>
      %dma_wait3A_1865 = tpu.memref_squeeze %dma_wait3A_1864 : memref<1x1x32x128xf32, #tpu.memory_space<vmem>> -> memref<32x128xf32, #tpu.memory_space<vmem>>
      %dma_wait3A_1866 = arith.constant 0 : i32
      %dma_wait3A_1867 = arith.constant 0 : i32
      %dma_wait3A_1868 = tpu.memref_slice %arg3[%dma_wait3A_1866, %dma_wait3A_1867] : memref<32x1000000xf32, #tpu.memory_space<hbm>> -> memref<32x128xf32, #tpu.memory_space<hbm>>
      tpu.wait_dma2 semaphore(%arg11 : memref<!tpu.dma_semaphore, #tpu.memory_space<semaphore_mem>>) src(%dma_wait3A_1868 : memref<32x128xf32, #tpu.memory_space<hbm>>) dst(%dma_wait3A_1865 : memref<32x128xf32, #tpu.memory_space<vmem>>)
      %dma_wait3A_1869 = arith.constant 3 : i32
      %dma_wait3A_1870 = arith.constant 3 : i32
      %dma_wait3A_1871 = arith.constant 0 : i32
      %dma_wait3A_1872 = arith.constant 0 : i32
      %dma_wait3A_1873 = tpu.memref_slice %arg6[%dma_wait3A_1869, %dma_wait3A_1870, %dma_wait3A_1871, %dma_wait3A_1872] : memref<4x4x32x128xf32, #tpu.memory_space<vmem>> -> memref<1x1x32x128xf32, #tpu.memory_space<vmem>>
      %dma_wait3A_1874 = tpu.memref_squeeze %dma_wait3A_1873 : memref<1x1x32x128xf32, #tpu.memory_space<vmem>> -> memref<32x128xf32, #tpu.memory_space<vmem>>
      %dma_wait3A_1875 = arith.constant 0 : i32
      %dma_wait3A_1876 = arith.constant 0 : i32
      %dma_wait3A_1877 = tpu.memref_slice %arg3[%dma_wait3A_1875, %dma_wait3A_1876] : memref<32x1000000xf32, #tpu.memory_space<hbm>> -> memref<32x128xf32, #tpu.memory_space<hbm>>
      %dma_wait3A_1878 = arith.constant 0 : i32
      %dma_wait3A_1879 = arith.constant 0 : i32
      %dma_wait3A_1880 = tpu.memref_slice %arg6[%dma_wait3A_1869, %dma_wait3A_1870, %dma_wait3A_1878, %dma_wait3A_1879] : memref<4x4x32x128xf32, #tpu.memory_space<vmem>> -> memref<1x1x32x128xf32, #tpu.memory_space<vmem>>
      %dma_wait3A_1881 = tpu.memref_squeeze %dma_wait3A_1880 : memref<1x1x32x128xf32, #tpu.memory_space<vmem>> -> memref<32x128xf32, #tpu.memory_space<vmem>>
      %dma_wait3A_1882 = arith.constant 0 : i32
      %dma_wait3A_1883 = arith.constant 0 : i32
      %dma_wait3A_1884 = tpu.memref_slice %arg3[%dma_wait3A_1882, %dma_wait3A_1883] : memref<32x1000000xf32, #tpu.memory_space<hbm>> -> memref<32x128xf32, #tpu.memory_space<hbm>>
      tpu.wait_dma2 semaphore(%arg11 : memref<!tpu.dma_semaphore, #tpu.memory_space<semaphore_mem>>) src(%dma_wait3A_1884 : memref<32x128xf32, #tpu.memory_space<hbm>>) dst(%dma_wait3A_1881 : memref<32x128xf32, #tpu.memory_space<vmem>>)
      %mul3A_1885 = arith.constant 4 : i32
      %mul3A_1886 = arith.muli %add3A_1728, %mul3A_1885 : i32
      %get3A_1887 = arith.index_cast %mul3A_1886 : i32 to index
      %get3A_1888 = tpu.vector_load %arg5[%get3A_1887] {strides = array<i32>} : memref<528xi32, #tpu.memory_space<vmem>>, vector<16xi32>,
      %slice3A_1889 = vector.extract_strided_slice %get3A_1888 {offsets = [0], sizes = [1], strides = [1]} : vector<16xi32> to vector<1xi32>
      %squeeze3A_1890 = vector.extract %slice3A_1889[0] : i32 from vector<1xi32>
      %and3A_1891 = arith.constant 127 : i32
      %and3A_1892 = arith.andi %squeeze3A_1890, %and3A_1891 : i32
      %broadcast_in_dim3A_1893 = vector.broadcast %and3A_1892 : i32 to vector<16xi32>
      %mul3A_1894 = arith.constant 4 : i32
      %mul3A_1895 = arith.muli %add3A_1728, %mul3A_1894 : i32
      %add3A_1896 = arith.constant 0 : i32
      %add3A_1897 = arith.addi %mul3A_1895, %add3A_1896 : i32
      %broadcast_in_dim3A_1898 = vector.broadcast %add3A_1897 : i32 to vector<16xi32>
      %gather3A_1899 = arith.constant 3 : i32
      %gather3A_1900 = arith.constant 0 : i32
      %gather3A_1901 = arith.constant 0 : i32
      %gather3A_1902 = arith.constant 0 : i32
      %gather3A_1903 = tpu.memref_slice %arg6[%gather3A_1899, %gather3A_1900, %gather3A_1901, %gather3A_1902] : memref<4x4x32x128xf32, #tpu.memory_space<vmem>> -> memref<1x1x32x128xf32, #tpu.memory_space<vmem>>
      %gather3A_1904 = tpu.memref_squeeze %gather3A_1903 : memref<1x1x32x128xf32, #tpu.memory_space<vmem>> -> memref<32x128xf32, #tpu.memory_space<vmem>>
      %gather3A_1905 = tpu.vector_load_idx %gather3A_1904[%iota3A, %broadcast_in_dim3A_1893] : memref<32x128xf32, #tpu.memory_space<vmem>>[vector<16xi32>, vector<16xi32>], vector<16xf32>,
      %gather3A_1906 = arith.constant 3 : i32
      %gather3A_1907 = arith.constant 0 : i32
      %gather3A_1908 = arith.constant 0 : i32
      %gather3A_1909 = arith.constant 0 : i32
      %gather3A_1910 = tpu.memref_slice %arg6[%gather3A_1906, %gather3A_1907, %gather3A_1908, %gather3A_1909] : memref<4x4x32x128xf32, #tpu.memory_space<vmem>> -> memref<1x1x32x128xf32, #tpu.memory_space<vmem>>
      %gather3A_1911 = tpu.memref_squeeze %gather3A_1910 : memref<1x1x32x128xf32, #tpu.memory_space<vmem>> -> memref<32x128xf32, #tpu.memory_space<vmem>>
      %gather3A_1912 = tpu.vector_load_idx %gather3A_1911[%add3A_5, %broadcast_in_dim3A_1893] : memref<32x128xf32, #tpu.memory_space<vmem>>[vector<16xi32>, vector<16xi32>], vector<16xf32>,
      tpu.vector_store_idx %arg7[%iota3A, %broadcast_in_dim3A_1898], %gather3A_1905 : memref<32x512xf32, #tpu.memory_space<vmem>>[vector<16xi32>, vector<16xi32>], vector<16xf32>,
      tpu.vector_store_idx %arg7[%add3A_5, %broadcast_in_dim3A_1898], %gather3A_1912 : memref<32x512xf32, #tpu.memory_space<vmem>>[vector<16xi32>, vector<16xi32>], vector<16xf32>,
      %slice3A_1913 = vector.extract_strided_slice %get3A_1888 {offsets = [1], sizes = [1], strides = [1]} : vector<16xi32> to vector<1xi32>
      %squeeze3A_1914 = vector.extract %slice3A_1913[0] : i32 from vector<1xi32>
      %and3A_1915 = arith.constant 127 : i32
      %and3A_1916 = arith.andi %squeeze3A_1914, %and3A_1915 : i32
      %broadcast_in_dim3A_1917 = vector.broadcast %and3A_1916 : i32 to vector<16xi32>
      %mul3A_1918 = arith.constant 4 : i32
      %mul3A_1919 = arith.muli %add3A_1728, %mul3A_1918 : i32
      %add3A_1920 = arith.constant 1 : i32
      %add3A_1921 = arith.addi %mul3A_1919, %add3A_1920 : i32
      %broadcast_in_dim3A_1922 = vector.broadcast %add3A_1921 : i32 to vector<16xi32>
      %gather3A_1923 = arith.constant 3 : i32
      %gather3A_1924 = arith.constant 1 : i32
      %gather3A_1925 = arith.constant 0 : i32
      %gather3A_1926 = arith.constant 0 : i32
      %gather3A_1927 = tpu.memref_slice %arg6[%gather3A_1923, %gather3A_1924, %gather3A_1925, %gather3A_1926] : memref<4x4x32x128xf32, #tpu.memory_space<vmem>> -> memref<1x1x32x128xf32, #tpu.memory_space<vmem>>
      %gather3A_1928 = tpu.memref_squeeze %gather3A_1927 : memref<1x1x32x128xf32, #tpu.memory_space<vmem>> -> memref<32x128xf32, #tpu.memory_space<vmem>>
      %gather3A_1929 = tpu.vector_load_idx %gather3A_1928[%iota3A, %broadcast_in_dim3A_1917] : memref<32x128xf32, #tpu.memory_space<vmem>>[vector<16xi32>, vector<16xi32>], vector<16xf32>,
      %gather3A_1930 = arith.constant 3 : i32
      %gather3A_1931 = arith.constant 1 : i32
      %gather3A_1932 = arith.constant 0 : i32
      %gather3A_1933 = arith.constant 0 : i32
      %gather3A_1934 = tpu.memref_slice %arg6[%gather3A_1930, %gather3A_1931, %gather3A_1932, %gather3A_1933] : memref<4x4x32x128xf32, #tpu.memory_space<vmem>> -> memref<1x1x32x128xf32, #tpu.memory_space<vmem>>
      %gather3A_1935 = tpu.memref_squeeze %gather3A_1934 : memref<1x1x32x128xf32, #tpu.memory_space<vmem>> -> memref<32x128xf32, #tpu.memory_space<vmem>>
      %gather3A_1936 = tpu.vector_load_idx %gather3A_1935[%add3A_5, %broadcast_in_dim3A_1917] : memref<32x128xf32, #tpu.memory_space<vmem>>[vector<16xi32>, vector<16xi32>], vector<16xf32>,
      tpu.vector_store_idx %arg7[%iota3A, %broadcast_in_dim3A_1922], %gather3A_1929 : memref<32x512xf32, #tpu.memory_space<vmem>>[vector<16xi32>, vector<16xi32>], vector<16xf32>,
      tpu.vector_store_idx %arg7[%add3A_5, %broadcast_in_dim3A_1922], %gather3A_1936 : memref<32x512xf32, #tpu.memory_space<vmem>>[vector<16xi32>, vector<16xi32>], vector<16xf32>,
      %slice3A_1937 = vector.extract_strided_slice %get3A_1888 {offsets = [2], sizes = [1], strides = [1]} : vector<16xi32> to vector<1xi32>
      %squeeze3A_1938 = vector.extract %slice3A_1937[0] : i32 from vector<1xi32>
      %and3A_1939 = arith.constant 127 : i32
      %and3A_1940 = arith.andi %squeeze3A_1938, %and3A_1939 : i32
      %broadcast_in_dim3A_1941 = vector.broadcast %and3A_1940 : i32 to vector<16xi32>
      %mul3A_1942 = arith.constant 4 : i32
      %mul3A_1943 = arith.muli %add3A_1728, %mul3A_1942 : i32
      %add3A_1944 = arith.constant 2 : i32
      %add3A_1945 = arith.addi %mul3A_1943, %add3A_1944 : i32
      %broadcast_in_dim3A_1946 = vector.broadcast %add3A_1945 : i32 to vector<16xi32>
      %gather3A_1947 = arith.constant 3 : i32
      %gather3A_1948 = arith.constant 2 : i32
      %gather3A_1949 = arith.constant 0 : i32
      %gather3A_1950 = arith.constant 0 : i32
      %gather3A_1951 = tpu.memref_slice %arg6[%gather3A_1947, %gather3A_1948, %gather3A_1949, %gather3A_1950] : memref<4x4x32x128xf32, #tpu.memory_space<vmem>> -> memref<1x1x32x128xf32, #tpu.memory_space<vmem>>
      %gather3A_1952 = tpu.memref_squeeze %gather3A_1951 : memref<1x1x32x128xf32, #tpu.memory_space<vmem>> -> memref<32x128xf32, #tpu.memory_space<vmem>>
      %gather3A_1953 = tpu.vector_load_idx %gather3A_1952[%iota3A, %broadcast_in_dim3A_1941] : memref<32x128xf32, #tpu.memory_space<vmem>>[vector<16xi32>, vector<16xi32>], vector<16xf32>,
      %gather3A_1954 = arith.constant 3 : i32
      %gather3A_1955 = arith.constant 2 : i32
      %gather3A_1956 = arith.constant 0 : i32
      %gather3A_1957 = arith.constant 0 : i32
      %gather3A_1958 = tpu.memref_slice %arg6[%gather3A_1954, %gather3A_1955, %gather3A_1956, %gather3A_1957] : memref<4x4x32x128xf32, #tpu.memory_space<vmem>> -> memref<1x1x32x128xf32, #tpu.memory_space<vmem>>
      %gather3A_1959 = tpu.memref_squeeze %gather3A_1958 : memref<1x1x32x128xf32, #tpu.memory_space<vmem>> -> memref<32x128xf32, #tpu.memory_space<vmem>>
      %gather3A_1960 = tpu.vector_load_idx %gather3A_1959[%add3A_5, %broadcast_in_dim3A_1941] : memref<32x128xf32, #tpu.memory_space<vmem>>[vector<16xi32>, vector<16xi32>], vector<16xf32>,
      tpu.vector_store_idx %arg7[%iota3A, %broadcast_in_dim3A_1946], %gather3A_1953 : memref<32x512xf32, #tpu.memory_space<vmem>>[vector<16xi32>, vector<16xi32>], vector<16xf32>,
      tpu.vector_store_idx %arg7[%add3A_5, %broadcast_in_dim3A_1946], %gather3A_1960 : memref<32x512xf32, #tpu.memory_space<vmem>>[vector<16xi32>, vector<16xi32>], vector<16xf32>,
      %slice3A_1961 = vector.extract_strided_slice %get3A_1888 {offsets = [3], sizes = [1], strides = [1]} : vector<16xi32> to vector<1xi32>
      %squeeze3A_1962 = vector.extract %slice3A_1961[0] : i32 from vector<1xi32>
      %and3A_1963 = arith.constant 127 : i32
      %and3A_1964 = arith.andi %squeeze3A_1962, %and3A_1963 : i32
      %broadcast_in_dim3A_1965 = vector.broadcast %and3A_1964 : i32 to vector<16xi32>
      %mul3A_1966 = arith.constant 4 : i32
      %mul3A_1967 = arith.muli %add3A_1728, %mul3A_1966 : i32
      %add3A_1968 = arith.constant 3 : i32
      %add3A_1969 = arith.addi %mul3A_1967, %add3A_1968 : i32
      %broadcast_in_dim3A_1970 = vector.broadcast %add3A_1969 : i32 to vector<16xi32>
      %gather3A_1971 = arith.constant 3 : i32
      %gather3A_1972 = arith.constant 3 : i32
      %gather3A_1973 = arith.constant 0 : i32
      %gather3A_1974 = arith.constant 0 : i32
      %gather3A_1975 = tpu.memref_slice %arg6[%gather3A_1971, %gather3A_1972, %gather3A_1973, %gather3A_1974] : memref<4x4x32x128xf32, #tpu.memory_space<vmem>> -> memref<1x1x32x128xf32, #tpu.memory_space<vmem>>
      %gather3A_1976 = tpu.memref_squeeze %gather3A_1975 : memref<1x1x32x128xf32, #tpu.memory_space<vmem>> -> memref<32x128xf32, #tpu.memory_space<vmem>>
      %gather3A_1977 = tpu.vector_load_idx %gather3A_1976[%iota3A, %broadcast_in_dim3A_1965] : memref<32x128xf32, #tpu.memory_space<vmem>>[vector<16xi32>, vector<16xi32>], vector<16xf32>,
      %gather3A_1978 = arith.constant 3 : i32
      %gather3A_1979 = arith.constant 3 : i32
      %gather3A_1980 = arith.constant 0 : i32
      %gather3A_1981 = arith.constant 0 : i32
      %gather3A_1982 = tpu.memref_slice %arg6[%gather3A_1978, %gather3A_1979, %gather3A_1980, %gather3A_1981] : memref<4x4x32x128xf32, #tpu.memory_space<vmem>> -> memref<1x1x32x128xf32, #tpu.memory_space<vmem>>
      %gather3A_1983 = tpu.memref_squeeze %gather3A_1982 : memref<1x1x32x128xf32, #tpu.memory_space<vmem>> -> memref<32x128xf32, #tpu.memory_space<vmem>>
      %gather3A_1984 = tpu.vector_load_idx %gather3A_1983[%add3A_5, %broadcast_in_dim3A_1965] : memref<32x128xf32, #tpu.memory_space<vmem>>[vector<16xi32>, vector<16xi32>], vector<16xf32>,
      tpu.vector_store_idx %arg7[%iota3A, %broadcast_in_dim3A_1970], %gather3A_1977 : memref<32x512xf32, #tpu.memory_space<vmem>>[vector<16xi32>, vector<16xi32>], vector<16xf32>,
      tpu.vector_store_idx %arg7[%add3A_5, %broadcast_in_dim3A_1970], %gather3A_1984 : memref<32x512xf32, #tpu.memory_space<vmem>>[vector<16xi32>, vector<16xi32>], vector<16xf32>,
    }
    %scan3A_262 = arith.constant 31 : i32
    %get3A_263 = arith.constant 508 : index
    %get3A_264 = tpu.vector_load %arg5[%get3A_263] {strides = array<i32>} : memref<528xi32, #tpu.memory_space<vmem>>, vector<16xi32>,
    %slice3A_265 = vector.extract_strided_slice %get3A_264 {offsets = [0], sizes = [1], strides = [1]} : vector<16xi32> to vector<1xi32>
    %squeeze3A_266 = vector.extract %slice3A_265[0] : i32 from vector<1xi32>
    %shift_right_arithmetic3A_267 = arith.constant 7 : i32
    %shift_right_arithmetic3A_268 = arith.shrsi %squeeze3A_266, %shift_right_arithmetic3A_267 : i32
    %mul3A_269 = arith.constant 128 : i32
    %mul3A_270 = arith.muli %shift_right_arithmetic3A_268, %mul3A_269 : i32
    %multiple_of3A_271 = tpu.assume_multiple %mul3A_270, 128 : i32
    %dma_start3A_272 = arith.constant 3 : i32
    %dma_start3A_273 = arith.constant 0 : i32
    %dma_start3A_274 = arith.constant 0 : i32
    %dma_start3A_275 = arith.constant 0 : i32
    %dma_start3A_276 = tpu.memref_slice %arg6[%dma_start3A_272, %dma_start3A_273, %dma_start3A_274, %dma_start3A_275] : memref<4x4x32x128xf32, #tpu.memory_space<vmem>> -> memref<1x1x32x128xf32, #tpu.memory_space<vmem>>
    %dma_start3A_277 = tpu.memref_squeeze %dma_start3A_276 : memref<1x1x32x128xf32, #tpu.memory_space<vmem>> -> memref<32x128xf32, #tpu.memory_space<vmem>>
    %dma_start3A_278 = arith.constant 0 : i32
    %dma_start3A_279 = tpu.memref_slice %arg3[%dma_start3A_278, %multiple_of3A_271] : memref<32x1000000xf32, #tpu.memory_space<hbm>> -> memref<32x128xf32, #tpu.memory_space<hbm>>
    %dma_start3A_280 = arith.constant 0 : i32
    %dma_start3A_281 = arith.constant 0 : i32
    %dma_start3A_282 = tpu.memref_slice %arg6[%dma_start3A_272, %dma_start3A_273, %dma_start3A_280, %dma_start3A_281] : memref<4x4x32x128xf32, #tpu.memory_space<vmem>> -> memref<1x1x32x128xf32, #tpu.memory_space<vmem>>
    %dma_start3A_283 = tpu.memref_squeeze %dma_start3A_282 : memref<1x1x32x128xf32, #tpu.memory_space<vmem>> -> memref<32x128xf32, #tpu.memory_space<vmem>>
    %dma_start3A_284 = arith.constant 0 : i32
    %dma_start3A_285 = tpu.memref_slice %arg3[%dma_start3A_284, %multiple_of3A_271] : memref<32x1000000xf32, #tpu.memory_space<hbm>> -> memref<32x128xf32, #tpu.memory_space<hbm>>
    tpu.enqueue_dma source(%dma_start3A_285 : memref<32x128xf32, #tpu.memory_space<hbm>>) target(%dma_start3A_283 : memref<32x128xf32, #tpu.memory_space<vmem>>) target_semaphore(%arg11 : memref<!tpu.dma_semaphore, #tpu.memory_space<semaphore_mem>>)
    %slice3A_286 = vector.extract_strided_slice %get3A_264 {offsets = [1], sizes = [1], strides = [1]} : vector<16xi32> to vector<1xi32>
    %squeeze3A_287 = vector.extract %slice3A_286[0] : i32 from vector<1xi32>
    %shift_right_arithmetic3A_288 = arith.constant 7 : i32
    %shift_right_arithmetic3A_289 = arith.shrsi %squeeze3A_287, %shift_right_arithmetic3A_288 : i32
    %mul3A_290 = arith.constant 128 : i32
    %mul3A_291 = arith.muli %shift_right_arithmetic3A_289, %mul3A_290 : i32
    %multiple_of3A_292 = tpu.assume_multiple %mul3A_291, 128 : i32
    %dma_start3A_293 = arith.constant 3 : i32
    %dma_start3A_294 = arith.constant 1 : i32
    %dma_start3A_295 = arith.constant 0 : i32
    %dma_start3A_296 = arith.constant 0 : i32
    %dma_start3A_297 = tpu.memref_slice %arg6[%dma_start3A_293, %dma_start3A_294, %dma_start3A_295, %dma_start3A_296] : memref<4x4x32x128xf32, #tpu.memory_space<vmem>> -> memref<1x1x32x128xf32, #tpu.memory_space<vmem>>
    %dma_start3A_298 = tpu.memref_squeeze %dma_start3A_297 : memref<1x1x32x128xf32, #tpu.memory_space<vmem>> -> memref<32x128xf32, #tpu.memory_space<vmem>>
    %dma_start3A_299 = arith.constant 0 : i32
    %dma_start3A_300 = tpu.memref_slice %arg3[%dma_start3A_299, %multiple_of3A_292] : memref<32x1000000xf32, #tpu.memory_space<hbm>> -> memref<32x128xf32, #tpu.memory_space<hbm>>
    %dma_start3A_301 = arith.constant 0 : i32
    %dma_start3A_302 = arith.constant 0 : i32
    %dma_start3A_303 = tpu.memref_slice %arg6[%dma_start3A_293, %dma_start3A_294, %dma_start3A_301, %dma_start3A_302] : memref<4x4x32x128xf32, #tpu.memory_space<vmem>> -> memref<1x1x32x128xf32, #tpu.memory_space<vmem>>
    %dma_start3A_304 = tpu.memref_squeeze %dma_start3A_303 : memref<1x1x32x128xf32, #tpu.memory_space<vmem>> -> memref<32x128xf32, #tpu.memory_space<vmem>>
    %dma_start3A_305 = arith.constant 0 : i32
    %dma_start3A_306 = tpu.memref_slice %arg3[%dma_start3A_305, %multiple_of3A_292] : memref<32x1000000xf32, #tpu.memory_space<hbm>> -> memref<32x128xf32, #tpu.memory_space<hbm>>
    tpu.enqueue_dma source(%dma_start3A_306 : memref<32x128xf32, #tpu.memory_space<hbm>>) target(%dma_start3A_304 : memref<32x128xf32, #tpu.memory_space<vmem>>) target_semaphore(%arg11 : memref<!tpu.dma_semaphore, #tpu.memory_space<semaphore_mem>>)
    %slice3A_307 = vector.extract_strided_slice %get3A_264 {offsets = [2], sizes = [1], strides = [1]} : vector<16xi32> to vector<1xi32>
    %squeeze3A_308 = vector.extract %slice3A_307[0] : i32 from vector<1xi32>
    %shift_right_arithmetic3A_309 = arith.constant 7 : i32
    %shift_right_arithmetic3A_310 = arith.shrsi %squeeze3A_308, %shift_right_arithmetic3A_309 : i32
    %mul3A_311 = arith.constant 128 : i32
    %mul3A_312 = arith.muli %shift_right_arithmetic3A_310, %mul3A_311 : i32
    %multiple_of3A_313 = tpu.assume_multiple %mul3A_312, 128 : i32
    %dma_start3A_314 = arith.constant 3 : i32
    %dma_start3A_315 = arith.constant 2 : i32
    %dma_start3A_316 = arith.constant 0 : i32
    %dma_start3A_317 = arith.constant 0 : i32
    %dma_start3A_318 = tpu.memref_slice %arg6[%dma_start3A_314, %dma_start3A_315, %dma_start3A_316, %dma_start3A_317] : memref<4x4x32x128xf32, #tpu.memory_space<vmem>> -> memref<1x1x32x128xf32, #tpu.memory_space<vmem>>
    %dma_start3A_319 = tpu.memref_squeeze %dma_start3A_318 : memref<1x1x32x128xf32, #tpu.memory_space<vmem>> -> memref<32x128xf32, #tpu.memory_space<vmem>>
    %dma_start3A_320 = arith.constant 0 : i32
    %dma_start3A_321 = tpu.memref_slice %arg3[%dma_start3A_320, %multiple_of3A_313] : memref<32x1000000xf32, #tpu.memory_space<hbm>> -> memref<32x128xf32, #tpu.memory_space<hbm>>
    %dma_start3A_322 = arith.constant 0 : i32
    %dma_start3A_323 = arith.constant 0 : i32
    %dma_start3A_324 = tpu.memref_slice %arg6[%dma_start3A_314, %dma_start3A_315, %dma_start3A_322, %dma_start3A_323] : memref<4x4x32x128xf32, #tpu.memory_space<vmem>> -> memref<1x1x32x128xf32, #tpu.memory_space<vmem>>
    %dma_start3A_325 = tpu.memref_squeeze %dma_start3A_324 : memref<1x1x32x128xf32, #tpu.memory_space<vmem>> -> memref<32x128xf32, #tpu.memory_space<vmem>>
    %dma_start3A_326 = arith.constant 0 : i32
    %dma_start3A_327 = tpu.memref_slice %arg3[%dma_start3A_326, %multiple_of3A_313] : memref<32x1000000xf32, #tpu.memory_space<hbm>> -> memref<32x128xf32, #tpu.memory_space<hbm>>
    tpu.enqueue_dma source(%dma_start3A_327 : memref<32x128xf32, #tpu.memory_space<hbm>>) target(%dma_start3A_325 : memref<32x128xf32, #tpu.memory_space<vmem>>) target_semaphore(%arg11 : memref<!tpu.dma_semaphore, #tpu.memory_space<semaphore_mem>>)
    %slice3A_328 = vector.extract_strided_slice %get3A_264 {offsets = [3], sizes = [1], strides = [1]} : vector<16xi32> to vector<1xi32>
    %squeeze3A_329 = vector.extract %slice3A_328[0] : i32 from vector<1xi32>
    %shift_right_arithmetic3A_330 = arith.constant 7 : i32
    %shift_right_arithmetic3A_331 = arith.shrsi %squeeze3A_329, %shift_right_arithmetic3A_330 : i32
    %mul3A_332 = arith.constant 128 : i32
    %mul3A_333 = arith.muli %shift_right_arithmetic3A_331, %mul3A_332 : i32
    %multiple_of3A_334 = tpu.assume_multiple %mul3A_333, 128 : i32
    %dma_start3A_335 = arith.constant 3 : i32
    %dma_start3A_336 = arith.constant 3 : i32
    %dma_start3A_337 = arith.constant 0 : i32
    %dma_start3A_338 = arith.constant 0 : i32
    %dma_start3A_339 = tpu.memref_slice %arg6[%dma_start3A_335, %dma_start3A_336, %dma_start3A_337, %dma_start3A_338] : memref<4x4x32x128xf32, #tpu.memory_space<vmem>> -> memref<1x1x32x128xf32, #tpu.memory_space<vmem>>
    %dma_start3A_340 = tpu.memref_squeeze %dma_start3A_339 : memref<1x1x32x128xf32, #tpu.memory_space<vmem>> -> memref<32x128xf32, #tpu.memory_space<vmem>>
    %dma_start3A_341 = arith.constant 0 : i32
    %dma_start3A_342 = tpu.memref_slice %arg3[%dma_start3A_341, %multiple_of3A_334] : memref<32x1000000xf32, #tpu.memory_space<hbm>> -> memref<32x128xf32, #tpu.memory_space<hbm>>
    %dma_start3A_343 = arith.constant 0 : i32
    %dma_start3A_344 = arith.constant 0 : i32
    %dma_start3A_345 = tpu.memref_slice %arg6[%dma_start3A_335, %dma_start3A_336, %dma_start3A_343, %dma_start3A_344] : memref<4x4x32x128xf32, #tpu.memory_space<vmem>> -> memref<1x1x32x128xf32, #tpu.memory_space<vmem>>
    %dma_start3A_346 = tpu.memref_squeeze %dma_start3A_345 : memref<1x1x32x128xf32, #tpu.memory_space<vmem>> -> memref<32x128xf32, #tpu.memory_space<vmem>>
    %dma_start3A_347 = arith.constant 0 : i32
    %dma_start3A_348 = tpu.memref_slice %arg3[%dma_start3A_347, %multiple_of3A_334] : memref<32x1000000xf32, #tpu.memory_space<hbm>> -> memref<32x128xf32, #tpu.memory_space<hbm>>
    tpu.enqueue_dma source(%dma_start3A_348 : memref<32x128xf32, #tpu.memory_space<hbm>>) target(%dma_start3A_346 : memref<32x128xf32, #tpu.memory_space<vmem>>) target_semaphore(%arg11 : memref<!tpu.dma_semaphore, #tpu.memory_space<semaphore_mem>>)
    %dma_wait3A = arith.constant 0 : i32
    %dma_wait3A_349 = arith.constant 0 : i32
    %dma_wait3A_350 = arith.constant 0 : i32
    %dma_wait3A_351 = arith.constant 0 : i32
    %dma_wait3A_352 = tpu.memref_slice %arg6[%dma_wait3A, %dma_wait3A_349, %dma_wait3A_350, %dma_wait3A_351] : memref<4x4x32x128xf32, #tpu.memory_space<vmem>> -> memref<1x1x32x128xf32, #tpu.memory_space<vmem>>
    %dma_wait3A_353 = tpu.memref_squeeze %dma_wait3A_352 : memref<1x1x32x128xf32, #tpu.memory_space<vmem>> -> memref<32x128xf32, #tpu.memory_space<vmem>>
    %dma_wait3A_354 = arith.constant 0 : i32
    %dma_wait3A_355 = arith.constant 0 : i32
    %dma_wait3A_356 = tpu.memref_slice %arg3[%dma_wait3A_354, %dma_wait3A_355] : memref<32x1000000xf32, #tpu.memory_space<hbm>> -> memref<32x128xf32, #tpu.memory_space<hbm>>
    %dma_wait3A_357 = arith.constant 0 : i32
    %dma_wait3A_358 = arith.constant 0 : i32
    %dma_wait3A_359 = tpu.memref_slice %arg6[%dma_wait3A, %dma_wait3A_349, %dma_wait3A_357, %dma_wait3A_358] : memref<4x4x32x128xf32, #tpu.memory_space<vmem>> -> memref<1x1x32x128xf32, #tpu.memory_space<vmem>>
    %dma_wait3A_360 = tpu.memref_squeeze %dma_wait3A_359 : memref<1x1x32x128xf32, #tpu.memory_space<vmem>> -> memref<32x128xf32, #tpu.memory_space<vmem>>
    %dma_wait3A_361 = arith.constant 0 : i32
    %dma_wait3A_362 = arith.constant 0 : i32
    %dma_wait3A_363 = tpu.memref_slice %arg3[%dma_wait3A_361, %dma_wait3A_362] : memref<32x1000000xf32, #tpu.memory_space<hbm>> -> memref<32x128xf32, #tpu.memory_space<hbm>>
    tpu.wait_dma2 semaphore(%arg8 : memref<!tpu.dma_semaphore, #tpu.memory_space<semaphore_mem>>) src(%dma_wait3A_363 : memref<32x128xf32, #tpu.memory_space<hbm>>) dst(%dma_wait3A_360 : memref<32x128xf32, #tpu.memory_space<vmem>>)
    %dma_wait3A_364 = arith.constant 0 : i32
    %dma_wait3A_365 = arith.constant 1 : i32
    %dma_wait3A_366 = arith.constant 0 : i32
    %dma_wait3A_367 = arith.constant 0 : i32
    %dma_wait3A_368 = tpu.memref_slice %arg6[%dma_wait3A_364, %dma_wait3A_365, %dma_wait3A_366, %dma_wait3A_367] : memref<4x4x32x128xf32, #tpu.memory_space<vmem>> -> memref<1x1x32x128xf32, #tpu.memory_space<vmem>>
    %dma_wait3A_369 = tpu.memref_squeeze %dma_wait3A_368 : memref<1x1x32x128xf32, #tpu.memory_space<vmem>> -> memref<32x128xf32, #tpu.memory_space<vmem>>
    %dma_wait3A_370 = arith.constant 0 : i32
    %dma_wait3A_371 = arith.constant 0 : i32
    %dma_wait3A_372 = tpu.memref_slice %arg3[%dma_wait3A_370, %dma_wait3A_371] : memref<32x1000000xf32, #tpu.memory_space<hbm>> -> memref<32x128xf32, #tpu.memory_space<hbm>>
    %dma_wait3A_373 = arith.constant 0 : i32
    %dma_wait3A_374 = arith.constant 0 : i32
    %dma_wait3A_375 = tpu.memref_slice %arg6[%dma_wait3A_364, %dma_wait3A_365, %dma_wait3A_373, %dma_wait3A_374] : memref<4x4x32x128xf32, #tpu.memory_space<vmem>> -> memref<1x1x32x128xf32, #tpu.memory_space<vmem>>
    %dma_wait3A_376 = tpu.memref_squeeze %dma_wait3A_375 : memref<1x1x32x128xf32, #tpu.memory_space<vmem>> -> memref<32x128xf32, #tpu.memory_space<vmem>>
    %dma_wait3A_377 = arith.constant 0 : i32
    %dma_wait3A_378 = arith.constant 0 : i32
    %dma_wait3A_379 = tpu.memref_slice %arg3[%dma_wait3A_377, %dma_wait3A_378] : memref<32x1000000xf32, #tpu.memory_space<hbm>> -> memref<32x128xf32, #tpu.memory_space<hbm>>
    tpu.wait_dma2 semaphore(%arg8 : memref<!tpu.dma_semaphore, #tpu.memory_space<semaphore_mem>>) src(%dma_wait3A_379 : memref<32x128xf32, #tpu.memory_space<hbm>>) dst(%dma_wait3A_376 : memref<32x128xf32, #tpu.memory_space<vmem>>)
    %dma_wait3A_380 = arith.constant 0 : i32
    %dma_wait3A_381 = arith.constant 2 : i32
    %dma_wait3A_382 = arith.constant 0 : i32
    %dma_wait3A_383 = arith.constant 0 : i32
    %dma_wait3A_384 = tpu.memref_slice %arg6[%dma_wait3A_380, %dma_wait3A_381, %dma_wait3A_382, %dma_wait3A_383] : memref<4x4x32x128xf32, #tpu.memory_space<vmem>> -> memref<1x1x32x128xf32, #tpu.memory_space<vmem>>
    %dma_wait3A_385 = tpu.memref_squeeze %dma_wait3A_384 : memref<1x1x32x128xf32, #tpu.memory_space<vmem>> -> memref<32x128xf32, #tpu.memory_space<vmem>>
    %dma_wait3A_386 = arith.constant 0 : i32
    %dma_wait3A_387 = arith.constant 0 : i32
    %dma_wait3A_388 = tpu.memref_slice %arg3[%dma_wait3A_386, %dma_wait3A_387] : memref<32x1000000xf32, #tpu.memory_space<hbm>> -> memref<32x128xf32, #tpu.memory_space<hbm>>
    %dma_wait3A_389 = arith.constant 0 : i32
    %dma_wait3A_390 = arith.constant 0 : i32
    %dma_wait3A_391 = tpu.memref_slice %arg6[%dma_wait3A_380, %dma_wait3A_381, %dma_wait3A_389, %dma_wait3A_390] : memref<4x4x32x128xf32, #tpu.memory_space<vmem>> -> memref<1x1x32x128xf32, #tpu.memory_space<vmem>>
    %dma_wait3A_392 = tpu.memref_squeeze %dma_wait3A_391 : memref<1x1x32x128xf32, #tpu.memory_space<vmem>> -> memref<32x128xf32, #tpu.memory_space<vmem>>
    %dma_wait3A_393 = arith.constant 0 : i32
    %dma_wait3A_394 = arith.constant 0 : i32
    %dma_wait3A_395 = tpu.memref_slice %arg3[%dma_wait3A_393, %dma_wait3A_394] : memref<32x1000000xf32, #tpu.memory_space<hbm>> -> memref<32x128xf32, #tpu.memory_space<hbm>>
    tpu.wait_dma2 semaphore(%arg8 : memref<!tpu.dma_semaphore, #tpu.memory_space<semaphore_mem>>) src(%dma_wait3A_395 : memref<32x128xf32, #tpu.memory_space<hbm>>) dst(%dma_wait3A_392 : memref<32x128xf32, #tpu.memory_space<vmem>>)
    %dma_wait3A_396 = arith.constant 0 : i32
    %dma_wait3A_397 = arith.constant 3 : i32
    %dma_wait3A_398 = arith.constant 0 : i32
    %dma_wait3A_399 = arith.constant 0 : i32
    %dma_wait3A_400 = tpu.memref_slice %arg6[%dma_wait3A_396, %dma_wait3A_397, %dma_wait3A_398, %dma_wait3A_399] : memref<4x4x32x128xf32, #tpu.memory_space<vmem>> -> memref<1x1x32x128xf32, #tpu.memory_space<vmem>>
    %dma_wait3A_401 = tpu.memref_squeeze %dma_wait3A_400 : memref<1x1x32x128xf32, #tpu.memory_space<vmem>> -> memref<32x128xf32, #tpu.memory_space<vmem>>
    %dma_wait3A_402 = arith.constant 0 : i32
    %dma_wait3A_403 = arith.constant 0 : i32
    %dma_wait3A_404 = tpu.memref_slice %arg3[%dma_wait3A_402, %dma_wait3A_403] : memref<32x1000000xf32, #tpu.memory_space<hbm>> -> memref<32x128xf32, #tpu.memory_space<hbm>>
    %dma_wait3A_405 = arith.constant 0 : i32
    %dma_wait3A_406 = arith.constant 0 : i32
    %dma_wait3A_407 = tpu.memref_slice %arg6[%dma_wait3A_396, %dma_wait3A_397, %dma_wait3A_405, %dma_wait3A_406] : memref<4x4x32x128xf32, #tpu.memory_space<vmem>> -> memref<1x1x32x128xf32, #tpu.memory_space<vmem>>
    %dma_wait3A_408 = tpu.memref_squeeze %dma_wait3A_407 : memref<1x1x32x128xf32, #tpu.memory_space<vmem>> -> memref<32x128xf32, #tpu.memory_space<vmem>>
    %dma_wait3A_409 = arith.constant 0 : i32
    %dma_wait3A_410 = arith.constant 0 : i32
    %dma_wait3A_411 = tpu.memref_slice %arg3[%dma_wait3A_409, %dma_wait3A_410] : memref<32x1000000xf32, #tpu.memory_space<hbm>> -> memref<32x128xf32, #tpu.memory_space<hbm>>
    tpu.wait_dma2 semaphore(%arg8 : memref<!tpu.dma_semaphore, #tpu.memory_space<semaphore_mem>>) src(%dma_wait3A_411 : memref<32x128xf32, #tpu.memory_space<hbm>>) dst(%dma_wait3A_408 : memref<32x128xf32, #tpu.memory_space<vmem>>)
    %get3A_412 = arith.constant 496 : index
    %get3A_413 = tpu.vector_load %arg5[%get3A_412] {strides = array<i32>} : memref<528xi32, #tpu.memory_space<vmem>>, vector<16xi32>,
    %slice3A_414 = vector.extract_strided_slice %get3A_413 {offsets = [0], sizes = [1], strides = [1]} : vector<16xi32> to vector<1xi32>
    %squeeze3A_415 = vector.extract %slice3A_414[0] : i32 from vector<1xi32>
    %and3A = arith.constant 127 : i32
    %and3A_416 = arith.andi %squeeze3A_415, %and3A : i32
    %broadcast_in_dim3A = vector.broadcast %and3A_416 : i32 to vector<16xi32>
    %broadcast_in_dim3A_417 = arith.constant 496 : i32
    %broadcast_in_dim3A_418 = vector.broadcast %broadcast_in_dim3A_417 : i32 to vector<16xi32>
    %gather3A = arith.constant 0 : i32
    %gather3A_419 = arith.constant 0 : i32
    %gather3A_420 = arith.constant 0 : i32
    %gather3A_421 = arith.constant 0 : i32
    %gather3A_422 = tpu.memref_slice %arg6[%gather3A, %gather3A_419, %gather3A_420, %gather3A_421] : memref<4x4x32x128xf32, #tpu.memory_space<vmem>> -> memref<1x1x32x128xf32, #tpu.memory_space<vmem>>
    %gather3A_423 = tpu.memref_squeeze %gather3A_422 : memref<1x1x32x128xf32, #tpu.memory_space<vmem>> -> memref<32x128xf32, #tpu.memory_space<vmem>>
    %gather3A_424 = tpu.vector_load_idx %gather3A_423[%iota3A, %broadcast_in_dim3A] : memref<32x128xf32, #tpu.memory_space<vmem>>[vector<16xi32>, vector<16xi32>], vector<16xf32>,
    %gather3A_425 = arith.constant 0 : i32
    %gather3A_426 = arith.constant 0 : i32
    %gather3A_427 = arith.constant 0 : i32
    %gather3A_428 = arith.constant 0 : i32
    %gather3A_429 = tpu.memref_slice %arg6[%gather3A_425, %gather3A_426, %gather3A_427, %gather3A_428] : memref<4x4x32x128xf32, #tpu.memory_space<vmem>> -> memref<1x1x32x128xf32, #tpu.memory_space<vmem>>
    %gather3A_430 = tpu.memref_squeeze %gather3A_429 : memref<1x1x32x128xf32, #tpu.memory_space<vmem>> -> memref<32x128xf32, #tpu.memory_space<vmem>>
    %gather3A_431 = tpu.vector_load_idx %gather3A_430[%add3A_5, %broadcast_in_dim3A] : memref<32x128xf32, #tpu.memory_space<vmem>>[vector<16xi32>, vector<16xi32>], vector<16xf32>,
    tpu.vector_store_idx %arg7[%iota3A, %broadcast_in_dim3A_418], %gather3A_424 : memref<32x512xf32, #tpu.memory_space<vmem>>[vector<16xi32>, vector<16xi32>], vector<16xf32>,
    tpu.vector_store_idx %arg7[%add3A_5, %broadcast_in_dim3A_418], %gather3A_431 : memref<32x512xf32, #tpu.memory_space<vmem>>[vector<16xi32>, vector<16xi32>], vector<16xf32>,
    %slice3A_432 = vector.extract_strided_slice %get3A_413 {offsets = [1], sizes = [1], strides = [1]} : vector<16xi32> to vector<1xi32>
    %squeeze3A_433 = vector.extract %slice3A_432[0] : i32 from vector<1xi32>
    %and3A_434 = arith.constant 127 : i32
    %and3A_435 = arith.andi %squeeze3A_433, %and3A_434 : i32
    %broadcast_in_dim3A_436 = vector.broadcast %and3A_435 : i32 to vector<16xi32>
    %broadcast_in_dim3A_437 = arith.constant 497 : i32
    %broadcast_in_dim3A_438 = vector.broadcast %broadcast_in_dim3A_437 : i32 to vector<16xi32>
    %gather3A_439 = arith.constant 0 : i32
    %gather3A_440 = arith.constant 1 : i32
    %gather3A_441 = arith.constant 0 : i32
    %gather3A_442 = arith.constant 0 : i32
    %gather3A_443 = tpu.memref_slice %arg6[%gather3A_439, %gather3A_440, %gather3A_441, %gather3A_442] : memref<4x4x32x128xf32, #tpu.memory_space<vmem>> -> memref<1x1x32x128xf32, #tpu.memory_space<vmem>>
    %gather3A_444 = tpu.memref_squeeze %gather3A_443 : memref<1x1x32x128xf32, #tpu.memory_space<vmem>> -> memref<32x128xf32, #tpu.memory_space<vmem>>
    %gather3A_445 = tpu.vector_load_idx %gather3A_444[%iota3A, %broadcast_in_dim3A_436] : memref<32x128xf32, #tpu.memory_space<vmem>>[vector<16xi32>, vector<16xi32>], vector<16xf32>,
    %gather3A_446 = arith.constant 0 : i32
    %gather3A_447 = arith.constant 1 : i32
    %gather3A_448 = arith.constant 0 : i32
    %gather3A_449 = arith.constant 0 : i32
    %gather3A_450 = tpu.memref_slice %arg6[%gather3A_446, %gather3A_447, %gather3A_448, %gather3A_449] : memref<4x4x32x128xf32, #tpu.memory_space<vmem>> -> memref<1x1x32x128xf32, #tpu.memory_space<vmem>>
    %gather3A_451 = tpu.memref_squeeze %gather3A_450 : memref<1x1x32x128xf32, #tpu.memory_space<vmem>> -> memref<32x128xf32, #tpu.memory_space<vmem>>
    %gather3A_452 = tpu.vector_load_idx %gather3A_451[%add3A_5, %broadcast_in_dim3A_436] : memref<32x128xf32, #tpu.memory_space<vmem>>[vector<16xi32>, vector<16xi32>], vector<16xf32>,
    tpu.vector_store_idx %arg7[%iota3A, %broadcast_in_dim3A_438], %gather3A_445 : memref<32x512xf32, #tpu.memory_space<vmem>>[vector<16xi32>, vector<16xi32>], vector<16xf32>,
    tpu.vector_store_idx %arg7[%add3A_5, %broadcast_in_dim3A_438], %gather3A_452 : memref<32x512xf32, #tpu.memory_space<vmem>>[vector<16xi32>, vector<16xi32>], vector<16xf32>,
    %slice3A_453 = vector.extract_strided_slice %get3A_413 {offsets = [2], sizes = [1], strides = [1]} : vector<16xi32> to vector<1xi32>
    %squeeze3A_454 = vector.extract %slice3A_453[0] : i32 from vector<1xi32>
    %and3A_455 = arith.constant 127 : i32
    %and3A_456 = arith.andi %squeeze3A_454, %and3A_455 : i32
    %broadcast_in_dim3A_457 = vector.broadcast %and3A_456 : i32 to vector<16xi32>
    %broadcast_in_dim3A_458 = arith.constant 498 : i32
    %broadcast_in_dim3A_459 = vector.broadcast %broadcast_in_dim3A_458 : i32 to vector<16xi32>
    %gather3A_460 = arith.constant 0 : i32
    %gather3A_461 = arith.constant 2 : i32
    %gather3A_462 = arith.constant 0 : i32
    %gather3A_463 = arith.constant 0 : i32
    %gather3A_464 = tpu.memref_slice %arg6[%gather3A_460, %gather3A_461, %gather3A_462, %gather3A_463] : memref<4x4x32x128xf32, #tpu.memory_space<vmem>> -> memref<1x1x32x128xf32, #tpu.memory_space<vmem>>
    %gather3A_465 = tpu.memref_squeeze %gather3A_464 : memref<1x1x32x128xf32, #tpu.memory_space<vmem>> -> memref<32x128xf32, #tpu.memory_space<vmem>>
    %gather3A_466 = tpu.vector_load_idx %gather3A_465[%iota3A, %broadcast_in_dim3A_457] : memref<32x128xf32, #tpu.memory_space<vmem>>[vector<16xi32>, vector<16xi32>], vector<16xf32>,
    %gather3A_467 = arith.constant 0 : i32
    %gather3A_468 = arith.constant 2 : i32
    %gather3A_469 = arith.constant 0 : i32
    %gather3A_470 = arith.constant 0 : i32
    %gather3A_471 = tpu.memref_slice %arg6[%gather3A_467, %gather3A_468, %gather3A_469, %gather3A_470] : memref<4x4x32x128xf32, #tpu.memory_space<vmem>> -> memref<1x1x32x128xf32, #tpu.memory_space<vmem>>
    %gather3A_472 = tpu.memref_squeeze %gather3A_471 : memref<1x1x32x128xf32, #tpu.memory_space<vmem>> -> memref<32x128xf32, #tpu.memory_space<vmem>>
    %gather3A_473 = tpu.vector_load_idx %gather3A_472[%add3A_5, %broadcast_in_dim3A_457] : memref<32x128xf32, #tpu.memory_space<vmem>>[vector<16xi32>, vector<16xi32>], vector<16xf32>,
    tpu.vector_store_idx %arg7[%iota3A, %broadcast_in_dim3A_459], %gather3A_466 : memref<32x512xf32, #tpu.memory_space<vmem>>[vector<16xi32>, vector<16xi32>], vector<16xf32>,
    tpu.vector_store_idx %arg7[%add3A_5, %broadcast_in_dim3A_459], %gather3A_473 : memref<32x512xf32, #tpu.memory_space<vmem>>[vector<16xi32>, vector<16xi32>], vector<16xf32>,
    %slice3A_474 = vector.extract_strided_slice %get3A_413 {offsets = [3], sizes = [1], strides = [1]} : vector<16xi32> to vector<1xi32>
    %squeeze3A_475 = vector.extract %slice3A_474[0] : i32 from vector<1xi32>
    %and3A_476 = arith.constant 127 : i32
    %and3A_477 = arith.andi %squeeze3A_475, %and3A_476 : i32
    %broadcast_in_dim3A_478 = vector.broadcast %and3A_477 : i32 to vector<16xi32>
    %broadcast_in_dim3A_479 = arith.constant 499 : i32
    %broadcast_in_dim3A_480 = vector.broadcast %broadcast_in_dim3A_479 : i32 to vector<16xi32>
    %gather3A_481 = arith.constant 0 : i32
    %gather3A_482 = arith.constant 3 : i32
    %gather3A_483 = arith.constant 0 : i32
    %gather3A_484 = arith.constant 0 : i32
    %gather3A_485 = tpu.memref_slice %arg6[%gather3A_481, %gather3A_482, %gather3A_483, %gather3A_484] : memref<4x4x32x128xf32, #tpu.memory_space<vmem>> -> memref<1x1x32x128xf32, #tpu.memory_space<vmem>>
    %gather3A_486 = tpu.memref_squeeze %gather3A_485 : memref<1x1x32x128xf32, #tpu.memory_space<vmem>> -> memref<32x128xf32, #tpu.memory_space<vmem>>
    %gather3A_487 = tpu.vector_load_idx %gather3A_486[%iota3A, %broadcast_in_dim3A_478] : memref<32x128xf32, #tpu.memory_space<vmem>>[vector<16xi32>, vector<16xi32>], vector<16xf32>,
    %gather3A_488 = arith.constant 0 : i32
    %gather3A_489 = arith.constant 3 : i32
    %gather3A_490 = arith.constant 0 : i32
    %gather3A_491 = arith.constant 0 : i32
    %gather3A_492 = tpu.memref_slice %arg6[%gather3A_488, %gather3A_489, %gather3A_490, %gather3A_491] : memref<4x4x32x128xf32, #tpu.memory_space<vmem>> -> memref<1x1x32x128xf32, #tpu.memory_space<vmem>>
    %gather3A_493 = tpu.memref_squeeze %gather3A_492 : memref<1x1x32x128xf32, #tpu.memory_space<vmem>> -> memref<32x128xf32, #tpu.memory_space<vmem>>
    %gather3A_494 = tpu.vector_load_idx %gather3A_493[%add3A_5, %broadcast_in_dim3A_478] : memref<32x128xf32, #tpu.memory_space<vmem>>[vector<16xi32>, vector<16xi32>], vector<16xf32>,
    tpu.vector_store_idx %arg7[%iota3A, %broadcast_in_dim3A_480], %gather3A_487 : memref<32x512xf32, #tpu.memory_space<vmem>>[vector<16xi32>, vector<16xi32>], vector<16xf32>,
    tpu.vector_store_idx %arg7[%add3A_5, %broadcast_in_dim3A_480], %gather3A_494 : memref<32x512xf32, #tpu.memory_space<vmem>>[vector<16xi32>, vector<16xi32>], vector<16xf32>,
    %dma_wait3A_495 = arith.constant 1 : i32
    %dma_wait3A_496 = arith.constant 0 : i32
    %dma_wait3A_497 = arith.constant 0 : i32
    %dma_wait3A_498 = arith.constant 0 : i32
    %dma_wait3A_499 = tpu.memref_slice %arg6[%dma_wait3A_495, %dma_wait3A_496, %dma_wait3A_497, %dma_wait3A_498] : memref<4x4x32x128xf32, #tpu.memory_space<vmem>> -> memref<1x1x32x128xf32, #tpu.memory_space<vmem>>
    %dma_wait3A_500 = tpu.memref_squeeze %dma_wait3A_499 : memref<1x1x32x128xf32, #tpu.memory_space<vmem>> -> memref<32x128xf32, #tpu.memory_space<vmem>>
    %dma_wait3A_501 = arith.constant 0 : i32
    %dma_wait3A_502 = arith.constant 0 : i32
    %dma_wait3A_503 = tpu.memref_slice %arg3[%dma_wait3A_501, %dma_wait3A_502] : memref<32x1000000xf32, #tpu.memory_space<hbm>> -> memref<32x128xf32, #tpu.memory_space<hbm>>
    %dma_wait3A_504 = arith.constant 0 : i32
    %dma_wait3A_505 = arith.constant 0 : i32
    %dma_wait3A_506 = tpu.memref_slice %arg6[%dma_wait3A_495, %dma_wait3A_496, %dma_wait3A_504, %dma_wait3A_505] : memref<4x4x32x128xf32, #tpu.memory_space<vmem>> -> memref<1x1x32x128xf32, #tpu.memory_space<vmem>>
    %dma_wait3A_507 = tpu.memref_squeeze %dma_wait3A_506 : memref<1x1x32x128xf32, #tpu.memory_space<vmem>> -> memref<32x128xf32, #tpu.memory_space<vmem>>
    %dma_wait3A_508 = arith.constant 0 : i32
    %dma_wait3A_509 = arith.constant 0 : i32
    %dma_wait3A_510 = tpu.memref_slice %arg3[%dma_wait3A_508, %dma_wait3A_509] : memref<32x1000000xf32, #tpu.memory_space<hbm>> -> memref<32x128xf32, #tpu.memory_space<hbm>>
    tpu.wait_dma2 semaphore(%arg9 : memref<!tpu.dma_semaphore, #tpu.memory_space<semaphore_mem>>) src(%dma_wait3A_510 : memref<32x128xf32, #tpu.memory_space<hbm>>) dst(%dma_wait3A_507 : memref<32x128xf32, #tpu.memory_space<vmem>>)
    %dma_wait3A_511 = arith.constant 1 : i32
    %dma_wait3A_512 = arith.constant 1 : i32
    %dma_wait3A_513 = arith.constant 0 : i32
    %dma_wait3A_514 = arith.constant 0 : i32
    %dma_wait3A_515 = tpu.memref_slice %arg6[%dma_wait3A_511, %dma_wait3A_512, %dma_wait3A_513, %dma_wait3A_514] : memref<4x4x32x128xf32, #tpu.memory_space<vmem>> -> memref<1x1x32x128xf32, #tpu.memory_space<vmem>>
    %dma_wait3A_516 = tpu.memref_squeeze %dma_wait3A_515 : memref<1x1x32x128xf32, #tpu.memory_space<vmem>> -> memref<32x128xf32, #tpu.memory_space<vmem>>
    %dma_wait3A_517 = arith.constant 0 : i32
    %dma_wait3A_518 = arith.constant 0 : i32
    %dma_wait3A_519 = tpu.memref_slice %arg3[%dma_wait3A_517, %dma_wait3A_518] : memref<32x1000000xf32, #tpu.memory_space<hbm>> -> memref<32x128xf32, #tpu.memory_space<hbm>>
    %dma_wait3A_520 = arith.constant 0 : i32
    %dma_wait3A_521 = arith.constant 0 : i32
    %dma_wait3A_522 = tpu.memref_slice %arg6[%dma_wait3A_511, %dma_wait3A_512, %dma_wait3A_520, %dma_wait3A_521] : memref<4x4x32x128xf32, #tpu.memory_space<vmem>> -> memref<1x1x32x128xf32, #tpu.memory_space<vmem>>
    %dma_wait3A_523 = tpu.memref_squeeze %dma_wait3A_522 : memref<1x1x32x128xf32, #tpu.memory_space<vmem>> -> memref<32x128xf32, #tpu.memory_space<vmem>>
    %dma_wait3A_524 = arith.constant 0 : i32
    %dma_wait3A_525 = arith.constant 0 : i32
    %dma_wait3A_526 = tpu.memref_slice %arg3[%dma_wait3A_524, %dma_wait3A_525] : memref<32x1000000xf32, #tpu.memory_space<hbm>> -> memref<32x128xf32, #tpu.memory_space<hbm>>
    tpu.wait_dma2 semaphore(%arg9 : memref<!tpu.dma_semaphore, #tpu.memory_space<semaphore_mem>>) src(%dma_wait3A_526 : memref<32x128xf32, #tpu.memory_space<hbm>>) dst(%dma_wait3A_523 : memref<32x128xf32, #tpu.memory_space<vmem>>)
    %dma_wait3A_527 = arith.constant 1 : i32
    %dma_wait3A_528 = arith.constant 2 : i32
    %dma_wait3A_529 = arith.constant 0 : i32
    %dma_wait3A_530 = arith.constant 0 : i32
    %dma_wait3A_531 = tpu.memref_slice %arg6[%dma_wait3A_527, %dma_wait3A_528, %dma_wait3A_529, %dma_wait3A_530] : memref<4x4x32x128xf32, #tpu.memory_space<vmem>> -> memref<1x1x32x128xf32, #tpu.memory_space<vmem>>
    %dma_wait3A_532 = tpu.memref_squeeze %dma_wait3A_531 : memref<1x1x32x128xf32, #tpu.memory_space<vmem>> -> memref<32x128xf32, #tpu.memory_space<vmem>>
    %dma_wait3A_533 = arith.constant 0 : i32
    %dma_wait3A_534 = arith.constant 0 : i32
    %dma_wait3A_535 = tpu.memref_slice %arg3[%dma_wait3A_533, %dma_wait3A_534] : memref<32x1000000xf32, #tpu.memory_space<hbm>> -> memref<32x128xf32, #tpu.memory_space<hbm>>
    %dma_wait3A_536 = arith.constant 0 : i32
    %dma_wait3A_537 = arith.constant 0 : i32
    %dma_wait3A_538 = tpu.memref_slice %arg6[%dma_wait3A_527, %dma_wait3A_528, %dma_wait3A_536, %dma_wait3A_537] : memref<4x4x32x128xf32, #tpu.memory_space<vmem>> -> memref<1x1x32x128xf32, #tpu.memory_space<vmem>>
    %dma_wait3A_539 = tpu.memref_squeeze %dma_wait3A_538 : memref<1x1x32x128xf32, #tpu.memory_space<vmem>> -> memref<32x128xf32, #tpu.memory_space<vmem>>
    %dma_wait3A_540 = arith.constant 0 : i32
    %dma_wait3A_541 = arith.constant 0 : i32
    %dma_wait3A_542 = tpu.memref_slice %arg3[%dma_wait3A_540, %dma_wait3A_541] : memref<32x1000000xf32, #tpu.memory_space<hbm>> -> memref<32x128xf32, #tpu.memory_space<hbm>>
    tpu.wait_dma2 semaphore(%arg9 : memref<!tpu.dma_semaphore, #tpu.memory_space<semaphore_mem>>) src(%dma_wait3A_542 : memref<32x128xf32, #tpu.memory_space<hbm>>) dst(%dma_wait3A_539 : memref<32x128xf32, #tpu.memory_space<vmem>>)
    %dma_wait3A_543 = arith.constant 1 : i32
    %dma_wait3A_544 = arith.constant 3 : i32
    %dma_wait3A_545 = arith.constant 0 : i32
    %dma_wait3A_546 = arith.constant 0 : i32
    %dma_wait3A_547 = tpu.memref_slice %arg6[%dma_wait3A_543, %dma_wait3A_544, %dma_wait3A_545, %dma_wait3A_546] : memref<4x4x32x128xf32, #tpu.memory_space<vmem>> -> memref<1x1x32x128xf32, #tpu.memory_space<vmem>>
    %dma_wait3A_548 = tpu.memref_squeeze %dma_wait3A_547 : memref<1x1x32x128xf32, #tpu.memory_space<vmem>> -> memref<32x128xf32, #tpu.memory_space<vmem>>
    %dma_wait3A_549 = arith.constant 0 : i32
    %dma_wait3A_550 = arith.constant 0 : i32
    %dma_wait3A_551 = tpu.memref_slice %arg3[%dma_wait3A_549, %dma_wait3A_550] : memref<32x1000000xf32, #tpu.memory_space<hbm>> -> memref<32x128xf32, #tpu.memory_space<hbm>>
    %dma_wait3A_552 = arith.constant 0 : i32
    %dma_wait3A_553 = arith.constant 0 : i32
    %dma_wait3A_554 = tpu.memref_slice %arg6[%dma_wait3A_543, %dma_wait3A_544, %dma_wait3A_552, %dma_wait3A_553] : memref<4x4x32x128xf32, #tpu.memory_space<vmem>> -> memref<1x1x32x128xf32, #tpu.memory_space<vmem>>
    %dma_wait3A_555 = tpu.memref_squeeze %dma_wait3A_554 : memref<1x1x32x128xf32, #tpu.memory_space<vmem>> -> memref<32x128xf32, #tpu.memory_space<vmem>>
    %dma_wait3A_556 = arith.constant 0 : i32
    %dma_wait3A_557 = arith.constant 0 : i32
    %dma_wait3A_558 = tpu.memref_slice %arg3[%dma_wait3A_556, %dma_wait3A_557] : memref<32x1000000xf32, #tpu.memory_space<hbm>> -> memref<32x128xf32, #tpu.memory_space<hbm>>
    tpu.wait_dma2 semaphore(%arg9 : memref<!tpu.dma_semaphore, #tpu.memory_space<semaphore_mem>>) src(%dma_wait3A_558 : memref<32x128xf32, #tpu.memory_space<hbm>>) dst(%dma_wait3A_555 : memref<32x128xf32, #tpu.memory_space<vmem>>)
    %get3A_559 = arith.constant 500 : index
    %get3A_560 = tpu.vector_load %arg5[%get3A_559] {strides = array<i32>} : memref<528xi32, #tpu.memory_space<vmem>>, vector<16xi32>,
    %slice3A_561 = vector.extract_strided_slice %get3A_560 {offsets = [0], sizes = [1], strides = [1]} : vector<16xi32> to vector<1xi32>
    %squeeze3A_562 = vector.extract %slice3A_561[0] : i32 from vector<1xi32>
    %and3A_563 = arith.constant 127 : i32
    %and3A_564 = arith.andi %squeeze3A_562, %and3A_563 : i32
    %broadcast_in_dim3A_565 = vector.broadcast %and3A_564 : i32 to vector<16xi32>
    %broadcast_in_dim3A_566 = arith.constant 500 : i32
    %broadcast_in_dim3A_567 = vector.broadcast %broadcast_in_dim3A_566 : i32 to vector<16xi32>
    %gather3A_568 = arith.constant 1 : i32
    %gather3A_569 = arith.constant 0 : i32
    %gather3A_570 = arith.constant 0 : i32
    %gather3A_571 = arith.constant 0 : i32
    %gather3A_572 = tpu.memref_slice %arg6[%gather3A_568, %gather3A_569, %gather3A_570, %gather3A_571] : memref<4x4x32x128xf32, #tpu.memory_space<vmem>> -> memref<1x1x32x128xf32, #tpu.memory_space<vmem>>
    %gather3A_573 = tpu.memref_squeeze %gather3A_572 : memref<1x1x32x128xf32, #tpu.memory_space<vmem>> -> memref<32x128xf32, #tpu.memory_space<vmem>>
    %gather3A_574 = tpu.vector_load_idx %gather3A_573[%iota3A, %broadcast_in_dim3A_565] : memref<32x128xf32, #tpu.memory_space<vmem>>[vector<16xi32>, vector<16xi32>], vector<16xf32>,
    %gather3A_575 = arith.constant 1 : i32
    %gather3A_576 = arith.constant 0 : i32
    %gather3A_577 = arith.constant 0 : i32
    %gather3A_578 = arith.constant 0 : i32
    %gather3A_579 = tpu.memref_slice %arg6[%gather3A_575, %gather3A_576, %gather3A_577, %gather3A_578] : memref<4x4x32x128xf32, #tpu.memory_space<vmem>> -> memref<1x1x32x128xf32, #tpu.memory_space<vmem>>
    %gather3A_580 = tpu.memref_squeeze %gather3A_579 : memref<1x1x32x128xf32, #tpu.memory_space<vmem>> -> memref<32x128xf32, #tpu.memory_space<vmem>>
    %gather3A_581 = tpu.vector_load_idx %gather3A_580[%add3A_5, %broadcast_in_dim3A_565] : memref<32x128xf32, #tpu.memory_space<vmem>>[vector<16xi32>, vector<16xi32>], vector<16xf32>,
    tpu.vector_store_idx %arg7[%iota3A, %broadcast_in_dim3A_567], %gather3A_574 : memref<32x512xf32, #tpu.memory_space<vmem>>[vector<16xi32>, vector<16xi32>], vector<16xf32>,
    tpu.vector_store_idx %arg7[%add3A_5, %broadcast_in_dim3A_567], %gather3A_581 : memref<32x512xf32, #tpu.memory_space<vmem>>[vector<16xi32>, vector<16xi32>], vector<16xf32>,
    %slice3A_582 = vector.extract_strided_slice %get3A_560 {offsets = [1], sizes = [1], strides = [1]} : vector<16xi32> to vector<1xi32>
    %squeeze3A_583 = vector.extract %slice3A_582[0] : i32 from vector<1xi32>
    %and3A_584 = arith.constant 127 : i32
    %and3A_585 = arith.andi %squeeze3A_583, %and3A_584 : i32
    %broadcast_in_dim3A_586 = vector.broadcast %and3A_585 : i32 to vector<16xi32>
    %broadcast_in_dim3A_587 = arith.constant 501 : i32
    %broadcast_in_dim3A_588 = vector.broadcast %broadcast_in_dim3A_587 : i32 to vector<16xi32>
    %gather3A_589 = arith.constant 1 : i32
    %gather3A_590 = arith.constant 1 : i32
    %gather3A_591 = arith.constant 0 : i32
    %gather3A_592 = arith.constant 0 : i32
    %gather3A_593 = tpu.memref_slice %arg6[%gather3A_589, %gather3A_590, %gather3A_591, %gather3A_592] : memref<4x4x32x128xf32, #tpu.memory_space<vmem>> -> memref<1x1x32x128xf32, #tpu.memory_space<vmem>>
    %gather3A_594 = tpu.memref_squeeze %gather3A_593 : memref<1x1x32x128xf32, #tpu.memory_space<vmem>> -> memref<32x128xf32, #tpu.memory_space<vmem>>
    %gather3A_595 = tpu.vector_load_idx %gather3A_594[%iota3A, %broadcast_in_dim3A_586] : memref<32x128xf32, #tpu.memory_space<vmem>>[vector<16xi32>, vector<16xi32>], vector<16xf32>,
    %gather3A_596 = arith.constant 1 : i32
    %gather3A_597 = arith.constant 1 : i32
    %gather3A_598 = arith.constant 0 : i32
    %gather3A_599 = arith.constant 0 : i32
    %gather3A_600 = tpu.memref_slice %arg6[%gather3A_596, %gather3A_597, %gather3A_598, %gather3A_599] : memref<4x4x32x128xf32, #tpu.memory_space<vmem>> -> memref<1x1x32x128xf32, #tpu.memory_space<vmem>>
    %gather3A_601 = tpu.memref_squeeze %gather3A_600 : memref<1x1x32x128xf32, #tpu.memory_space<vmem>> -> memref<32x128xf32, #tpu.memory_space<vmem>>
    %gather3A_602 = tpu.vector_load_idx %gather3A_601[%add3A_5, %broadcast_in_dim3A_586] : memref<32x128xf32, #tpu.memory_space<vmem>>[vector<16xi32>, vector<16xi32>], vector<16xf32>,
    tpu.vector_store_idx %arg7[%iota3A, %broadcast_in_dim3A_588], %gather3A_595 : memref<32x512xf32, #tpu.memory_space<vmem>>[vector<16xi32>, vector<16xi32>], vector<16xf32>,
    tpu.vector_store_idx %arg7[%add3A_5, %broadcast_in_dim3A_588], %gather3A_602 : memref<32x512xf32, #tpu.memory_space<vmem>>[vector<16xi32>, vector<16xi32>], vector<16xf32>,
    %slice3A_603 = vector.extract_strided_slice %get3A_560 {offsets = [2], sizes = [1], strides = [1]} : vector<16xi32> to vector<1xi32>
    %squeeze3A_604 = vector.extract %slice3A_603[0] : i32 from vector<1xi32>
    %and3A_605 = arith.constant 127 : i32
    %and3A_606 = arith.andi %squeeze3A_604, %and3A_605 : i32
    %broadcast_in_dim3A_607 = vector.broadcast %and3A_606 : i32 to vector<16xi32>
    %broadcast_in_dim3A_608 = arith.constant 502 : i32
    %broadcast_in_dim3A_609 = vector.broadcast %broadcast_in_dim3A_608 : i32 to vector<16xi32>
    %gather3A_610 = arith.constant 1 : i32
    %gather3A_611 = arith.constant 2 : i32
    %gather3A_612 = arith.constant 0 : i32
    %gather3A_613 = arith.constant 0 : i32
    %gather3A_614 = tpu.memref_slice %arg6[%gather3A_610, %gather3A_611, %gather3A_612, %gather3A_613] : memref<4x4x32x128xf32, #tpu.memory_space<vmem>> -> memref<1x1x32x128xf32, #tpu.memory_space<vmem>>
    %gather3A_615 = tpu.memref_squeeze %gather3A_614 : memref<1x1x32x128xf32, #tpu.memory_space<vmem>> -> memref<32x128xf32, #tpu.memory_space<vmem>>
    %gather3A_616 = tpu.vector_load_idx %gather3A_615[%iota3A, %broadcast_in_dim3A_607] : memref<32x128xf32, #tpu.memory_space<vmem>>[vector<16xi32>, vector<16xi32>], vector<16xf32>,
    %gather3A_617 = arith.constant 1 : i32
    %gather3A_618 = arith.constant 2 : i32
    %gather3A_619 = arith.constant 0 : i32
    %gather3A_620 = arith.constant 0 : i32
    %gather3A_621 = tpu.memref_slice %arg6[%gather3A_617, %gather3A_618, %gather3A_619, %gather3A_620] : memref<4x4x32x128xf32, #tpu.memory_space<vmem>> -> memref<1x1x32x128xf32, #tpu.memory_space<vmem>>
    %gather3A_622 = tpu.memref_squeeze %gather3A_621 : memref<1x1x32x128xf32, #tpu.memory_space<vmem>> -> memref<32x128xf32, #tpu.memory_space<vmem>>
    %gather3A_623 = tpu.vector_load_idx %gather3A_622[%add3A_5, %broadcast_in_dim3A_607] : memref<32x128xf32, #tpu.memory_space<vmem>>[vector<16xi32>, vector<16xi32>], vector<16xf32>,
    tpu.vector_store_idx %arg7[%iota3A, %broadcast_in_dim3A_609], %gather3A_616 : memref<32x512xf32, #tpu.memory_space<vmem>>[vector<16xi32>, vector<16xi32>], vector<16xf32>,
    tpu.vector_store_idx %arg7[%add3A_5, %broadcast_in_dim3A_609], %gather3A_623 : memref<32x512xf32, #tpu.memory_space<vmem>>[vector<16xi32>, vector<16xi32>], vector<16xf32>,
    %slice3A_624 = vector.extract_strided_slice %get3A_560 {offsets = [3], sizes = [1], strides = [1]} : vector<16xi32> to vector<1xi32>
    %squeeze3A_625 = vector.extract %slice3A_624[0] : i32 from vector<1xi32>
    %and3A_626 = arith.constant 127 : i32
    %and3A_627 = arith.andi %squeeze3A_625, %and3A_626 : i32
    %broadcast_in_dim3A_628 = vector.broadcast %and3A_627 : i32 to vector<16xi32>
    %broadcast_in_dim3A_629 = arith.constant 503 : i32
    %broadcast_in_dim3A_630 = vector.broadcast %broadcast_in_dim3A_629 : i32 to vector<16xi32>
    %gather3A_631 = arith.constant 1 : i32
    %gather3A_632 = arith.constant 3 : i32
    %gather3A_633 = arith.constant 0 : i32
    %gather3A_634 = arith.constant 0 : i32
    %gather3A_635 = tpu.memref_slice %arg6[%gather3A_631, %gather3A_632, %gather3A_633, %gather3A_634] : memref<4x4x32x128xf32, #tpu.memory_space<vmem>> -> memref<1x1x32x128xf32, #tpu.memory_space<vmem>>
    %gather3A_636 = tpu.memref_squeeze %gather3A_635 : memref<1x1x32x128xf32, #tpu.memory_space<vmem>> -> memref<32x128xf32, #tpu.memory_space<vmem>>
    %gather3A_637 = tpu.vector_load_idx %gather3A_636[%iota3A, %broadcast_in_dim3A_628] : memref<32x128xf32, #tpu.memory_space<vmem>>[vector<16xi32>, vector<16xi32>], vector<16xf32>,
    %gather3A_638 = arith.constant 1 : i32
    %gather3A_639 = arith.constant 3 : i32
    %gather3A_640 = arith.constant 0 : i32
    %gather3A_641 = arith.constant 0 : i32
    %gather3A_642 = tpu.memref_slice %arg6[%gather3A_638, %gather3A_639, %gather3A_640, %gather3A_641] : memref<4x4x32x128xf32, #tpu.memory_space<vmem>> -> memref<1x1x32x128xf32, #tpu.memory_space<vmem>>
    %gather3A_643 = tpu.memref_squeeze %gather3A_642 : memref<1x1x32x128xf32, #tpu.memory_space<vmem>> -> memref<32x128xf32, #tpu.memory_space<vmem>>
    %gather3A_644 = tpu.vector_load_idx %gather3A_643[%add3A_5, %broadcast_in_dim3A_628] : memref<32x128xf32, #tpu.memory_space<vmem>>[vector<16xi32>, vector<16xi32>], vector<16xf32>,
    tpu.vector_store_idx %arg7[%iota3A, %broadcast_in_dim3A_630], %gather3A_637 : memref<32x512xf32, #tpu.memory_space<vmem>>[vector<16xi32>, vector<16xi32>], vector<16xf32>,
    tpu.vector_store_idx %arg7[%add3A_5, %broadcast_in_dim3A_630], %gather3A_644 : memref<32x512xf32, #tpu.memory_space<vmem>>[vector<16xi32>, vector<16xi32>], vector<16xf32>,
    %dma_wait3A_645 = arith.constant 2 : i32
    %dma_wait3A_646 = arith.constant 0 : i32
    %dma_wait3A_647 = arith.constant 0 : i32
    %dma_wait3A_648 = arith.constant 0 : i32
    %dma_wait3A_649 = tpu.memref_slice %arg6[%dma_wait3A_645, %dma_wait3A_646, %dma_wait3A_647, %dma_wait3A_648] : memref<4x4x32x128xf32, #tpu.memory_space<vmem>> -> memref<1x1x32x128xf32, #tpu.memory_space<vmem>>
    %dma_wait3A_650 = tpu.memref_squeeze %dma_wait3A_649 : memref<1x1x32x128xf32, #tpu.memory_space<vmem>> -> memref<32x128xf32, #tpu.memory_space<vmem>>
    %dma_wait3A_651 = arith.constant 0 : i32
    %dma_wait3A_652 = arith.constant 0 : i32
    %dma_wait3A_653 = tpu.memref_slice %arg3[%dma_wait3A_651, %dma_wait3A_652] : memref<32x1000000xf32, #tpu.memory_space<hbm>> -> memref<32x128xf32, #tpu.memory_space<hbm>>
    %dma_wait3A_654 = arith.constant 0 : i32
    %dma_wait3A_655 = arith.constant 0 : i32
    %dma_wait3A_656 = tpu.memref_slice %arg6[%dma_wait3A_645, %dma_wait3A_646, %dma_wait3A_654, %dma_wait3A_655] : memref<4x4x32x128xf32, #tpu.memory_space<vmem>> -> memref<1x1x32x128xf32, #tpu.memory_space<vmem>>
    %dma_wait3A_657 = tpu.memref_squeeze %dma_wait3A_656 : memref<1x1x32x128xf32, #tpu.memory_space<vmem>> -> memref<32x128xf32, #tpu.memory_space<vmem>>
    %dma_wait3A_658 = arith.constant 0 : i32
    %dma_wait3A_659 = arith.constant 0 : i32
    %dma_wait3A_660 = tpu.memref_slice %arg3[%dma_wait3A_658, %dma_wait3A_659] : memref<32x1000000xf32, #tpu.memory_space<hbm>> -> memref<32x128xf32, #tpu.memory_space<hbm>>
    tpu.wait_dma2 semaphore(%arg10 : memref<!tpu.dma_semaphore, #tpu.memory_space<semaphore_mem>>) src(%dma_wait3A_660 : memref<32x128xf32, #tpu.memory_space<hbm>>) dst(%dma_wait3A_657 : memref<32x128xf32, #tpu.memory_space<vmem>>)
    %dma_wait3A_661 = arith.constant 2 : i32
    %dma_wait3A_662 = arith.constant 1 : i32
    %dma_wait3A_663 = arith.constant 0 : i32
    %dma_wait3A_664 = arith.constant 0 : i32
    %dma_wait3A_665 = tpu.memref_slice %arg6[%dma_wait3A_661, %dma_wait3A_662, %dma_wait3A_663, %dma_wait3A_664] : memref<4x4x32x128xf32, #tpu.memory_space<vmem>> -> memref<1x1x32x128xf32, #tpu.memory_space<vmem>>
    %dma_wait3A_666 = tpu.memref_squeeze %dma_wait3A_665 : memref<1x1x32x128xf32, #tpu.memory_space<vmem>> -> memref<32x128xf32, #tpu.memory_space<vmem>>
    %dma_wait3A_667 = arith.constant 0 : i32
    %dma_wait3A_668 = arith.constant 0 : i32
    %dma_wait3A_669 = tpu.memref_slice %arg3[%dma_wait3A_667, %dma_wait3A_668] : memref<32x1000000xf32, #tpu.memory_space<hbm>> -> memref<32x128xf32, #tpu.memory_space<hbm>>
    %dma_wait3A_670 = arith.constant 0 : i32
    %dma_wait3A_671 = arith.constant 0 : i32
    %dma_wait3A_672 = tpu.memref_slice %arg6[%dma_wait3A_661, %dma_wait3A_662, %dma_wait3A_670, %dma_wait3A_671] : memref<4x4x32x128xf32, #tpu.memory_space<vmem>> -> memref<1x1x32x128xf32, #tpu.memory_space<vmem>>
    %dma_wait3A_673 = tpu.memref_squeeze %dma_wait3A_672 : memref<1x1x32x128xf32, #tpu.memory_space<vmem>> -> memref<32x128xf32, #tpu.memory_space<vmem>>
    %dma_wait3A_674 = arith.constant 0 : i32
    %dma_wait3A_675 = arith.constant 0 : i32
    %dma_wait3A_676 = tpu.memref_slice %arg3[%dma_wait3A_674, %dma_wait3A_675] : memref<32x1000000xf32, #tpu.memory_space<hbm>> -> memref<32x128xf32, #tpu.memory_space<hbm>>
    tpu.wait_dma2 semaphore(%arg10 : memref<!tpu.dma_semaphore, #tpu.memory_space<semaphore_mem>>) src(%dma_wait3A_676 : memref<32x128xf32, #tpu.memory_space<hbm>>) dst(%dma_wait3A_673 : memref<32x128xf32, #tpu.memory_space<vmem>>)
    %dma_wait3A_677 = arith.constant 2 : i32
    %dma_wait3A_678 = arith.constant 2 : i32
    %dma_wait3A_679 = arith.constant 0 : i32
    %dma_wait3A_680 = arith.constant 0 : i32
    %dma_wait3A_681 = tpu.memref_slice %arg6[%dma_wait3A_677, %dma_wait3A_678, %dma_wait3A_679, %dma_wait3A_680] : memref<4x4x32x128xf32, #tpu.memory_space<vmem>> -> memref<1x1x32x128xf32, #tpu.memory_space<vmem>>
    %dma_wait3A_682 = tpu.memref_squeeze %dma_wait3A_681 : memref<1x1x32x128xf32, #tpu.memory_space<vmem>> -> memref<32x128xf32, #tpu.memory_space<vmem>>
    %dma_wait3A_683 = arith.constant 0 : i32
    %dma_wait3A_684 = arith.constant 0 : i32
    %dma_wait3A_685 = tpu.memref_slice %arg3[%dma_wait3A_683, %dma_wait3A_684] : memref<32x1000000xf32, #tpu.memory_space<hbm>> -> memref<32x128xf32, #tpu.memory_space<hbm>>
    %dma_wait3A_686 = arith.constant 0 : i32
    %dma_wait3A_687 = arith.constant 0 : i32
    %dma_wait3A_688 = tpu.memref_slice %arg6[%dma_wait3A_677, %dma_wait3A_678, %dma_wait3A_686, %dma_wait3A_687] : memref<4x4x32x128xf32, #tpu.memory_space<vmem>> -> memref<1x1x32x128xf32, #tpu.memory_space<vmem>>
    %dma_wait3A_689 = tpu.memref_squeeze %dma_wait3A_688 : memref<1x1x32x128xf32, #tpu.memory_space<vmem>> -> memref<32x128xf32, #tpu.memory_space<vmem>>
    %dma_wait3A_690 = arith.constant 0 : i32
    %dma_wait3A_691 = arith.constant 0 : i32
    %dma_wait3A_692 = tpu.memref_slice %arg3[%dma_wait3A_690, %dma_wait3A_691] : memref<32x1000000xf32, #tpu.memory_space<hbm>> -> memref<32x128xf32, #tpu.memory_space<hbm>>
    tpu.wait_dma2 semaphore(%arg10 : memref<!tpu.dma_semaphore, #tpu.memory_space<semaphore_mem>>) src(%dma_wait3A_692 : memref<32x128xf32, #tpu.memory_space<hbm>>) dst(%dma_wait3A_689 : memref<32x128xf32, #tpu.memory_space<vmem>>)
    %dma_wait3A_693 = arith.constant 2 : i32
    %dma_wait3A_694 = arith.constant 3 : i32
    %dma_wait3A_695 = arith.constant 0 : i32
    %dma_wait3A_696 = arith.constant 0 : i32
    %dma_wait3A_697 = tpu.memref_slice %arg6[%dma_wait3A_693, %dma_wait3A_694, %dma_wait3A_695, %dma_wait3A_696] : memref<4x4x32x128xf32, #tpu.memory_space<vmem>> -> memref<1x1x32x128xf32, #tpu.memory_space<vmem>>
    %dma_wait3A_698 = tpu.memref_squeeze %dma_wait3A_697 : memref<1x1x32x128xf32, #tpu.memory_space<vmem>> -> memref<32x128xf32, #tpu.memory_space<vmem>>
    %dma_wait3A_699 = arith.constant 0 : i32
    %dma_wait3A_700 = arith.constant 0 : i32
    %dma_wait3A_701 = tpu.memref_slice %arg3[%dma_wait3A_699, %dma_wait3A_700] : memref<32x1000000xf32, #tpu.memory_space<hbm>> -> memref<32x128xf32, #tpu.memory_space<hbm>>
    %dma_wait3A_702 = arith.constant 0 : i32
    %dma_wait3A_703 = arith.constant 0 : i32
    %dma_wait3A_704 = tpu.memref_slice %arg6[%dma_wait3A_693, %dma_wait3A_694, %dma_wait3A_702, %dma_wait3A_703] : memref<4x4x32x128xf32, #tpu.memory_space<vmem>> -> memref<1x1x32x128xf32, #tpu.memory_space<vmem>>
    %dma_wait3A_705 = tpu.memref_squeeze %dma_wait3A_704 : memref<1x1x32x128xf32, #tpu.memory_space<vmem>> -> memref<32x128xf32, #tpu.memory_space<vmem>>
    %dma_wait3A_706 = arith.constant 0 : i32
    %dma_wait3A_707 = arith.constant 0 : i32
    %dma_wait3A_708 = tpu.memref_slice %arg3[%dma_wait3A_706, %dma_wait3A_707] : memref<32x1000000xf32, #tpu.memory_space<hbm>> -> memref<32x128xf32, #tpu.memory_space<hbm>>
    tpu.wait_dma2 semaphore(%arg10 : memref<!tpu.dma_semaphore, #tpu.memory_space<semaphore_mem>>) src(%dma_wait3A_708 : memref<32x128xf32, #tpu.memory_space<hbm>>) dst(%dma_wait3A_705 : memref<32x128xf32, #tpu.memory_space<vmem>>)
    %get3A_709 = arith.constant 504 : index
    %get3A_710 = tpu.vector_load %arg5[%get3A_709] {strides = array<i32>} : memref<528xi32, #tpu.memory_space<vmem>>, vector<16xi32>,
    %slice3A_711 = vector.extract_strided_slice %get3A_710 {offsets = [0], sizes = [1], strides = [1]} : vector<16xi32> to vector<1xi32>
    %squeeze3A_712 = vector.extract %slice3A_711[0] : i32 from vector<1xi32>
    %and3A_713 = arith.constant 127 : i32
    %and3A_714 = arith.andi %squeeze3A_712, %and3A_713 : i32
    %broadcast_in_dim3A_715 = vector.broadcast %and3A_714 : i32 to vector<16xi32>
    %broadcast_in_dim3A_716 = arith.constant 504 : i32
    %broadcast_in_dim3A_717 = vector.broadcast %broadcast_in_dim3A_716 : i32 to vector<16xi32>
    %gather3A_718 = arith.constant 2 : i32
    %gather3A_719 = arith.constant 0 : i32
    %gather3A_720 = arith.constant 0 : i32
    %gather3A_721 = arith.constant 0 : i32
    %gather3A_722 = tpu.memref_slice %arg6[%gather3A_718, %gather3A_719, %gather3A_720, %gather3A_721] : memref<4x4x32x128xf32, #tpu.memory_space<vmem>> -> memref<1x1x32x128xf32, #tpu.memory_space<vmem>>
    %gather3A_723 = tpu.memref_squeeze %gather3A_722 : memref<1x1x32x128xf32, #tpu.memory_space<vmem>> -> memref<32x128xf32, #tpu.memory_space<vmem>>
    %gather3A_724 = tpu.vector_load_idx %gather3A_723[%iota3A, %broadcast_in_dim3A_715] : memref<32x128xf32, #tpu.memory_space<vmem>>[vector<16xi32>, vector<16xi32>], vector<16xf32>,
    %gather3A_725 = arith.constant 2 : i32
    %gather3A_726 = arith.constant 0 : i32
    %gather3A_727 = arith.constant 0 : i32
    %gather3A_728 = arith.constant 0 : i32
    %gather3A_729 = tpu.memref_slice %arg6[%gather3A_725, %gather3A_726, %gather3A_727, %gather3A_728] : memref<4x4x32x128xf32, #tpu.memory_space<vmem>> -> memref<1x1x32x128xf32, #tpu.memory_space<vmem>>
    %gather3A_730 = tpu.memref_squeeze %gather3A_729 : memref<1x1x32x128xf32, #tpu.memory_space<vmem>> -> memref<32x128xf32, #tpu.memory_space<vmem>>
    %gather3A_731 = tpu.vector_load_idx %gather3A_730[%add3A_5, %broadcast_in_dim3A_715] : memref<32x128xf32, #tpu.memory_space<vmem>>[vector<16xi32>, vector<16xi32>], vector<16xf32>,
    tpu.vector_store_idx %arg7[%iota3A, %broadcast_in_dim3A_717], %gather3A_724 : memref<32x512xf32, #tpu.memory_space<vmem>>[vector<16xi32>, vector<16xi32>], vector<16xf32>,
    tpu.vector_store_idx %arg7[%add3A_5, %broadcast_in_dim3A_717], %gather3A_731 : memref<32x512xf32, #tpu.memory_space<vmem>>[vector<16xi32>, vector<16xi32>], vector<16xf32>,
    %slice3A_732 = vector.extract_strided_slice %get3A_710 {offsets = [1], sizes = [1], strides = [1]} : vector<16xi32> to vector<1xi32>
    %squeeze3A_733 = vector.extract %slice3A_732[0] : i32 from vector<1xi32>
    %and3A_734 = arith.constant 127 : i32
    %and3A_735 = arith.andi %squeeze3A_733, %and3A_734 : i32
    %broadcast_in_dim3A_736 = vector.broadcast %and3A_735 : i32 to vector<16xi32>
    %broadcast_in_dim3A_737 = arith.constant 505 : i32
    %broadcast_in_dim3A_738 = vector.broadcast %broadcast_in_dim3A_737 : i32 to vector<16xi32>
    %gather3A_739 = arith.constant 2 : i32
    %gather3A_740 = arith.constant 1 : i32
    %gather3A_741 = arith.constant 0 : i32
    %gather3A_742 = arith.constant 0 : i32
    %gather3A_743 = tpu.memref_slice %arg6[%gather3A_739, %gather3A_740, %gather3A_741, %gather3A_742] : memref<4x4x32x128xf32, #tpu.memory_space<vmem>> -> memref<1x1x32x128xf32, #tpu.memory_space<vmem>>
    %gather3A_744 = tpu.memref_squeeze %gather3A_743 : memref<1x1x32x128xf32, #tpu.memory_space<vmem>> -> memref<32x128xf32, #tpu.memory_space<vmem>>
    %gather3A_745 = tpu.vector_load_idx %gather3A_744[%iota3A, %broadcast_in_dim3A_736] : memref<32x128xf32, #tpu.memory_space<vmem>>[vector<16xi32>, vector<16xi32>], vector<16xf32>,
    %gather3A_746 = arith.constant 2 : i32
    %gather3A_747 = arith.constant 1 : i32
    %gather3A_748 = arith.constant 0 : i32
    %gather3A_749 = arith.constant 0 : i32
    %gather3A_750 = tpu.memref_slice %arg6[%gather3A_746, %gather3A_747, %gather3A_748, %gather3A_749] : memref<4x4x32x128xf32, #tpu.memory_space<vmem>> -> memref<1x1x32x128xf32, #tpu.memory_space<vmem>>
    %gather3A_751 = tpu.memref_squeeze %gather3A_750 : memref<1x1x32x128xf32, #tpu.memory_space<vmem>> -> memref<32x128xf32, #tpu.memory_space<vmem>>
    %gather3A_752 = tpu.vector_load_idx %gather3A_751[%add3A_5, %broadcast_in_dim3A_736] : memref<32x128xf32, #tpu.memory_space<vmem>>[vector<16xi32>, vector<16xi32>], vector<16xf32>,
    tpu.vector_store_idx %arg7[%iota3A, %broadcast_in_dim3A_738], %gather3A_745 : memref<32x512xf32, #tpu.memory_space<vmem>>[vector<16xi32>, vector<16xi32>], vector<16xf32>,
    tpu.vector_store_idx %arg7[%add3A_5, %broadcast_in_dim3A_738], %gather3A_752 : memref<32x512xf32, #tpu.memory_space<vmem>>[vector<16xi32>, vector<16xi32>], vector<16xf32>,
    %slice3A_753 = vector.extract_strided_slice %get3A_710 {offsets = [2], sizes = [1], strides = [1]} : vector<16xi32> to vector<1xi32>
    %squeeze3A_754 = vector.extract %slice3A_753[0] : i32 from vector<1xi32>
    %and3A_755 = arith.constant 127 : i32
    %and3A_756 = arith.andi %squeeze3A_754, %and3A_755 : i32
    %broadcast_in_dim3A_757 = vector.broadcast %and3A_756 : i32 to vector<16xi32>
    %broadcast_in_dim3A_758 = arith.constant 506 : i32
    %broadcast_in_dim3A_759 = vector.broadcast %broadcast_in_dim3A_758 : i32 to vector<16xi32>
    %gather3A_760 = arith.constant 2 : i32
    %gather3A_761 = arith.constant 2 : i32
    %gather3A_762 = arith.constant 0 : i32
    %gather3A_763 = arith.constant 0 : i32
    %gather3A_764 = tpu.memref_slice %arg6[%gather3A_760, %gather3A_761, %gather3A_762, %gather3A_763] : memref<4x4x32x128xf32, #tpu.memory_space<vmem>> -> memref<1x1x32x128xf32, #tpu.memory_space<vmem>>
    %gather3A_765 = tpu.memref_squeeze %gather3A_764 : memref<1x1x32x128xf32, #tpu.memory_space<vmem>> -> memref<32x128xf32, #tpu.memory_space<vmem>>
    %gather3A_766 = tpu.vector_load_idx %gather3A_765[%iota3A, %broadcast_in_dim3A_757] : memref<32x128xf32, #tpu.memory_space<vmem>>[vector<16xi32>, vector<16xi32>], vector<16xf32>,
    %gather3A_767 = arith.constant 2 : i32
    %gather3A_768 = arith.constant 2 : i32
    %gather3A_769 = arith.constant 0 : i32
    %gather3A_770 = arith.constant 0 : i32
    %gather3A_771 = tpu.memref_slice %arg6[%gather3A_767, %gather3A_768, %gather3A_769, %gather3A_770] : memref<4x4x32x128xf32, #tpu.memory_space<vmem>> -> memref<1x1x32x128xf32, #tpu.memory_space<vmem>>
    %gather3A_772 = tpu.memref_squeeze %gather3A_771 : memref<1x1x32x128xf32, #tpu.memory_space<vmem>> -> memref<32x128xf32, #tpu.memory_space<vmem>>
    %gather3A_773 = tpu.vector_load_idx %gather3A_772[%add3A_5, %broadcast_in_dim3A_757] : memref<32x128xf32, #tpu.memory_space<vmem>>[vector<16xi32>, vector<16xi32>], vector<16xf32>,
    tpu.vector_store_idx %arg7[%iota3A, %broadcast_in_dim3A_759], %gather3A_766 : memref<32x512xf32, #tpu.memory_space<vmem>>[vector<16xi32>, vector<16xi32>], vector<16xf32>,
    tpu.vector_store_idx %arg7[%add3A_5, %broadcast_in_dim3A_759], %gather3A_773 : memref<32x512xf32, #tpu.memory_space<vmem>>[vector<16xi32>, vector<16xi32>], vector<16xf32>,
    %slice3A_774 = vector.extract_strided_slice %get3A_710 {offsets = [3], sizes = [1], strides = [1]} : vector<16xi32> to vector<1xi32>
    %squeeze3A_775 = vector.extract %slice3A_774[0] : i32 from vector<1xi32>
    %and3A_776 = arith.constant 127 : i32
    %and3A_777 = arith.andi %squeeze3A_775, %and3A_776 : i32
    %broadcast_in_dim3A_778 = vector.broadcast %and3A_777 : i32 to vector<16xi32>
    %broadcast_in_dim3A_779 = arith.constant 507 : i32
    %broadcast_in_dim3A_780 = vector.broadcast %broadcast_in_dim3A_779 : i32 to vector<16xi32>
    %gather3A_781 = arith.constant 2 : i32
    %gather3A_782 = arith.constant 3 : i32
    %gather3A_783 = arith.constant 0 : i32
    %gather3A_784 = arith.constant 0 : i32
    %gather3A_785 = tpu.memref_slice %arg6[%gather3A_781, %gather3A_782, %gather3A_783, %gather3A_784] : memref<4x4x32x128xf32, #tpu.memory_space<vmem>> -> memref<1x1x32x128xf32, #tpu.memory_space<vmem>>
    %gather3A_786 = tpu.memref_squeeze %gather3A_785 : memref<1x1x32x128xf32, #tpu.memory_space<vmem>> -> memref<32x128xf32, #tpu.memory_space<vmem>>
    %gather3A_787 = tpu.vector_load_idx %gather3A_786[%iota3A, %broadcast_in_dim3A_778] : memref<32x128xf32, #tpu.memory_space<vmem>>[vector<16xi32>, vector<16xi32>], vector<16xf32>,
    %gather3A_788 = arith.constant 2 : i32
    %gather3A_789 = arith.constant 3 : i32
    %gather3A_790 = arith.constant 0 : i32
    %gather3A_791 = arith.constant 0 : i32
    %gather3A_792 = tpu.memref_slice %arg6[%gather3A_788, %gather3A_789, %gather3A_790, %gather3A_791] : memref<4x4x32x128xf32, #tpu.memory_space<vmem>> -> memref<1x1x32x128xf32, #tpu.memory_space<vmem>>
    %gather3A_793 = tpu.memref_squeeze %gather3A_792 : memref<1x1x32x128xf32, #tpu.memory_space<vmem>> -> memref<32x128xf32, #tpu.memory_space<vmem>>
    %gather3A_794 = tpu.vector_load_idx %gather3A_793[%add3A_5, %broadcast_in_dim3A_778] : memref<32x128xf32, #tpu.memory_space<vmem>>[vector<16xi32>, vector<16xi32>], vector<16xf32>,
    tpu.vector_store_idx %arg7[%iota3A, %broadcast_in_dim3A_780], %gather3A_787 : memref<32x512xf32, #tpu.memory_space<vmem>>[vector<16xi32>, vector<16xi32>], vector<16xf32>,
    tpu.vector_store_idx %arg7[%add3A_5, %broadcast_in_dim3A_780], %gather3A_794 : memref<32x512xf32, #tpu.memory_space<vmem>>[vector<16xi32>, vector<16xi32>], vector<16xf32>,
    %dma_wait3A_795 = arith.constant 3 : i32
    %dma_wait3A_796 = arith.constant 0 : i32
    %dma_wait3A_797 = arith.constant 0 : i32
    %dma_wait3A_798 = arith.constant 0 : i32
    %dma_wait3A_799 = tpu.memref_slice %arg6[%dma_wait3A_795, %dma_wait3A_796, %dma_wait3A_797, %dma_wait3A_798] : memref<4x4x32x128xf32, #tpu.memory_space<vmem>> -> memref<1x1x32x128xf32, #tpu.memory_space<vmem>>
    %dma_wait3A_800 = tpu.memref_squeeze %dma_wait3A_799 : memref<1x1x32x128xf32, #tpu.memory_space<vmem>> -> memref<32x128xf32, #tpu.memory_space<vmem>>
    %dma_wait3A_801 = arith.constant 0 : i32
    %dma_wait3A_802 = arith.constant 0 : i32
    %dma_wait3A_803 = tpu.memref_slice %arg3[%dma_wait3A_801, %dma_wait3A_802] : memref<32x1000000xf32, #tpu.memory_space<hbm>> -> memref<32x128xf32, #tpu.memory_space<hbm>>
    %dma_wait3A_804 = arith.constant 0 : i32
    %dma_wait3A_805 = arith.constant 0 : i32
    %dma_wait3A_806 = tpu.memref_slice %arg6[%dma_wait3A_795, %dma_wait3A_796, %dma_wait3A_804, %dma_wait3A_805] : memref<4x4x32x128xf32, #tpu.memory_space<vmem>> -> memref<1x1x32x128xf32, #tpu.memory_space<vmem>>
    %dma_wait3A_807 = tpu.memref_squeeze %dma_wait3A_806 : memref<1x1x32x128xf32, #tpu.memory_space<vmem>> -> memref<32x128xf32, #tpu.memory_space<vmem>>
    %dma_wait3A_808 = arith.constant 0 : i32
    %dma_wait3A_809 = arith.constant 0 : i32
    %dma_wait3A_810 = tpu.memref_slice %arg3[%dma_wait3A_808, %dma_wait3A_809] : memref<32x1000000xf32, #tpu.memory_space<hbm>> -> memref<32x128xf32, #tpu.memory_space<hbm>>
    tpu.wait_dma2 semaphore(%arg11 : memref<!tpu.dma_semaphore, #tpu.memory_space<semaphore_mem>>) src(%dma_wait3A_810 : memref<32x128xf32, #tpu.memory_space<hbm>>) dst(%dma_wait3A_807 : memref<32x128xf32, #tpu.memory_space<vmem>>)
    %dma_wait3A_811 = arith.constant 3 : i32
    %dma_wait3A_812 = arith.constant 1 : i32
    %dma_wait3A_813 = arith.constant 0 : i32
    %dma_wait3A_814 = arith.constant 0 : i32
    %dma_wait3A_815 = tpu.memref_slice %arg6[%dma_wait3A_811, %dma_wait3A_812, %dma_wait3A_813, %dma_wait3A_814] : memref<4x4x32x128xf32, #tpu.memory_space<vmem>> -> memref<1x1x32x128xf32, #tpu.memory_space<vmem>>
    %dma_wait3A_816 = tpu.memref_squeeze %dma_wait3A_815 : memref<1x1x32x128xf32, #tpu.memory_space<vmem>> -> memref<32x128xf32, #tpu.memory_space<vmem>>
    %dma_wait3A_817 = arith.constant 0 : i32
    %dma_wait3A_818 = arith.constant 0 : i32
    %dma_wait3A_819 = tpu.memref_slice %arg3[%dma_wait3A_817, %dma_wait3A_818] : memref<32x1000000xf32, #tpu.memory_space<hbm>> -> memref<32x128xf32, #tpu.memory_space<hbm>>
    %dma_wait3A_820 = arith.constant 0 : i32
    %dma_wait3A_821 = arith.constant 0 : i32
    %dma_wait3A_822 = tpu.memref_slice %arg6[%dma_wait3A_811, %dma_wait3A_812, %dma_wait3A_820, %dma_wait3A_821] : memref<4x4x32x128xf32, #tpu.memory_space<vmem>> -> memref<1x1x32x128xf32, #tpu.memory_space<vmem>>
    %dma_wait3A_823 = tpu.memref_squeeze %dma_wait3A_822 : memref<1x1x32x128xf32, #tpu.memory_space<vmem>> -> memref<32x128xf32, #tpu.memory_space<vmem>>
    %dma_wait3A_824 = arith.constant 0 : i32
    %dma_wait3A_825 = arith.constant 0 : i32
    %dma_wait3A_826 = tpu.memref_slice %arg3[%dma_wait3A_824, %dma_wait3A_825] : memref<32x1000000xf32, #tpu.memory_space<hbm>> -> memref<32x128xf32, #tpu.memory_space<hbm>>
    tpu.wait_dma2 semaphore(%arg11 : memref<!tpu.dma_semaphore, #tpu.memory_space<semaphore_mem>>) src(%dma_wait3A_826 : memref<32x128xf32, #tpu.memory_space<hbm>>) dst(%dma_wait3A_823 : memref<32x128xf32, #tpu.memory_space<vmem>>)
    %dma_wait3A_827 = arith.constant 3 : i32
    %dma_wait3A_828 = arith.constant 2 : i32
    %dma_wait3A_829 = arith.constant 0 : i32
    %dma_wait3A_830 = arith.constant 0 : i32
    %dma_wait3A_831 = tpu.memref_slice %arg6[%dma_wait3A_827, %dma_wait3A_828, %dma_wait3A_829, %dma_wait3A_830] : memref<4x4x32x128xf32, #tpu.memory_space<vmem>> -> memref<1x1x32x128xf32, #tpu.memory_space<vmem>>
    %dma_wait3A_832 = tpu.memref_squeeze %dma_wait3A_831 : memref<1x1x32x128xf32, #tpu.memory_space<vmem>> -> memref<32x128xf32, #tpu.memory_space<vmem>>
    %dma_wait3A_833 = arith.constant 0 : i32
    %dma_wait3A_834 = arith.constant 0 : i32
    %dma_wait3A_835 = tpu.memref_slice %arg3[%dma_wait3A_833, %dma_wait3A_834] : memref<32x1000000xf32, #tpu.memory_space<hbm>> -> memref<32x128xf32, #tpu.memory_space<hbm>>
    %dma_wait3A_836 = arith.constant 0 : i32
    %dma_wait3A_837 = arith.constant 0 : i32
    %dma_wait3A_838 = tpu.memref_slice %arg6[%dma_wait3A_827, %dma_wait3A_828, %dma_wait3A_836, %dma_wait3A_837] : memref<4x4x32x128xf32, #tpu.memory_space<vmem>> -> memref<1x1x32x128xf32, #tpu.memory_space<vmem>>
    %dma_wait3A_839 = tpu.memref_squeeze %dma_wait3A_838 : memref<1x1x32x128xf32, #tpu.memory_space<vmem>> -> memref<32x128xf32, #tpu.memory_space<vmem>>
    %dma_wait3A_840 = arith.constant 0 : i32
    %dma_wait3A_841 = arith.constant 0 : i32
    %dma_wait3A_842 = tpu.memref_slice %arg3[%dma_wait3A_840, %dma_wait3A_841] : memref<32x1000000xf32, #tpu.memory_space<hbm>> -> memref<32x128xf32, #tpu.memory_space<hbm>>
    tpu.wait_dma2 semaphore(%arg11 : memref<!tpu.dma_semaphore, #tpu.memory_space<semaphore_mem>>) src(%dma_wait3A_842 : memref<32x128xf32, #tpu.memory_space<hbm>>) dst(%dma_wait3A_839 : memref<32x128xf32, #tpu.memory_space<vmem>>)
    %dma_wait3A_843 = arith.constant 3 : i32
    %dma_wait3A_844 = arith.constant 3 : i32
    %dma_wait3A_845 = arith.constant 0 : i32
    %dma_wait3A_846 = arith.constant 0 : i32
    %dma_wait3A_847 = tpu.memref_slice %arg6[%dma_wait3A_843, %dma_wait3A_844, %dma_wait3A_845, %dma_wait3A_846] : memref<4x4x32x128xf32, #tpu.memory_space<vmem>> -> memref<1x1x32x128xf32, #tpu.memory_space<vmem>>
    %dma_wait3A_848 = tpu.memref_squeeze %dma_wait3A_847 : memref<1x1x32x128xf32, #tpu.memory_space<vmem>> -> memref<32x128xf32, #tpu.memory_space<vmem>>
    %dma_wait3A_849 = arith.constant 0 : i32
    %dma_wait3A_850 = arith.constant 0 : i32
    %dma_wait3A_851 = tpu.memref_slice %arg3[%dma_wait3A_849, %dma_wait3A_850] : memref<32x1000000xf32, #tpu.memory_space<hbm>> -> memref<32x128xf32, #tpu.memory_space<hbm>>
    %dma_wait3A_852 = arith.constant 0 : i32
    %dma_wait3A_853 = arith.constant 0 : i32
    %dma_wait3A_854 = tpu.memref_slice %arg6[%dma_wait3A_843, %dma_wait3A_844, %dma_wait3A_852, %dma_wait3A_853] : memref<4x4x32x128xf32, #tpu.memory_space<vmem>> -> memref<1x1x32x128xf32, #tpu.memory_space<vmem>>
    %dma_wait3A_855 = tpu.memref_squeeze %dma_wait3A_854 : memref<1x1x32x128xf32, #tpu.memory_space<vmem>> -> memref<32x128xf32, #tpu.memory_space<vmem>>
    %dma_wait3A_856 = arith.constant 0 : i32
    %dma_wait3A_857 = arith.constant 0 : i32
    %dma_wait3A_858 = tpu.memref_slice %arg3[%dma_wait3A_856, %dma_wait3A_857] : memref<32x1000000xf32, #tpu.memory_space<hbm>> -> memref<32x128xf32, #tpu.memory_space<hbm>>
    tpu.wait_dma2 semaphore(%arg11 : memref<!tpu.dma_semaphore, #tpu.memory_space<semaphore_mem>>) src(%dma_wait3A_858 : memref<32x128xf32, #tpu.memory_space<hbm>>) dst(%dma_wait3A_855 : memref<32x128xf32, #tpu.memory_space<vmem>>)
    %get3A_859 = arith.constant 508 : index
    %get3A_860 = tpu.vector_load %arg5[%get3A_859] {strides = array<i32>} : memref<528xi32, #tpu.memory_space<vmem>>, vector<16xi32>,
    %slice3A_861 = vector.extract_strided_slice %get3A_860 {offsets = [0], sizes = [1], strides = [1]} : vector<16xi32> to vector<1xi32>
    %squeeze3A_862 = vector.extract %slice3A_861[0] : i32 from vector<1xi32>
    %and3A_863 = arith.constant 127 : i32
    %and3A_864 = arith.andi %squeeze3A_862, %and3A_863 : i32
    %broadcast_in_dim3A_865 = vector.broadcast %and3A_864 : i32 to vector<16xi32>
    %broadcast_in_dim3A_866 = arith.constant 508 : i32
    %broadcast_in_dim3A_867 = vector.broadcast %broadcast_in_dim3A_866 : i32 to vector<16xi32>
    %gather3A_868 = arith.constant 3 : i32
    %gather3A_869 = arith.constant 0 : i32
    %gather3A_870 = arith.constant 0 : i32
    %gather3A_871 = arith.constant 0 : i32
    %gather3A_872 = tpu.memref_slice %arg6[%gather3A_868, %gather3A_869, %gather3A_870, %gather3A_871] : memref<4x4x32x128xf32, #tpu.memory_space<vmem>> -> memref<1x1x32x128xf32, #tpu.memory_space<vmem>>
    %gather3A_873 = tpu.memref_squeeze %gather3A_872 : memref<1x1x32x128xf32, #tpu.memory_space<vmem>> -> memref<32x128xf32, #tpu.memory_space<vmem>>
    %gather3A_874 = tpu.vector_load_idx %gather3A_873[%iota3A, %broadcast_in_dim3A_865] : memref<32x128xf32, #tpu.memory_space<vmem>>[vector<16xi32>, vector<16xi32>], vector<16xf32>,
    %gather3A_875 = arith.constant 3 : i32
    %gather3A_876 = arith.constant 0 : i32
    %gather3A_877 = arith.constant 0 : i32
    %gather3A_878 = arith.constant 0 : i32
    %gather3A_879 = tpu.memref_slice %arg6[%gather3A_875, %gather3A_876, %gather3A_877, %gather3A_878] : memref<4x4x32x128xf32, #tpu.memory_space<vmem>> -> memref<1x1x32x128xf32, #tpu.memory_space<vmem>>
    %gather3A_880 = tpu.memref_squeeze %gather3A_879 : memref<1x1x32x128xf32, #tpu.memory_space<vmem>> -> memref<32x128xf32, #tpu.memory_space<vmem>>
    %gather3A_881 = tpu.vector_load_idx %gather3A_880[%add3A_5, %broadcast_in_dim3A_865] : memref<32x128xf32, #tpu.memory_space<vmem>>[vector<16xi32>, vector<16xi32>], vector<16xf32>,
    tpu.vector_store_idx %arg7[%iota3A, %broadcast_in_dim3A_867], %gather3A_874 : memref<32x512xf32, #tpu.memory_space<vmem>>[vector<16xi32>, vector<16xi32>], vector<16xf32>,
    tpu.vector_store_idx %arg7[%add3A_5, %broadcast_in_dim3A_867], %gather3A_881 : memref<32x512xf32, #tpu.memory_space<vmem>>[vector<16xi32>, vector<16xi32>], vector<16xf32>,
    %slice3A_882 = vector.extract_strided_slice %get3A_860 {offsets = [1], sizes = [1], strides = [1]} : vector<16xi32> to vector<1xi32>
    %squeeze3A_883 = vector.extract %slice3A_882[0] : i32 from vector<1xi32>
    %and3A_884 = arith.constant 127 : i32
    %and3A_885 = arith.andi %squeeze3A_883, %and3A_884 : i32
    %broadcast_in_dim3A_886 = vector.broadcast %and3A_885 : i32 to vector<16xi32>
    %broadcast_in_dim3A_887 = arith.constant 509 : i32
    %broadcast_in_dim3A_888 = vector.broadcast %broadcast_in_dim3A_887 : i32 to vector<16xi32>
    %gather3A_889 = arith.constant 3 : i32
    %gather3A_890 = arith.constant 1 : i32
    %gather3A_891 = arith.constant 0 : i32
    %gather3A_892 = arith.constant 0 : i32
    %gather3A_893 = tpu.memref_slice %arg6[%gather3A_889, %gather3A_890, %gather3A_891, %gather3A_892] : memref<4x4x32x128xf32, #tpu.memory_space<vmem>> -> memref<1x1x32x128xf32, #tpu.memory_space<vmem>>
    %gather3A_894 = tpu.memref_squeeze %gather3A_893 : memref<1x1x32x128xf32, #tpu.memory_space<vmem>> -> memref<32x128xf32, #tpu.memory_space<vmem>>
    %gather3A_895 = tpu.vector_load_idx %gather3A_894[%iota3A, %broadcast_in_dim3A_886] : memref<32x128xf32, #tpu.memory_space<vmem>>[vector<16xi32>, vector<16xi32>], vector<16xf32>,
    %gather3A_896 = arith.constant 3 : i32
    %gather3A_897 = arith.constant 1 : i32
    %gather3A_898 = arith.constant 0 : i32
    %gather3A_899 = arith.constant 0 : i32
    %gather3A_900 = tpu.memref_slice %arg6[%gather3A_896, %gather3A_897, %gather3A_898, %gather3A_899] : memref<4x4x32x128xf32, #tpu.memory_space<vmem>> -> memref<1x1x32x128xf32, #tpu.memory_space<vmem>>
    %gather3A_901 = tpu.memref_squeeze %gather3A_900 : memref<1x1x32x128xf32, #tpu.memory_space<vmem>> -> memref<32x128xf32, #tpu.memory_space<vmem>>
    %gather3A_902 = tpu.vector_load_idx %gather3A_901[%add3A_5, %broadcast_in_dim3A_886] : memref<32x128xf32, #tpu.memory_space<vmem>>[vector<16xi32>, vector<16xi32>], vector<16xf32>,
    tpu.vector_store_idx %arg7[%iota3A, %broadcast_in_dim3A_888], %gather3A_895 : memref<32x512xf32, #tpu.memory_space<vmem>>[vector<16xi32>, vector<16xi32>], vector<16xf32>,
    tpu.vector_store_idx %arg7[%add3A_5, %broadcast_in_dim3A_888], %gather3A_902 : memref<32x512xf32, #tpu.memory_space<vmem>>[vector<16xi32>, vector<16xi32>], vector<16xf32>,
    %slice3A_903 = vector.extract_strided_slice %get3A_860 {offsets = [2], sizes = [1], strides = [1]} : vector<16xi32> to vector<1xi32>
    %squeeze3A_904 = vector.extract %slice3A_903[0] : i32 from vector<1xi32>
    %and3A_905 = arith.constant 127 : i32
    %and3A_906 = arith.andi %squeeze3A_904, %and3A_905 : i32
    %broadcast_in_dim3A_907 = vector.broadcast %and3A_906 : i32 to vector<16xi32>
    %broadcast_in_dim3A_908 = arith.constant 510 : i32
    %broadcast_in_dim3A_909 = vector.broadcast %broadcast_in_dim3A_908 : i32 to vector<16xi32>
    %gather3A_910 = arith.constant 3 : i32
    %gather3A_911 = arith.constant 2 : i32
    %gather3A_912 = arith.constant 0 : i32
    %gather3A_913 = arith.constant 0 : i32
    %gather3A_914 = tpu.memref_slice %arg6[%gather3A_910, %gather3A_911, %gather3A_912, %gather3A_913] : memref<4x4x32x128xf32, #tpu.memory_space<vmem>> -> memref<1x1x32x128xf32, #tpu.memory_space<vmem>>
    %gather3A_915 = tpu.memref_squeeze %gather3A_914 : memref<1x1x32x128xf32, #tpu.memory_space<vmem>> -> memref<32x128xf32, #tpu.memory_space<vmem>>
    %gather3A_916 = tpu.vector_load_idx %gather3A_915[%iota3A, %broadcast_in_dim3A_907] : memref<32x128xf32, #tpu.memory_space<vmem>>[vector<16xi32>, vector<16xi32>], vector<16xf32>,
    %gather3A_917 = arith.constant 3 : i32
    %gather3A_918 = arith.constant 2 : i32
    %gather3A_919 = arith.constant 0 : i32
    %gather3A_920 = arith.constant 0 : i32
    %gather3A_921 = tpu.memref_slice %arg6[%gather3A_917, %gather3A_918, %gather3A_919, %gather3A_920] : memref<4x4x32x128xf32, #tpu.memory_space<vmem>> -> memref<1x1x32x128xf32, #tpu.memory_space<vmem>>
    %gather3A_922 = tpu.memref_squeeze %gather3A_921 : memref<1x1x32x128xf32, #tpu.memory_space<vmem>> -> memref<32x128xf32, #tpu.memory_space<vmem>>
    %gather3A_923 = tpu.vector_load_idx %gather3A_922[%add3A_5, %broadcast_in_dim3A_907] : memref<32x128xf32, #tpu.memory_space<vmem>>[vector<16xi32>, vector<16xi32>], vector<16xf32>,
    tpu.vector_store_idx %arg7[%iota3A, %broadcast_in_dim3A_909], %gather3A_916 : memref<32x512xf32, #tpu.memory_space<vmem>>[vector<16xi32>, vector<16xi32>], vector<16xf32>,
    tpu.vector_store_idx %arg7[%add3A_5, %broadcast_in_dim3A_909], %gather3A_923 : memref<32x512xf32, #tpu.memory_space<vmem>>[vector<16xi32>, vector<16xi32>], vector<16xf32>,
    %slice3A_924 = vector.extract_strided_slice %get3A_860 {offsets = [3], sizes = [1], strides = [1]} : vector<16xi32> to vector<1xi32>
    %squeeze3A_925 = vector.extract %slice3A_924[0] : i32 from vector<1xi32>
    %and3A_926 = arith.constant 127 : i32
    %and3A_927 = arith.andi %squeeze3A_925, %and3A_926 : i32
    %broadcast_in_dim3A_928 = vector.broadcast %and3A_927 : i32 to vector<16xi32>
    %broadcast_in_dim3A_929 = arith.constant 511 : i32
    %broadcast_in_dim3A_930 = vector.broadcast %broadcast_in_dim3A_929 : i32 to vector<16xi32>
    %gather3A_931 = arith.constant 3 : i32
    %gather3A_932 = arith.constant 3 : i32
    %gather3A_933 = arith.constant 0 : i32
    %gather3A_934 = arith.constant 0 : i32
    %gather3A_935 = tpu.memref_slice %arg6[%gather3A_931, %gather3A_932, %gather3A_933, %gather3A_934] : memref<4x4x32x128xf32, #tpu.memory_space<vmem>> -> memref<1x1x32x128xf32, #tpu.memory_space<vmem>>
    %gather3A_936 = tpu.memref_squeeze %gather3A_935 : memref<1x1x32x128xf32, #tpu.memory_space<vmem>> -> memref<32x128xf32, #tpu.memory_space<vmem>>
    %gather3A_937 = tpu.vector_load_idx %gather3A_936[%iota3A, %broadcast_in_dim3A_928] : memref<32x128xf32, #tpu.memory_space<vmem>>[vector<16xi32>, vector<16xi32>], vector<16xf32>,
    %gather3A_938 = arith.constant 3 : i32
    %gather3A_939 = arith.constant 3 : i32
    %gather3A_940 = arith.constant 0 : i32
    %gather3A_941 = arith.constant 0 : i32
    %gather3A_942 = tpu.memref_slice %arg6[%gather3A_938, %gather3A_939, %gather3A_940, %gather3A_941] : memref<4x4x32x128xf32, #tpu.memory_space<vmem>> -> memref<1x1x32x128xf32, #tpu.memory_space<vmem>>
    %gather3A_943 = tpu.memref_squeeze %gather3A_942 : memref<1x1x32x128xf32, #tpu.memory_space<vmem>> -> memref<32x128xf32, #tpu.memory_space<vmem>>
    %gather3A_944 = tpu.vector_load_idx %gather3A_943[%add3A_5, %broadcast_in_dim3A_928] : memref<32x128xf32, #tpu.memory_space<vmem>>[vector<16xi32>, vector<16xi32>], vector<16xf32>,
    tpu.vector_store_idx %arg7[%iota3A, %broadcast_in_dim3A_930], %gather3A_937 : memref<32x512xf32, #tpu.memory_space<vmem>>[vector<16xi32>, vector<16xi32>], vector<16xf32>,
    tpu.vector_store_idx %arg7[%add3A_5, %broadcast_in_dim3A_930], %gather3A_944 : memref<32x512xf32, #tpu.memory_space<vmem>>[vector<16xi32>, vector<16xi32>], vector<16xf32>,
    "tpu.region"() ({
      %run_scoped3A = tpu.sem_alloc : memref<!tpu.dma_semaphore, #tpu.memory_space<semaphore_mem>>
      %dma_start3A_945 = arith.constant 0 : i32
      %dma_start3A_946 = tpu.memref_slice %arg4[%dma_start3A_945, %mul3A_2] : memref<32x16384xf32, #tpu.memory_space<hbm>> -> memref<32x512xf32, #tpu.memory_space<hbm>>
      %dma_start3A_947 = arith.constant 0 : i32
      %dma_start3A_948 = tpu.memref_slice %arg4[%dma_start3A_947, %mul3A_2] : memref<32x16384xf32, #tpu.memory_space<hbm>> -> memref<32x512xf32, #tpu.memory_space<hbm>>
      tpu.enqueue_dma source(%arg7 : memref<32x512xf32, #tpu.memory_space<vmem>>) target(%dma_start3A_948 : memref<32x512xf32, #tpu.memory_space<hbm>>) target_semaphore(%run_scoped3A : memref<!tpu.dma_semaphore, #tpu.memory_space<semaphore_mem>>)
      %dma_wait3A_949 = arith.constant 0 : i32
      %dma_wait3A_950 = tpu.memref_slice %arg4[%dma_wait3A_949, %mul3A_2] : memref<32x16384xf32, #tpu.memory_space<hbm>> -> memref<32x512xf32, #tpu.memory_space<hbm>>
      %dma_wait3A_951 = arith.constant 0 : i32
      %dma_wait3A_952 = tpu.memref_slice %arg4[%dma_wait3A_951, %mul3A_2] : memref<32x16384xf32, #tpu.memory_space<hbm>> -> memref<32x512xf32, #tpu.memory_space<hbm>>
      tpu.wait_dma2 semaphore(%run_scoped3A : memref<!tpu.dma_semaphore, #tpu.memory_space<semaphore_mem>>) src(%arg7 : memref<32x512xf32, #tpu.memory_space<vmem>>) dst(%dma_wait3A_952 : memref<32x512xf32, #tpu.memory_space<hbm>>)
      tpu.yield
    }) : () -> ()
    return
  }
}

</mosaic_0001>

<sc_bundles>
// kernel: kernel.3.cloned.1.call-start
scs
__scs_entry_jumppad:
0x0: {  	(pc) =	sbr.rel $0x88, $3  }
0x1: {  	(tag) =	ssettag $0x0;
	lr =	simm.s32 $0x1  }
0x2: {  	[smem:$0x3F9F] =	sst lr;
	_ =	strace $0xD0000000  }
0x3: {  	_ = 	snop  }
0x4: {  	_ = 	snop  }
0x5: {  	_ = 	snop  }
0x6: {  	_ = 	snop  }
0x7: {  	_ = 	snop  }
__scs_overlays_trampoline_lowered:
0x8: {  	[smem:$0x3FAE] =	sst s0  }
0x9: {  	[smem:$0x3FAF] =	sst s1  }
0xa: {  	[smem:$0x3FB0] =	sst s2  }
0xb: {  	[smem:$0x3FB1] =	sst s3  }
0xc: {  	[smem:$0x3FB2] =	sst s4  }
0xd: {  	[smem:$0x3FB3] =	sst s5  }
0xe: {  	[smem:$0x3FB4] =	sst s6  }
0xf: {  	[smem:$0x3FB5] =	sst s7  }
0x10: {  	[smem:$0x3FB6] =	sst s8  }
0x11: {  	[smem:$0x3FB7] =	sst s9;
	s0 =	simm.s32 @!p0 $0x0  }
0x12: {  	s1 =	sld [smem:$0x3F9D];
	s0 =	simm.s32 @p0 $0x1  }
0x13: {  	[smem:$0x3FB8] =	sst s0;
	s0 =	simm.s32 @!p1 $0x0  }
0x14: {  	s2 =	sld [smem:$0x3F9C];
	s0 =	simm.s32 @p1 $0x1  }
0x15: {  	[smem:$0x3FB9] =	sst s0;
	s0 =	simm.s32 @!p2 $0x0  }
0x16: {  	s3 =	sld [smem:$0x3FDB];
	s0 =	simm.s32 @p2 $0x1  }
0x17: {  	s4 =	simm.s32 $0x1BF5;
	[smem:$0x3FBB] =	sst s0  }
0x18: {  	s0 =	sld [smem:$0x3F9E];
	_ =	swait.ge [sflag:s4], $0x0  }
0x19: {  	s7 =	sld [smem:$0x3F9F]  }
0x1a: {  	s8 =	sadd.s32 $0xFFFFE003, lr  }
0x1b: {  	s9 =	sadd.s32 $0xFFFFFEF7, lr;
	s5 =	simm.s32 $0xFFFFFFFF;
	p2 =	slt.u32 s8, $0xFFFFF086  }
0x1c: {  	p1 =	slt.u32 s9, $0xF7A;
	s5 =	simm.s32 @!p2 $0x0  }
0x1d: {  	s5 =	simm.s32 @p1 $0x1;
	p0 =	seq.s32 s7, s2  }
0x1e: {  	s7 =	smul.u32 @!p0 $0xF7A, s2;
	p2 =	seq.s32 @!p0 s5, $0x0  }
0x1f: {  	s9 =	smul.u32 $0xF7A, s1;
	s8 =	simm.s32 @!p0 $0x1BF5;
	p2 =	por !p2, p0  }
0x20: {  	[sflag:s8] =	ssyncset.s32 @!p0 $0xFFFFF086;
	s6 =	sadd.s32 @!p0 s3, s7;
	s7 =	simm.s32 @!p0 $0x108  }
0x21: {  	s3 =	sadd.s32 s3, s9;
	s6 =	sadd.s32 @!p0 $0x88, s6;
	s7 =	simm.s32 @p2 $0x1082  }
0x22: {  	[simem:s7], [sflag:s8] =	dma.local @!p0 [hbm:s6], $0xF7A  }
0x23: {  	s9 =	sor.u32 $0xD0000000, s2;
	s6 =	simm.s32 $0x108;
	_ =	swait.ge @!p0 [sflag:s8], $0x0  }
0x24: {  	s3 =	sadd.s32 $0x88, s3;
	s6 =	simm.s32 @!p1 $0x1082;
	[sflag:s4] =	ssyncset.s32 $0xFFFFF086  }
0x25: {  	[simem:s6], [sflag:s4] =	dma.local [hbm:s3], $0xF7A  }
0x26: {  	[smem:$0x3F9F] =	sst s1;
	(tag) =	ssettag s2;
	_ =	strace s9  }
0x27: {  	s1 =	sld [smem:$0x3FAF]  }
0x28: {  	s2 =	sld [smem:$0x3FB0]  }
0x29: {  	s4 =	sld [smem:$0x3FB2]  }
0x2a: {  	p0 =	seq.s32 s5, $0x0;
	s5 =	sld [smem:$0x3FB3]  }
0x2b: {  	s6 =	sld [smem:$0x3FB4]  }
0x2c: {  	s7 =	sld [smem:$0x3FB5]  }
0x2d: {  	s3 =	simm.s32 $0x108;
	s8 =	sld [smem:$0x3FB6]  }
0x2e: {  	s3 =	simm.s32 @!p0 $0x1082;
	s9 =	sld [smem:$0x3FB7]  }
0x2f: {  	lr =	sadd.s32 s0, s3;
	s0 =	sld [smem:$0x3FAE]  }
0x30: {  	s3 =	sld [smem:$0x3FB1]  }
0x31: {  	[smem:$0x3FBA] =	sst s10  }
0x32: {  	s10 =	sld [smem:$0x3FB8];
	_ =	sdelay $0x3  }
0x33: {  	p0 =	seq.s32 s10, $0x1;
	s10 =	sld [smem:$0x3FBA];
	_ =	sdelay $0x3  }
0x34: {  	[smem:$0x3FBA] =	sst s10  }
0x35: {  	s10 =	sld [smem:$0x3FB9];
	_ =	sdelay $0x3  }
0x36: {  	p1 =	seq.s32 s10, $0x1;
	s10 =	sld [smem:$0x3FBA];
	_ =	sdelay $0x3  }
0x37: {  	[smem:$0x3FBA] =	sst s10  }
0x38: {  	s10 =	sld [smem:$0x3FBB]  }
0x39: {  	_ = 	snop;
	(pc) =	sbr.ind lr, $3  }
0x3a: {  	_ = 	snop  }
0x3b: {  	_ = 	snop  }
0x3c: {  	p2 =	seq.s32 s10, $0x1;
	s10 =	sld [smem:$0x3FBA]  }
0x3d: {  	_ =	shalt  }
0x3e: {  	_ =	shalt  }
0x3f: {  	_ =	shalt  }
0x40: {  	_ =	shalt  }
0x41: {  	_ =	shalt  }
0x42: {  	_ =	shalt  }
0x43: {  	_ =	shalt  }
0x44: {  	_ =	shalt  }
0x45: {  	_ =	shalt  }
0x46: {  	_ =	shalt  }
0x47: {  	_ =	shalt  }
0x48: {  	_ =	shalt  }
0x49: {  	_ =	shalt  }
0x4a: {  	_ =	shalt  }
0x4b: {  	_ =	shalt  }
0x4c: {  	_ =	shalt  }
0x4d: {  	_ =	shalt  }
0x4e: {  	_ =	shalt  }
0x4f: {  	_ =	shalt  }
0x50: {  	_ =	shalt  }
0x51: {  	_ =	shalt  }
0x52: {  	_ =	shalt  }
0x53: {  	_ =	shalt  }
0x54: {  	_ =	shalt  }
0x55: {  	_ =	shalt  }
0x56: {  	_ =	shalt  }
0x57: {  	_ =	shalt  }
0x58: {  	_ =	shalt  }
0x59: {  	_ =	shalt  }
0x5a: {  	_ =	shalt  }
0x5b: {  	_ =	shalt  }
0x5c: {  	_ =	shalt  }
0x5d: {  	_ =	shalt  }
0x5e: {  	_ =	shalt  }
0x5f: {  	_ =	shalt  }
0x60: {  	_ =	shalt  }
0x61: {  	_ =	shalt  }
0x62: {  	_ =	shalt  }
0x63: {  	_ =	shalt  }
0x64: {  	_ =	shalt  }
0x65: {  	_ =	shalt  }
0x66: {  	_ =	shalt  }
0x67: {  	_ =	shalt  }
0x68: {  	_ =	shalt  }
0x69: {  	_ =	shalt  }
0x6a: {  	_ =	shalt  }
0x6b: {  	_ =	shalt  }
0x6c: {  	_ =	shalt  }
0x6d: {  	_ =	shalt  }
0x6e: {  	_ =	shalt  }
0x6f: {  	_ =	shalt  }
0x70: {  	_ =	shalt  }
0x71: {  	_ =	shalt  }
0x72: {  	_ =	shalt  }
0x73: {  	_ =	shalt  }
0x74: {  	_ =	shalt  }
0x75: {  	_ =	shalt  }
0x76: {  	_ =	shalt  }
0x77: {  	_ =	shalt  }
0x78: {  	_ =	shalt  }
0x79: {  	_ =	shalt  }
0x7a: {  	_ =	shalt  }
0x7b: {  	_ =	shalt  }
0x7c: {  	_ =	shalt  }
0x7d: {  	_ =	shalt  }
0x7e: {  	_ =	shalt  }
0x7f: {  	_ =	shalt  }
0x80: {  	_ =	shalt  }
0x81: {  	_ =	shalt  }
0x82: {  	_ =	shalt  }
0x83: {  	_ =	shalt  }
0x84: {  	_ =	shalt  }
0x85: {  	_ =	shalt  }
0x86: {  	_ =	shalt  }
0x87: {  	_ =	shalt  }
.Lfunc_end0:
.L_simem_size_0:
called_computation_lowered:
.L_overlay_start_0:
0x88: {  	s2 =	sld [smem:$0x3FD9]  }
0x89: {  	s3 =	sld [smem:$0x3FFE];
	_ =	sdelay $0x1  }
0x8a: {  	s1 =	srdreg.scid  }
0x8b: {  	s0 =	sand.u32 $0x1, s1  }
0x8c: {  	s18 =	sshll.u32 s0, $0xA;
	s2 =	sadd.s32 s3, s2  }
0x8d: {  	s2 =	sadd.s32 s2, s18  }
0x8e: {  	[smem:$0x3FC6] =	sst s2  }
0x8f: {  	_ = 	snop  }
0x90: {  	s2 =	sld [smem:$0x3FC9]  }
0x91: {  	s19 =	sld [smem:$0x3FC8]  }
0x92: {  	s4 =	sld [smem:$0x3FD0];
	(tm) =	ssettm $0x1  }
0x93: {  	s5 =	sld [smem:$0x3FFB];
	_ =	sdelay $0x3  }
0x94: {  	_ =	strace s5  }
0x95: {  	s5 =	sld [smem:$0x3FFC];
	_ =	sdelay $0x3  }
0x96: {  	_ =	strace s5  }
0x97: {  	s5 =	sld [smem:$0x3FFD];
	_ =	sdelay $0x3  }
0x98: {  	_ =	strace s5  }
0x99: {  	_ =	strace $0x8FFFFFFF  }
0x9a: {  	s20 =	sld [smem:$0x3FDB];
	_ =	sdelay $0x1  }
0x9b: {  	s6 =	simm.s32 $_scs_section_size  }
0x9c: {  	s7 =	simm.s32 $_size__tile_overlayer_lowered;
	s8 =	simm.s32 $_tile_overlayer_lowered  }
0x9d: {  	s23 =	simm.s32 $0x1BFF;
	s22 =	sshll.u32 s8, $0x1;
	s5 =	sadd.s32 s6, s20  }
0x9e: {  	s9 =	simm.s32 $0x0;
	s21 =	sshll.u32 s7, $0x1;
	s7 =	sadd.s32 s22, s5  }
0x9f: {  	[timem:s9], [sflag:s23] =	dma.local [hbm:s7], s21  }
0xa0: {  	_ =	swait.ge [sflag:s23], s21  }
0xa1: {  	s6 =	ssub.s32 $0x0, s21;
	[sflag:s23] =	ssyncset.done $0x0  }
0xa2: {  	[sflag:s23] =	ssyncadd.s32 s6;
	_ =	sdelay $0x1  }
0xa3: {  	s24 =	simm.s32 $0x1B8B  }
0xa4: {  	_ =	swait.ge [sflag:s24], $0x1  }
0xa5: {  	[sflag:s24] =	ssyncset.done $0x0  }
0xa6: {  	s25 =	simm.s32 $0x1B8E;
	[sflag:s24] =	ssyncadd.s32 $0xFFFFFFFF  }
0xa7: {  	s26 =	simm.s32 $execute0_lowered;
	[smem:$0x3FD2] =	sst s25  }
0xa8: {  	s6 =	sshll.u32 s26, $0x1;
	_ =	strace $0x80000046;
	[dreg:$0x1] =	wrdreg $0xFFFFFFFF  }
0xa9: {  	s28 =	simm.s32 $_size_execute0_lowered;
	s5 =	sadd.s32 s5, s6;
	[dreg:$0x0] =	wrdreg $0x0  }
0xaa: {  	s6 =	sshll.u32 s28, $0x1;
	[dreg:$0x2] =	wrdreg s5  }
0xab: {  	[dreg:$0x3] =	wrdreg s6  }
0xac: {  	[dreg:$0x4] =	wrdreg $0xC0  }
0xad: {  	_ =	task [dreg:s9], $0x5FFFF  }
0xae: {  	[dreg:$0x1] =	wrdreg $0xFFFFFFFF  }
0xaf: {  	[dreg:$0x0] =	wrdreg $0x60  }
0xb0: {  	[dreg:$0x2] =	wrdreg s2  }
0xb1: {  	[dreg:$0x3] =	wrdreg s19  }
0xb2: {  	[dreg:$0x4] =	wrdreg s4  }
0xb3: {  	[dreg:$0x5] =	wrdreg $0x9  }
0xb4: {  	_ =	task.clear_ibuf [dreg:s9], $0x6FFFF;
	_ =	strace $0x90000046  }
0xb5: {  	s29 =	simm.s32 $0x9;
	_ =	strace $0x80000048  }
0xb6: {  	_ =	swait.ge [sflag:s29], $0x1  }
0xb7: {  	[sflag:s29] =	ssyncadd.s32 $0xFFFFFFFF  }
0xb8: {  	_ =	strace $0x90000048  }
0xb9: {  	_ =	sfence  }
0xba: {  	s30 =	sld [smem:$0x0];
	_ =	sdelay $0x2  }
0xbb: {  	s31 =	sshll.u32 s1, $0xD;
	s1 =	sshrl.u32 s1, $0x2  }
0xbc: {  	s3 =	sand.u32 $0x4000, s31;
	s1 =	sadd.s32 s1, s30  }
0xbd: {  	s0 =	sor.u32 s3, s0;
	s1 =	sshll.u32 s1, $0x11  }
0xbe: {  	s0 =	sor.u32 s1, s0  }
0xbf: {  	s0 =	sadd.s32 $0x8F2B, s0  }
0xc0: {  	[sflag:s0] =	ssyncadd.remote.s32 $0x1  }
0xc1: {  	_ =	sfence.sel $0xFFFF  }
0xc2: {  	[dreg:$0x0] =	wrdreg $0xFFFFFFFF;
	(pc) =	sbr.abs _section_cstart, $3  }
0xc3: {  	[dreg:$0x1] =	wrdreg $0xFFFFFFFF  }
0xc4: {  	_ =	task.clear_ibuf [dreg:s9], $0x2FFFF;
	_ =	strace $0x9FFFFFFF  }
0xc5: {  	(tm) =	ssettm $0x7FFFFFFF  }
tec
execute0_lowered:
.L_overlay_start_1:
0x0: {  	(tag) =	ssettag $0x1  }
0x1: {  	v0 =	vimm.s32 $0x1380  }
0x2: {  	vm14 =	vcmask $0x300;
	vm13 =	vcmask $0x704;
	vm12 =	vcmask $0xB08  }
0x3: {  	vm11 =	vcmask $0xF0C;
	vm10 =	vcmask $0x1310;
	vm9 =	vcmask $0x1714  }
0x4: {  	vm8 =	vcmask $0x1B18;
	vm7 =	vcmask $0x1F1C;
	vm6 =	vcmask $0x2320  }
0x5: {  	vm5 =	vcmask $0x2724;
	vm4 =	vcmask $0x2B28;
	vm3 =	vcmask $0x2F2C  }
0x6: {  	v1 =	vlaneseq.u32;
	vm2 =	vcmask $0x3330;
	vm1 =	vcmask $0x3734  }
0x7: {  	vm0 =	vcmask $0x3B38;
	v3 =	vimm.s32 $0x3380;
	v4 =	vimm.s32 $0x1FF0  }
0x8: {  	v5 =	vimm.s32 $0x3FF0;
	v6 =	vimm.s32 $0x1FF1;
	v7 =	vimm.s32 $0x3FF1  }
0x9: {  	v8 =	vimm.s32 $0x1FF2;
	v9 =	vimm.s32 $0x3FF2;
	v10 =	vimm.s32 $0x1FF3  }
0xa: {  	v11 =	vimm.s32 $0x3FF3;
	v12 =	vimm.s32 $0x1FF4;
	v13 =	vimm.s32 $0x3FF4  }
0xb: {  	v14 =	vimm.s32 $0x1FF5;
	v15 =	vimm.s32 $0x3FF5;
	v16 =	vimm.s32 $0x1FF6  }
0xc: {  	v17 =	vimm.s32 $0x3FF6;
	v18 =	vimm.s32 $0x1FF7;
	v19 =	vimm.s32 $0x3FF7  }
0xd: {  	v20 =	vimm.s32 $0x1FF8;
	v21 =	vimm.s32 $0x3FF8;
	v22 =	vimm.s32 $0x1FF9  }
0xe: {  	v23 =	vimm.s32 $0x3FF9;
	v24 =	vimm.s32 $0x1FFA;
	v25 =	vimm.s32 $0x3FFA  }
0xf: {  	v26 =	vimm.s32 $0x1FFB;
	v27 =	vimm.s32 $0x3FFB;
	v28 =	vimm.s32 $0x1FFC  }
0x10: {  	v29 =	vimm.s32 $0x3FFC;
	v30 =	vimm.s32 $0x1FFD;
	v31 =	vimm.s32 $0x3FFD  }
0x11: {  	v32 =	vimm.s32 $0x1FFE;
	v33 =	vimm.s32 $0x3FFE;
	v34 =	vimm.s32 $0x1FFF  }
0x12: {  	v35 =	vimm.s32 $0x3FFF;
	v0 =	vsel vm14, $0x0, v0;
	v3 =	vsel vm14, $0x2000, v3  }
0x13: {  	v4 =	vsel vm14, $0xC70, v4;
	v5 =	vsel vm14, $0x2C70, v5;
	v6 =	vsel vm14, $0xC71, v6  }
0x14: {  	v7 =	vsel vm14, $0x2C71, v7;
	v8 =	vsel vm14, $0xC72, v8;
	v9 =	vsel vm14, $0x2C72, v9  }
0x15: {  	v10 =	vsel vm14, $0xC73, v10;
	v11 =	vsel vm14, $0x2C73, v11;
	v12 =	vsel vm14, $0xC74, v12  }
0x16: {  	v13 =	vsel vm14, $0x2C74, v13;
	v14 =	vsel vm14, $0xC75, v14;
	v15 =	vsel vm14, $0x2C75, v15  }
0x17: {  	v16 =	vsel vm14, $0xC76, v16;
	v17 =	vsel vm14, $0x2C76, v17;
	v18 =	vsel vm14, $0xC77, v18  }
0x18: {  	v19 =	vsel vm14, $0x2C77, v19;
	v20 =	vsel vm14, $0xC78, v20;
	v21 =	vsel vm14, $0x2C78, v21  }
0x19: {  	v22 =	vsel vm14, $0xC79, v22;
	v23 =	vsel vm14, $0x2C79, v23;
	v24 =	vsel vm14, $0xC7A, v24  }
0x1a: {  	v25 =	vsel vm14, $0x2C7A, v25;
	v26 =	vsel vm14, $0xC7B, v26;
	v27 =	vsel vm14, $0x2C7B, v27  }
0x1b: {  	v28 =	vsel vm14, $0xC7C, v28;
	v29 =	vsel vm14, $0x2C7C, v29;
	v30 =	vsel vm14, $0xC7D, v30  }
0x1c: {  	v31 =	vsel vm14, $0x2C7D, v31;
	v32 =	vsel vm14, $0xC7E, v32;
	v33 =	vsel vm14, $0x2C7E, v33  }
0x1d: {  	v34 =	vsel vm14, $0xC7F, v34;
	v35 =	vsel vm14, $0x2C7F, v35;
	v0 =	vsel vm13, $0x80, v0  }
0x1e: {  	v3 =	vsel vm13, $0x2080, v3;
	v4 =	vsel vm13, $0xCF0, v4;
	v5 =	vsel vm13, $0x2CF0, v5  }
0x1f: {  	v6 =	vsel vm13, $0xCF1, v6;
	v7 =	vsel vm13, $0x2CF1, v7;
	v8 =	vsel vm13, $0xCF2, v8  }
0x20: {  	v9 =	vsel vm13, $0x2CF2, v9;
	v10 =	vsel vm13, $0xCF3, v10;
	v11 =	vsel vm13, $0x2CF3, v11  }
0x21: {  	v12 =	vsel vm13, $0xCF4, v12;
	v13 =	vsel vm13, $0x2CF4, v13;
	v14 =	vsel vm13, $0xCF5, v14  }
0x22: {  	v15 =	vsel vm13, $0x2CF5, v15;
	v16 =	vsel vm13, $0xCF6, v16;
	v17 =	vsel vm13, $0x2CF6, v17  }
0x23: {  	v18 =	vsel vm13, $0xCF7, v18;
	v19 =	vsel vm13, $0x2CF7, v19;
	v20 =	vsel vm13, $0xCF8, v20  }
0x24: {  	v21 =	vsel vm13, $0x2CF8, v21;
	v22 =	vsel vm13, $0xCF9, v22;
	v23 =	vsel vm13, $0x2CF9, v23  }
0x25: {  	v24 =	vsel vm13, $0xCFA, v24;
	v25 =	vsel vm13, $0x2CFA, v25;
	v26 =	vsel vm13, $0xCFB, v26  }
0x26: {  	v27 =	vsel vm13, $0x2CFB, v27;
	v28 =	vsel vm13, $0xCFC, v28;
	v29 =	vsel vm13, $0x2CFC, v29  }
0x27: {  	v30 =	vsel vm13, $0xCFD, v30;
	v31 =	vsel vm13, $0x2CFD, v31;
	v32 =	vsel vm13, $0xCFE, v32  }
0x28: {  	v33 =	vsel vm13, $0x2CFE, v33;
	v34 =	vsel vm13, $0xCFF, v34;
	v35 =	vsel vm13, $0x2CFF, v35  }
0x29: {  	v0 =	vsel vm12, $0x100, v0;
	v3 =	vsel vm12, $0x2100, v3;
	v4 =	vsel vm12, $0xD70, v4  }
0x2a: {  	v5 =	vsel vm12, $0x2D70, v5;
	v6 =	vsel vm12, $0xD71, v6;
	v7 =	vsel vm12, $0x2D71, v7  }
0x2b: {  	v8 =	vsel vm12, $0xD72, v8;
	v9 =	vsel vm12, $0x2D72, v9;
	v10 =	vsel vm12, $0xD73, v10  }
0x2c: {  	v11 =	vsel vm12, $0x2D73, v11;
	v12 =	vsel vm12, $0xD74, v12;
	v13 =	vsel vm12, $0x2D74, v13  }
0x2d: {  	v14 =	vsel vm12, $0xD75, v14;
	v15 =	vsel vm12, $0x2D75, v15;
	v16 =	vsel vm12, $0xD76, v16  }
0x2e: {  	v17 =	vsel vm12, $0x2D76, v17;
	v18 =	vsel vm12, $0xD77, v18;
	v19 =	vsel vm12, $0x2D77, v19  }
0x2f: {  	v20 =	vsel vm12, $0xD78, v20;
	v21 =	vsel vm12, $0x2D78, v21;
	v22 =	vsel vm12, $0xD79, v22  }
0x30: {  	v23 =	vsel vm12, $0x2D79, v23;
	v24 =	vsel vm12, $0xD7A, v24;
	v25 =	vsel vm12, $0x2D7A, v25  }
0x31: {  	v26 =	vsel vm12, $0xD7B, v26;
	v27 =	vsel vm12, $0x2D7B, v27;
	v28 =	vsel vm12, $0xD7C, v28  }
0x32: {  	v29 =	vsel vm12, $0x2D7C, v29;
	v30 =	vsel vm12, $0xD7D, v30;
	v31 =	vsel vm12, $0x2D7D, v31  }
0x33: {  	v32 =	vsel vm12, $0xD7E, v32;
	v33 =	vsel vm12, $0x2D7E, v33;
	v34 =	vsel vm12, $0xD7F, v34  }
0x34: {  	v35 =	vsel vm12, $0x2D7F, v35;
	v0 =	vsel vm11, $0x180, v0;
	v3 =	vsel vm11, $0x2180, v3  }
0x35: {  	v4 =	vsel vm11, $0xDF0, v4;
	v5 =	vsel vm11, $0x2DF0, v5;
	v6 =	vsel vm11, $0xDF1, v6  }
0x36: {  	v7 =	vsel vm11, $0x2DF1, v7;
	v8 =	vsel vm11, $0xDF2, v8;
	v9 =	vsel vm11, $0x2DF2, v9  }
0x37: {  	v10 =	vsel vm11, $0xDF3, v10;
	v11 =	vsel vm11, $0x2DF3, v11;
	v12 =	vsel vm11, $0xDF4, v12  }
0x38: {  	v13 =	vsel vm11, $0x2DF4, v13;
	v14 =	vsel vm11, $0xDF5, v14;
	v15 =	vsel vm11, $0x2DF5, v15  }
0x39: {  	v16 =	vsel vm11, $0xDF6, v16;
	v17 =	vsel vm11, $0x2DF6, v17;
	v18 =	vsel vm11, $0xDF7, v18  }
0x3a: {  	v19 =	vsel vm11, $0x2DF7, v19;
	v20 =	vsel vm11, $0xDF8, v20;
	v21 =	vsel vm11, $0x2DF8, v21  }
0x3b: {  	v22 =	vsel vm11, $0xDF9, v22;
	v23 =	vsel vm11, $0x2DF9, v23;
	v24 =	vsel vm11, $0xDFA, v24  }
0x3c: {  	v25 =	vsel vm11, $0x2DFA, v25;
	v26 =	vsel vm11, $0xDFB, v26;
	v27 =	vsel vm11, $0x2DFB, v27  }
0x3d: {  	v28 =	vsel vm11, $0xDFC, v28;
	v29 =	vsel vm11, $0x2DFC, v29;
	v30 =	vsel vm11, $0xDFD, v30  }
0x3e: {  	v31 =	vsel vm11, $0x2DFD, v31;
	v32 =	vsel vm11, $0xDFE, v32;
	v33 =	vsel vm11, $0x2DFE, v33  }
0x3f: {  	v34 =	vsel vm11, $0xDFF, v34;
	v35 =	vsel vm11, $0x2DFF, v35;
	v0 =	vsel vm10, $0x200, v0  }
0x40: {  	v3 =	vsel vm10, $0x2200, v3;
	v4 =	vsel vm10, $0xE70, v4;
	v5 =	vsel vm10, $0x2E70, v5  }
0x41: {  	v6 =	vsel vm10, $0xE71, v6;
	v7 =	vsel vm10, $0x2E71, v7;
	v8 =	vsel vm10, $0xE72, v8  }
0x42: {  	v9 =	vsel vm10, $0x2E72, v9;
	v10 =	vsel vm10, $0xE73, v10;
	v11 =	vsel vm10, $0x2E73, v11  }
0x43: {  	v12 =	vsel vm10, $0xE74, v12;
	v13 =	vsel vm10, $0x2E74, v13;
	v14 =	vsel vm10, $0xE75, v14  }
0x44: {  	v15 =	vsel vm10, $0x2E75, v15;
	v16 =	vsel vm10, $0xE76, v16;
	v17 =	vsel vm10, $0x2E76, v17  }
0x45: {  	v18 =	vsel vm10, $0xE77, v18;
	v19 =	vsel vm10, $0x2E77, v19;
	v20 =	vsel vm10, $0xE78, v20  }
0x46: {  	v21 =	vsel vm10, $0x2E78, v21;
	v22 =	vsel vm10, $0xE79, v22;
	v23 =	vsel vm10, $0x2E79, v23  }
0x47: {  	v24 =	vsel vm10, $0xE7A, v24;
	v25 =	vsel vm10, $0x2E7A, v25;
	v26 =	vsel vm10, $0xE7B, v26  }
0x48: {  	v27 =	vsel vm10, $0x2E7B, v27;
	v28 =	vsel vm10, $0xE7C, v28;
	v29 =	vsel vm10, $0x2E7C, v29  }
0x49: {  	v30 =	vsel vm10, $0xE7D, v30;
	v31 =	vsel vm10, $0x2E7D, v31;
	v32 =	vsel vm10, $0xE7E, v32  }
0x4a: {  	v33 =	vsel vm10, $0x2E7E, v33;
	v34 =	vsel vm10, $0xE7F, v34;
	v35 =	vsel vm10, $0x2E7F, v35  }
0x4b: {  	v0 =	vsel vm9, $0x280, v0;
	v3 =	vsel vm9, $0x2280, v3;
	v4 =	vsel vm9, $0xEF0, v4  }
0x4c: {  	v5 =	vsel vm9, $0x2EF0, v5;
	v6 =	vsel vm9, $0xEF1, v6;
	v7 =	vsel vm9, $0x2EF1, v7  }
0x4d: {  	v8 =	vsel vm9, $0xEF2, v8;
	v9 =	vsel vm9, $0x2EF2, v9;
	v10 =	vsel vm9, $0xEF3, v10  }
0x4e: {  	v11 =	vsel vm9, $0x2EF3, v11;
	v12 =	vsel vm9, $0xEF4, v12;
	v13 =	vsel vm9, $0x2EF4, v13  }
0x4f: {  	v14 =	vsel vm9, $0xEF5, v14;
	v15 =	vsel vm9, $0x2EF5, v15;
	v16 =	vsel vm9, $0xEF6, v16  }
0x50: {  	v17 =	vsel vm9, $0x2EF6, v17;
	v18 =	vsel vm9, $0xEF7, v18;
	v19 =	vsel vm9, $0x2EF7, v19  }
0x51: {  	v20 =	vsel vm9, $0xEF8, v20;
	v21 =	vsel vm9, $0x2EF8, v21;
	v22 =	vsel vm9, $0xEF9, v22  }
0x52: {  	v23 =	vsel vm9, $0x2EF9, v23;
	v24 =	vsel vm9, $0xEFA, v24;
	v25 =	vsel vm9, $0x2EFA, v25  }
0x53: {  	v26 =	vsel vm9, $0xEFB, v26;
	v27 =	vsel vm9, $0x2EFB, v27;
	v28 =	vsel vm9, $0xEFC, v28  }
0x54: {  	v29 =	vsel vm9, $0x2EFC, v29;
	v30 =	vsel vm9, $0xEFD, v30;
	v31 =	vsel vm9, $0x2EFD, v31  }
0x55: {  	v32 =	vsel vm9, $0xEFE, v32;
	v33 =	vsel vm9, $0x2EFE, v33;
	v34 =	vsel vm9, $0xEFF, v34  }
0x56: {  	v35 =	vsel vm9, $0x2EFF, v35;
	v0 =	vsel vm8, $0x300, v0;
	v3 =	vsel vm8, $0x2300, v3  }
0x57: {  	v4 =	vsel vm8, $0xF70, v4;
	v5 =	vsel vm8, $0x2F70, v5;
	v6 =	vsel vm8, $0xF71, v6  }
0x58: {  	v7 =	vsel vm8, $0x2F71, v7;
	v8 =	vsel vm8, $0xF72, v8;
	v9 =	vsel vm8, $0x2F72, v9  }
0x59: {  	v10 =	vsel vm8, $0xF73, v10;
	v11 =	vsel vm8, $0x2F73, v11;
	v12 =	vsel vm8, $0xF74, v12  }
0x5a: {  	v13 =	vsel vm8, $0x2F74, v13;
	v14 =	vsel vm8, $0xF75, v14;
	v15 =	vsel vm8, $0x2F75, v15  }
0x5b: {  	v16 =	vsel vm8, $0xF76, v16;
	v17 =	vsel vm8, $0x2F76, v17;
	v18 =	vsel vm8, $0xF77, v18  }
0x5c: {  	v19 =	vsel vm8, $0x2F77, v19;
	v20 =	vsel vm8, $0xF78, v20;
	v21 =	vsel vm8, $0x2F78, v21  }
0x5d: {  	v22 =	vsel vm8, $0xF79, v22;
	v23 =	vsel vm8, $0x2F79, v23;
	v24 =	vsel vm8, $0xF7A, v24  }
0x5e: {  	v25 =	vsel vm8, $0x2F7A, v25;
	v26 =	vsel vm8, $0xF7B, v26;
	v27 =	vsel vm8, $0x2F7B, v27  }
0x5f: {  	v28 =	vsel vm8, $0xF7C, v28;
	v29 =	vsel vm8, $0x2F7C, v29;
	v30 =	vsel vm8, $0xF7D, v30  }
0x60: {  	v31 =	vsel vm8, $0x2F7D, v31;
	v32 =	vsel vm8, $0xF7E, v32;
	v33 =	vsel vm8, $0x2F7E, v33  }
0x61: {  	v34 =	vsel vm8, $0xF7F, v34;
	v35 =	vsel vm8, $0x2F7F, v35;
	v0 =	vsel vm7, $0x380, v0  }
0x62: {  	v3 =	vsel vm7, $0x2380, v3;
	v4 =	vsel vm7, $0xFF0, v4;
	v5 =	vsel vm7, $0x2FF0, v5  }
0x63: {  	v6 =	vsel vm7, $0xFF1, v6;
	v7 =	vsel vm7, $0x2FF1, v7;
	v8 =	vsel vm7, $0xFF2, v8  }
0x64: {  	v9 =	vsel vm7, $0x2FF2, v9;
	v10 =	vsel vm7, $0xFF3, v10;
	v11 =	vsel vm7, $0x2FF3, v11  }
0x65: {  	v12 =	vsel vm7, $0xFF4, v12;
	v13 =	vsel vm7, $0x2FF4, v13;
	v14 =	vsel vm7, $0xFF5, v14  }
0x66: {  	v15 =	vsel vm7, $0x2FF5, v15;
	v16 =	vsel vm7, $0xFF6, v16;
	v17 =	vsel vm7, $0x2FF6, v17  }
0x67: {  	v18 =	vsel vm7, $0xFF7, v18;
	v19 =	vsel vm7, $0x2FF7, v19;
	v20 =	vsel vm7, $0xFF8, v20  }
0x68: {  	v21 =	vsel vm7, $0x2FF8, v21;
	v22 =	vsel vm7, $0xFF9, v22;
	v23 =	vsel vm7, $0x2FF9, v23  }
0x69: {  	v24 =	vsel vm7, $0xFFA, v24;
	v25 =	vsel vm7, $0x2FFA, v25;
	v26 =	vsel vm7, $0xFFB, v26  }
0x6a: {  	v27 =	vsel vm7, $0x2FFB, v27;
	v28 =	vsel vm7, $0xFFC, v28;
	v29 =	vsel vm7, $0x2FFC, v29  }
0x6b: {  	v30 =	vsel vm7, $0xFFD, v30;
	v31 =	vsel vm7, $0x2FFD, v31;
	v32 =	vsel vm7, $0xFFE, v32  }
0x6c: {  	v33 =	vsel vm7, $0x2FFE, v33;
	v34 =	vsel vm7, $0xFFF, v34;
	v35 =	vsel vm7, $0x2FFF, v35  }
0x6d: {  	v0 =	vsel vm6, $0x1000, v0;
	v3 =	vsel vm6, $0x3000, v3;
	v4 =	vsel vm6, $0x1C70, v4  }
0x6e: {  	v5 =	vsel vm6, $0x3C70, v5;
	v6 =	vsel vm6, $0x1C71, v6;
	v7 =	vsel vm6, $0x3C71, v7  }
0x6f: {  	v8 =	vsel vm6, $0x1C72, v8;
	v9 =	vsel vm6, $0x3C72, v9;
	v10 =	vsel vm6, $0x1C73, v10  }
0x70: {  	v11 =	vsel vm6, $0x3C73, v11;
	v12 =	vsel vm6, $0x1C74, v12;
	v13 =	vsel vm6, $0x3C74, v13  }
0x71: {  	v14 =	vsel vm6, $0x1C75, v14;
	v15 =	vsel vm6, $0x3C75, v15;
	v16 =	vsel vm6, $0x1C76, v16  }
0x72: {  	v17 =	vsel vm6, $0x3C76, v17;
	v18 =	vsel vm6, $0x1C77, v18;
	v19 =	vsel vm6, $0x3C77, v19  }
0x73: {  	v20 =	vsel vm6, $0x1C78, v20;
	v21 =	vsel vm6, $0x3C78, v21;
	v22 =	vsel vm6, $0x1C79, v22  }
0x74: {  	v23 =	vsel vm6, $0x3C79, v23;
	v24 =	vsel vm6, $0x1C7A, v24;
	v25 =	vsel vm6, $0x3C7A, v25  }
0x75: {  	v26 =	vsel vm6, $0x1C7B, v26;
	v27 =	vsel vm6, $0x3C7B, v27;
	v28 =	vsel vm6, $0x1C7C, v28  }
0x76: {  	v29 =	vsel vm6, $0x3C7C, v29;
	v30 =	vsel vm6, $0x1C7D, v30;
	v31 =	vsel vm6, $0x3C7D, v31  }
0x77: {  	v32 =	vsel vm6, $0x1C7E, v32;
	v33 =	vsel vm6, $0x3C7E, v33;
	v34 =	vsel vm6, $0x1C7F, v34  }
0x78: {  	v35 =	vsel vm6, $0x3C7F, v35;
	v0 =	vsel vm5, $0x1080, v0;
	v3 =	vsel vm5, $0x3080, v3  }
0x79: {  	v4 =	vsel vm5, $0x1CF0, v4;
	v5 =	vsel vm5, $0x3CF0, v5;
	v6 =	vsel vm5, $0x1CF1, v6  }
0x7a: {  	v7 =	vsel vm5, $0x3CF1, v7;
	v8 =	vsel vm5, $0x1CF2, v8;
	v9 =	vsel vm5, $0x3CF2, v9  }
0x7b: {  	v10 =	vsel vm5, $0x1CF3, v10;
	v11 =	vsel vm5, $0x3CF3, v11;
	v12 =	vsel vm5, $0x1CF4, v12  }
0x7c: {  	v13 =	vsel vm5, $0x3CF4, v13;
	v14 =	vsel vm5, $0x1CF5, v14;
	v15 =	vsel vm5, $0x3CF5, v15  }
0x7d: {  	v16 =	vsel vm5, $0x1CF6, v16;
	v17 =	vsel vm5, $0x3CF6, v17;
	v18 =	vsel vm5, $0x1CF7, v18  }
0x7e: {  	v19 =	vsel vm5, $0x3CF7, v19;
	v20 =	vsel vm5, $0x1CF8, v20;
	v21 =	vsel vm5, $0x3CF8, v21  }
0x7f: {  	v22 =	vsel vm5, $0x1CF9, v22;
	v23 =	vsel vm5, $0x3CF9, v23;
	v24 =	vsel vm5, $0x1CFA, v24  }
0x80: {  	v25 =	vsel vm5, $0x3CFA, v25;
	v26 =	vsel vm5, $0x1CFB, v26;
	v27 =	vsel vm5, $0x3CFB, v27  }
0x81: {  	v28 =	vsel vm5, $0x1CFC, v28;
	v29 =	vsel vm5, $0x3CFC, v29;
	v30 =	vsel vm5, $0x1CFD, v30  }
0x82: {  	v31 =	vsel vm5, $0x3CFD, v31;
	v32 =	vsel vm5, $0x1CFE, v32;
	v33 =	vsel vm5, $0x3CFE, v33  }
0x83: {  	v34 =	vsel vm5, $0x1CFF, v34;
	v35 =	vsel vm5, $0x3CFF, v35;
	v0 =	vsel vm4, $0x1100, v0  }
0x84: {  	v3 =	vsel vm4, $0x3100, v3;
	v4 =	vsel vm4, $0x1D70, v4;
	v5 =	vsel vm4, $0x3D70, v5  }
0x85: {  	v6 =	vsel vm4, $0x1D71, v6;
	v7 =	vsel vm4, $0x3D71, v7;
	v8 =	vsel vm4, $0x1D72, v8  }
0x86: {  	v9 =	vsel vm4, $0x3D72, v9;
	v10 =	vsel vm4, $0x1D73, v10;
	v11 =	vsel vm4, $0x3D73, v11  }
0x87: {  	v12 =	vsel vm4, $0x1D74, v12;
	v13 =	vsel vm4, $0x3D74, v13;
	v14 =	vsel vm4, $0x1D75, v14  }
0x88: {  	v15 =	vsel vm4, $0x3D75, v15;
	v16 =	vsel vm4, $0x1D76, v16;
	v17 =	vsel vm4, $0x3D76, v17  }
0x89: {  	v18 =	vsel vm4, $0x1D77, v18;
	v19 =	vsel vm4, $0x3D77, v19;
	v20 =	vsel vm4, $0x1D78, v20  }
0x8a: {  	v21 =	vsel vm4, $0x3D78, v21;
	v22 =	vsel vm4, $0x1D79, v22;
	v23 =	vsel vm4, $0x3D79, v23  }
0x8b: {  	v24 =	vsel vm4, $0x1D7A, v24;
	v25 =	vsel vm4, $0x3D7A, v25;
	v26 =	vsel vm4, $0x1D7B, v26  }
0x8c: {  	v27 =	vsel vm4, $0x3D7B, v27;
	v28 =	vsel vm4, $0x1D7C, v28;
	v29 =	vsel vm4, $0x3D7C, v29  }
0x8d: {  	v30 =	vsel vm4, $0x1D7D, v30;
	v31 =	vsel vm4, $0x3D7D, v31;
	v32 =	vsel vm4, $0x1D7E, v32  }
0x8e: {  	v33 =	vsel vm4, $0x3D7E, v33;
	v34 =	vsel vm4, $0x1D7F, v34;
	v35 =	vsel vm4, $0x3D7F, v35  }
0x8f: {  	v2 =	vsel vm3, $0x1180, v0;
	v0 =	vmul.u32 $0x80, v1;
	v3 =	vsel vm3, $0x3180, v3  }
0x90: {  	v4 =	vsel vm3, $0x1DF0, v4;
	v5 =	vsel vm3, $0x3DF0, v5;
	v6 =	vsel vm3, $0x1DF1, v6  }
0x91: {  	v7 =	vsel vm3, $0x3DF1, v7;
	v8 =	vsel vm3, $0x1DF2, v8;
	v9 =	vsel vm3, $0x3DF2, v9  }
0x92: {  	v10 =	vsel vm3, $0x1DF3, v10;
	v11 =	vsel vm3, $0x3DF3, v11;
	v12 =	vsel vm3, $0x1DF4, v12  }
0x93: {  	v13 =	vsel vm3, $0x3DF4, v13;
	v14 =	vsel vm3, $0x1DF5, v14;
	v15 =	vsel vm3, $0x3DF5, v15  }
0x94: {  	v16 =	vsel vm3, $0x1DF6, v16;
	v17 =	vsel vm3, $0x3DF6, v17;
	v18 =	vsel vm3, $0x1DF7, v18  }
0x95: {  	v19 =	vsel vm3, $0x3DF7, v19;
	v20 =	vsel vm3, $0x1DF8, v20;
	v21 =	vsel vm3, $0x3DF8, v21  }
0x96: {  	v22 =	vsel vm3, $0x1DF9, v22;
	v23 =	vsel vm3, $0x3DF9, v23;
	v24 =	vsel vm3, $0x1DFA, v24  }
0x97: {  	v25 =	vsel vm3, $0x3DFA, v25;
	v26 =	vsel vm3, $0x1DFB, v26;
	v27 =	vsel vm3, $0x3DFB, v27  }
0x98: {  	v28 =	vsel vm3, $0x1DFC, v28;
	v29 =	vsel vm3, $0x3DFC, v29;
	v30 =	vsel vm3, $0x1DFD, v30  }
0x99: {  	v31 =	vsel vm3, $0x3DFD, v31;
	v32 =	vsel vm3, $0x1DFE, v32;
	v33 =	vsel vm3, $0x3DFE, v33  }
0x9a: {  	v34 =	vsel vm3, $0x1DFF, v34;
	v35 =	vsel vm3, $0x3DFF, v35;
	v1 =	vsel vm2, $0x1200, v2  }
0x9b: {  	v3 =	vsel vm2, $0x3200, v3;
	v4 =	vsel vm2, $0x1E70, v4;
	v5 =	vsel vm2, $0x3E70, v5  }
0x9c: {  	v6 =	vsel vm2, $0x1E71, v6;
	v7 =	vsel vm2, $0x3E71, v7;
	v8 =	vsel vm2, $0x1E72, v8  }
0x9d: {  	v9 =	vsel vm2, $0x3E72, v9;
	v10 =	vsel vm2, $0x1E73, v10;
	v11 =	vsel vm2, $0x3E73, v11  }
0x9e: {  	v12 =	vsel vm2, $0x1E74, v12;
	v13 =	vsel vm2, $0x3E74, v13;
	v14 =	vsel vm2, $0x1E75, v14  }
0x9f: {  	v15 =	vsel vm2, $0x3E75, v15;
	v16 =	vsel vm2, $0x1E76, v16;
	v17 =	vsel vm2, $0x3E76, v17  }
0xa0: {  	v18 =	vsel vm2, $0x1E77, v18;
	v19 =	vsel vm2, $0x3E77, v19;
	v20 =	vsel vm2, $0x1E78, v20  }
0xa1: {  	v21 =	vsel vm2, $0x3E78, v21;
	v22 =	vsel vm2, $0x1E79, v22;
	v23 =	vsel vm2, $0x3E79, v23  }
0xa2: {  	v24 =	vsel vm2, $0x1E7A, v24;
	v25 =	vsel vm2, $0x3E7A, v25;
	v26 =	vsel vm2, $0x1E7B, v26  }
0xa3: {  	v27 =	vsel vm2, $0x3E7B, v27;
	v28 =	vsel vm2, $0x1E7C, v28;
	v29 =	vsel vm2, $0x3E7C, v29  }
0xa4: {  	v30 =	vsel vm2, $0x1E7D, v30;
	v31 =	vsel vm2, $0x3E7D, v31;
	v32 =	vsel vm2, $0x1E7E, v32  }
0xa5: {  	v33 =	vsel vm2, $0x3E7E, v33;
	v34 =	vsel vm2, $0x1E7F, v34;
	v35 =	vsel vm2, $0x3E7F, v35  }
0xa6: {  	v2 =	vsel vm1, $0x1280, v1;
	v1 =	vor.u32 $0x800, v0;
	v3 =	vsel vm1, $0x3280, v3  }
0xa7: {  	v4 =	vsel vm1, $0x1EF0, v4;
	v5 =	vsel vm1, $0x3EF0, v5;
	v6 =	vsel vm1, $0x1EF1, v6  }
0xa8: {  	v7 =	vsel vm1, $0x3EF1, v7;
	v8 =	vsel vm1, $0x1EF2, v8;
	v9 =	vsel vm1, $0x3EF2, v9  }
0xa9: {  	v10 =	vsel vm1, $0x1EF3, v10;
	v11 =	vsel vm1, $0x3EF3, v11;
	v12 =	vsel vm1, $0x1EF4, v12  }
0xaa: {  	v13 =	vsel vm1, $0x3EF4, v13;
	v14 =	vsel vm1, $0x1EF5, v14;
	v15 =	vsel vm1, $0x3EF5, v15  }
0xab: {  	v16 =	vsel vm1, $0x1EF6, v16;
	v17 =	vsel vm1, $0x3EF6, v17;
	v18 =	vsel vm1, $0x1EF7, v18  }
0xac: {  	s1 =	rddreg [dreg:$0x0];
	v19 =	vsel vm1, $0x3EF7, v19;
	v20 =	vsel vm1, $0x1EF8, v20;
	v21 =	vsel vm1, $0x3EF8, v21  }
0xad: {  	s0 =	rddreg [dreg:$0x1];
	v22 =	vsel vm1, $0x1EF9, v22;
	v23 =	vsel vm1, $0x3EF9, v23;
	v24 =	vsel vm1, $0x1EFA, v24  }
0xae: {  	s2 =	rddreg [dreg:$0x2];
	s3 =	srdreg.scid;
	v25 =	vsel vm1, $0x3EFA, v25;
	v26 =	vsel vm1, $0x1EFB, v26;
	v27 =	vsel vm1, $0x3EFB, v27  }
0xaf: {  	s6 =	simm.s32 $0x0;
	s5 =	stileid.u32;
	s8 =	simm.s32 $0x400;
	v28 =	vsel vm1, $0x1EFC, v28;
	v29 =	vsel vm1, $0x3EFC, v29;
	v30 =	vsel vm1, $0x1EFD, v30  }
0xb0: {  	s7 =	simm.s32 $0x5;
	s9 =	simm.s32 $0x7A1400;
	s10 =	simm.s32 $0x280;
	v31 =	vsel vm1, $0x3EFD, v31;
	v32 =	vsel vm1, $0x1EFE, v32;
	v33 =	vsel vm1, $0x3EFE, v33  }
0xb1: {  	s11 =	simm.s32 $0x1280;
	s12 =	simm.s32 $0x2280;
	s13 =	simm.s32 $0x3280;
	v34 =	vsel vm1, $0x1EFF, v34;
	v35 =	vsel vm1, $0x3EFF, v35;
	v2 =	vsel vm0, $0x1300, v2  }
0xb2: {  	s14 =	simm.s32 $0x4280;
	s15 =	simm.s32 $0x5280;
	s16 =	simm.s32 $0x6280;
	v3 =	vsel vm0, $0x3300, v3;
	v4 =	vsel vm0, $0x1F70, v4;
	v5 =	vsel vm0, $0x3F70, v5  }
0xb3: {  	s17 =	simm.s32 $0x7280;
	s18 =	simm.s32 $0x8280;
	s19 =	simm.s32 $0x9280;
	v6 =	vsel vm0, $0x1F71, v6;
	v7 =	vsel vm0, $0x3F71, v7;
	v8 =	vsel vm0, $0x1F72, v8  }
0xb4: {  	s20 =	simm.s32 $0xA280;
	s21 =	simm.s32 $0xB280;
	s22 =	simm.s32 $0xC280;
	v9 =	vsel vm0, $0x3F72, v9;
	v10 =	vsel vm0, $0x1F73, v10;
	v11 =	vsel vm0, $0x3F73, v11  }
0xb5: {  	s23 =	simm.s32 $0xD280;
	s28 =	simm.s32 $0x10280;
	s29 =	simm.s32 $0x2;
	v12 =	vsel vm0, $0x1F74, v12;
	v13 =	vsel vm0, $0x3F74, v13;
	v14 =	vsel vm0, $0x1F75, v14  }
0xb6: {  	s30 =	simm.s32 $0x3;
	s31 =	simm.s32 $0x4;
	s3 =	sand.u32 $0x1, s3;
	v15 =	vsel vm0, $0x3F75, v15;
	v16 =	vsel vm0, $0x1F76, v16;
	v17 =	vsel vm0, $0x3F76, v17  }
0xb7: {  	s5 =	sshll.u32 s5, $0xA;
	s4 =	ssub.s32 $0x2, s3;
	s3 =	sshll.u32 s3, $0x9;
	v18 =	vsel vm0, $0x1F77, v18;
	v19 =	vsel vm0, $0x3F77, v19;
	v20 =	vsel vm0, $0x1F78, v20  }
0xb8: {  	[smem:$0x7FF] =	sst s6;
	s24 =	sshrl.u32 s4, $0x1;
	s3 =	sor.u32 s3, s5;
	v21 =	vsel vm0, $0x3F78, v21;
	v22 =	vsel vm0, $0x1F79, v22;
	v23 =	vsel vm0, $0x3F79, v23  }
0xb9: {  	_ =	strace $0x80000047;
	s6 =	ssub.s32 s4, s24;
	s25 =	sshrl.u32 s3, $0x3;
	v24 =	vsel vm0, $0x1F7A, v24;
	v25 =	vsel vm0, $0x3F7A, v25;
	v26 =	vsel vm0, $0x1F7B, v26  }
0xba: {  	s26 =	sadd.s32 s2, s3;
	s24 =	simm.s32 $0xE280;
	s3 =	simm.s32 $0x0;
	v27 =	vsel vm0, $0x3F7B, v27;
	v28 =	vsel vm0, $0x1F7C, v28;
	v29 =	vsel vm0, $0x3F7C, v29  }
0xbb: {  	s1 =	sadd.s32 s1, s25;
	[dreg:$0x5] =	wrdreg s26;
	s6 =	smax.u32 s6, $0x1;
	v30 =	vsel vm0, $0x1F7D, v30;
	v31 =	vsel vm0, $0x3F7D, v31;
	v32 =	vsel vm0, $0x1F7E, v32  }
0xbc: {  	s25 =	simm.s32 $0xF280;
	s26 =	simm.s32 $0x1;
	[dreg:$0x4] =	wrdreg s1;
	v33 =	vsel vm0, $0x3F7E, v33;
	v34 =	vsel vm0, $0x1F7F, v34;
	v35 =	vsel vm0, $0x3F7F, v35  }
.LBB2_1:
0xbd: {  	s1 =	simm.s32 $0x0;
	s2 =	rddreg [dreg:$0x4]  }
0xbe: {  	[tilespmem:s1], [sflag:$0x5] =	stream.linear.gather [hbm4b:s2+s1], $0x200, $0x38;
	[tilespmem:$0x14280] =	vst v63  }
0xbf: {  	_ =	swait.ge [sflag:s7], $0x200  }
0xc0: {  	[sflag:s7] =	ssyncset.done $0x0  }
0xc1: {  	[sflag:s7] =	ssyncadd.s32 $0xFFFFFE00  }
0xc2: {  	v36 =	vld [tilespmem:$0x0];
	_ =	sdelay $0x4  }
0xc3: {  	(v2sf) =	vpush v36, $0x0;
	_ =	sdelay $0x1  }
0xc4: {  	(v2sf) =	vpush v36, $0x1;
	_ =	sdelay $0x2  }
0xc5: {  	(v2sf) =	vpush v36, $0x2;
	_ =	sdelay $0x2  }
0xc6: {  	(v2sf) =	vpush v36, $0x3;
	_ =	sdelay $0x6  }
0xc7: {  	s5 =	spop (v2sf)  }
0xc8: {  	s1 =	sand.u32 $0xFFFFF80, s5  }
0xc9: {  	s2 =	spop (v2sf);
	s1 =	sadd.s32 s0, s1  }
0xca: {  	[tilespmem:s10], [sflag:$0x1] =	stream.strided.gather [hbm4b:s1+s8], $0x1000, s9, s8, $0x38;
	[tilespmem:$0x14280] =	vst v63  }
0xcb: {  	s1 =	sand.u32 $0xFFFFF80, s2  }
0xcc: {  	s4 =	spop (v2sf);
	s1 =	sadd.s32 s0, s1  }
0xcd: {  	[tilespmem:s11], [sflag:$0x1] =	stream.strided.gather [hbm4b:s1+s8], $0x1000, s9, s8, $0x38;
	[tilespmem:$0x14280] =	vst v63  }
0xce: {  	s1 =	sand.u32 $0xFFFFF80, s4  }
0xcf: {  	s5 =	spop (v2sf);
	s1 =	sadd.s32 s0, s1  }
0xd0: {  	[tilespmem:s12], [sflag:$0x1] =	stream.strided.gather [hbm4b:s1+s8], $0x1000, s9, s8, $0x38;
	[tilespmem:$0x14280] =	vst v63  }
0xd1: {  	s1 =	sand.u32 $0xFFFFF80, s5  }
0xd2: {  	s1 =	sadd.s32 s0, s1  }
0xd3: {  	[tilespmem:s13], [sflag:$0x1] =	stream.strided.gather [hbm4b:s1+s8], $0x1000, s9, s8, $0x38;
	[tilespmem:$0x14280] =	vst v63  }
0xd4: {  	v62 =	vld [tilespmem:$0x4];
	_ =	sdelay $0x4  }
0xd5: {  	(v2sf) =	vpush v62, $0x0;
	_ =	sdelay $0x1  }
0xd6: {  	(v2sf) =	vpush v62, $0x1;
	_ =	sdelay $0x2  }
0xd7: {  	(v2sf) =	vpush v62, $0x2;
	_ =	sdelay $0x2  }
0xd8: {  	(v2sf) =	vpush v62, $0x3;
	_ =	sdelay $0x6  }
0xd9: {  	s2 =	spop (v2sf)  }
0xda: {  	s1 =	sand.u32 $0xFFFFF80, s2  }
0xdb: {  	s4 =	spop (v2sf);
	s1 =	sadd.s32 s0, s1  }
0xdc: {  	[tilespmem:s14], [sflag:$0x2] =	stream.strided.gather [hbm4b:s1+s8], $0x1000, s9, s8, $0x38;
	[tilespmem:$0x14280] =	vst v63  }
0xdd: {  	s1 =	sand.u32 $0xFFFFF80, s4  }
0xde: {  	s5 =	spop (v2sf);
	s1 =	sadd.s32 s0, s1  }
0xdf: {  	[tilespmem:s15], [sflag:$0x2] =	stream.strided.gather [hbm4b:s1+s8], $0x1000, s9, s8, $0x38;
	[tilespmem:$0x14280] =	vst v63  }
0xe0: {  	s1 =	sand.u32 $0xFFFFF80, s5  }
0xe1: {  	s2 =	spop (v2sf);
	s1 =	sadd.s32 s0, s1  }
0xe2: {  	[tilespmem:s16], [sflag:$0x2] =	stream.strided.gather [hbm4b:s1+s8], $0x1000, s9, s8, $0x38;
	[tilespmem:$0x14280] =	vst v63  }
0xe3: {  	s1 =	sand.u32 $0xFFFFF80, s2  }
0xe4: {  	s1 =	sadd.s32 s0, s1  }
0xe5: {  	[tilespmem:s17], [sflag:$0x2] =	stream.strided.gather [hbm4b:s1+s8], $0x1000, s9, s8, $0x38;
	[tilespmem:$0x14280] =	vst v63  }
0xe6: {  	v63 =	vld [tilespmem:$0x8];
	_ =	sdelay $0x4  }
0xe7: {  	(v2sf) =	vpush v63, $0x0  }
0xe8: {  	(v2sf) =	vpush v63, $0x1  }
0xe9: {  	(v2sf) =	vpush v63, $0x2;
	_ =	sdelay $0x3  }
0xea: {  	(v2sf) =	vpush v63, $0x3;
	_ =	sdelay $0x8  }
0xeb: {  	s4 =	spop (v2sf)  }
0xec: {  	s1 =	sand.u32 $0xFFFFF80, s4;
	s5 =	spop (v2sf)  }
0xed: {  	s1 =	sadd.s32 s0, s1;
	s4 =	sand.u32 $0xFFFFF80, s5;
	s5 =	spop (v2sf)  }
0xee: {  	[tilespmem:s18], [sflag:$0x3] =	stream.strided.gather [hbm4b:s1+s8], $0x1000, s9, s8, $0x38;
	[tilespmem:$0x14280] =	vst v63  }
0xef: {  	s1 =	sadd.s32 s0, s4;
	s4 =	sand.u32 $0xFFFFF80, s5  }
0xf0: {  	[tilespmem:s19], [sflag:$0x3] =	stream.strided.gather [hbm4b:s1+s8], $0x1000, s9, s8, $0x38;
	[tilespmem:$0x14280] =	vst v63  }
0xf1: {  	s5 =	spop (v2sf);
	s1 =	sadd.s32 s0, s4  }
0xf2: {  	[tilespmem:s20], [sflag:$0x3] =	stream.strided.gather [hbm4b:s1+s8], $0x1000, s9, s8, $0x38;
	[tilespmem:$0x14280] =	vst v63  }
0xf3: {  	s1 =	sand.u32 $0xFFFFF80, s5  }
0xf4: {  	s1 =	sadd.s32 s0, s1  }
0xf5: {  	[tilespmem:s21], [sflag:$0x3] =	stream.strided.gather [hbm4b:s1+s8], $0x1000, s9, s8, $0x38;
	[tilespmem:$0x14280] =	vst v63  }
0xf6: {  	s2 =	simm.s32 $0x0;
	s1 =	simm.s32 $0xC  }
.LBB2_2:
0xf7: {  	v36 =	vld [tilespmem:s1+$0x0];
	_ =	sdelay $0x4  }
0xf8: {  	(v2sf) =	vpush v36, $0x0;
	_ =	sdelay $0x1  }
0xf9: {  	(v2sf) =	vpush v36, $0x1;
	_ =	sdelay $0x2  }
0xfa: {  	(v2sf) =	vpush v36, $0x2;
	_ =	sdelay $0x2  }
0xfb: {  	(v2sf) =	vpush v36, $0x3;
	_ =	sdelay $0x6  }
0xfc: {  	s4 =	spop (v2sf)  }
0xfd: {  	s4 =	sand.u32 $0xFFFFF80, s4  }
0xfe: {  	s5 =	spop (v2sf);
	s4 =	sadd.s32 s0, s4  }
0xff: {  	[tilespmem:s22], [sflag:$0x4] =	stream.strided.gather [hbm4b:s4+s8], $0x1000, s9, s8, $0x38;
	[tilespmem:$0x14280] =	vst v63  }
0x100: {  	s4 =	sand.u32 $0xFFFFF80, s5  }
0x101: {  	s5 =	spop (v2sf);
	s4 =	sadd.s32 s0, s4  }
0x102: {  	[tilespmem:s23], [sflag:$0x4] =	stream.strided.gather [hbm4b:s4+s8], $0x1000, s9, s8, $0x38;
	[tilespmem:$0x14280] =	vst v63  }
0x103: {  	s4 =	sand.u32 $0xFFFFF80, s5  }
0x104: {  	s5 =	spop (v2sf);
	s4 =	sadd.s32 s0, s4  }
0x105: {  	[tilespmem:s24], [sflag:$0x4] =	stream.strided.gather [hbm4b:s4+s8], $0x1000, s9, s8, $0x38;
	[tilespmem:$0x14280] =	vst v63  }
0x106: {  	s4 =	sand.u32 $0xFFFFF80, s5  }
0x107: {  	s4 =	sadd.s32 s0, s4  }
0x108: {  	[tilespmem:s25], [sflag:$0x4] =	stream.strided.gather [hbm4b:s4+s8], $0x1000, s9, s8, $0x38;
	[tilespmem:$0x14280] =	vst v63  }
0x109: {  	_ =	swait.ge [sflag:s26], $0x1000  }
0x10a: {  	[sflag:s26] =	ssyncset.done $0x0  }
0x10b: {  	[sflag:s26] =	ssyncadd.s32 $0xFFFFF000  }
0x10c: {  	_ =	swait.ge [sflag:s26], $0x1000  }
0x10d: {  	[sflag:s26] =	ssyncset.done $0x0  }
0x10e: {  	[sflag:s26] =	ssyncadd.s32 $0xFFFFF000  }
0x10f: {  	_ =	swait.ge [sflag:s26], $0x1000  }
0x110: {  	[sflag:s26] =	ssyncset.done $0x0  }
0x111: {  	[sflag:s26] =	ssyncadd.s32 $0xFFFFF000  }
0x112: {  	_ =	swait.ge [sflag:s26], $0x1000  }
0x113: {  	[sflag:s26] =	ssyncset.done $0x0  }
0x114: {  	[sflag:s26] =	ssyncadd.s32 $0xFFFFF000  }
0x115: {  	v44 =	vld [tilespmem:s1+$0xFFFFFFF4];
	_ =	sdelay $0x4  }
0x116: {  	(v2sf) =	vpush v44, $0x0;
	_ =	sdelay $0x6  }
0x117: {  	(v2sf) =	vpush v44, $0x1;
	_ =	sdelay $0x6  }
0x118: {  	(v2sf) =	vpush v44, $0x2  }
0x119: {  	s5 =	spop (v2sf)  }
0x11a: {  	s4 =	sand.u32 $0x7F, s5  }
0x11b: {  	v37 =	vor.u32 s4, v0  }
0x11c: {  	v38 =	vmov s2;
	v39 =	vor.u32 s4, v1  }
0x11d: {  	v40 =	vshll.u32 v38, $0x3  }
0x11e: {  	v38 =	vand.u32 $0x70, v38;
	v40 =	vand.u32 $0xC00, v40  }
0x11f: {  	v38 =	vor.u32 v38, v40;
	(v2sf) =	vpush v44, $0x3  }
0x120: {  	v46 =	vor.u32 v2, v38;
	s5 =	spop (v2sf);
	v45 =	vld.idx.msk [tilespmem:v37+s10+$0x0], $0xffff  }
0x121: {  	v38 =	vor.u32 v3, v38;
	s4 =	sand.u32 $0x7F, s5;
	v39 =	vld.idx.msk [tilespmem:v39+s10+$0x0], $0xffff  }
0x122: {  	s5 =	sadd.s32 $0x1, s2;
	v47 =	vor.u32 s4, v0  }
0x123: {  	v41 =	vmov s5;
	v42 =	vor.u32 s4, v1  }
0x124: {  	v43 =	vshll.u32 v41, $0x3  }
0x125: {  	v48 =	vand.u32 $0x71, v41;
	v49 =	vand.u32 $0xC00, v43;
	[tilespmem:v46+s28+$0x0] =	vst.idx.msk $0xffff, v45  }
0x126: {  	v36 =	vor.u32 v48, v49;
	[tilespmem:v38+s28+$0x0] =	vst.idx.msk $0xffff, v39  }
0x127: {  	s5 =	spop (v2sf);
	v51 =	vor.u32 v2, v36;
	v50 =	vld.idx.msk [tilespmem:v47+s11+$0x0], $0xffff  }
0x128: {  	s4 =	sand.u32 $0x7F, s5;
	v36 =	vor.u32 v3, v36;
	v39 =	vld.idx.msk [tilespmem:v42+s11+$0x0], $0xffff  }
0x129: {  	s5 =	sadd.s32 $0x2, s2;
	v52 =	vor.u32 s4, v0  }
0x12a: {  	v53 =	vmov s5;
	v54 =	vor.u32 s4, v1  }
0x12b: {  	v55 =	vshll.u32 v53, $0x3  }
0x12c: {  	v56 =	vand.u32 $0x72, v53;
	v57 =	vand.u32 $0xC00, v55;
	[tilespmem:v51+s28+$0x0] =	vst.idx.msk $0xffff, v50  }
0x12d: {  	v58 =	vor.u32 v56, v57;
	[tilespmem:v36+s28+$0x0] =	vst.idx.msk $0xffff, v39  }
0x12e: {  	v38 =	vor.u32 v2, v58;
	s5 =	spop (v2sf);
	v59 =	vld.idx.msk [tilespmem:v52+s12+$0x0], $0xffff  }
0x12f: {  	s4 =	sand.u32 $0x7F, s5;
	v36 =	vor.u32 v3, v58;
	v39 =	vld.idx.msk [tilespmem:v54+s12+$0x0], $0xffff  }
0x130: {  	s5 =	sadd.s32 $0x3, s2;
	v60 =	vor.u32 s4, v0  }
0x131: {  	v61 =	vmov s5;
	v62 =	vor.u32 s4, v1  }
0x132: {  	v63 =	vshll.u32 v61, $0x3  }
0x133: {  	v45 =	vand.u32 $0x73, v61;
	v46 =	vand.u32 $0xC00, v63;
	[tilespmem:v38+s28+$0x0] =	vst.idx.msk $0xffff, v59  }
0x134: {  	v47 =	vor.u32 v45, v46;
	[tilespmem:v36+s28+$0x0] =	vst.idx.msk $0xffff, v39  }
0x135: {  	v38 =	vor.u32 v2, v47;
	v48 =	vld.idx.msk [tilespmem:v60+s13+$0x0], $0xffff  }
0x136: {  	v36 =	vor.u32 v3, v47;
	v39 =	vld.idx.msk [tilespmem:v62+s13+$0x0], $0xffff;
	_ =	sdelay $0x3  }
0x137: {  	[tilespmem:v38+s28+$0x0] =	vst.idx.msk $0xffff, v48  }
0x138: {  	[tilespmem:v36+s28+$0x0] =	vst.idx.msk $0xffff, v39  }
0x139: {  	v36 =	vld [tilespmem:s1+$0x4];
	_ =	sdelay $0x4  }
0x13a: {  	(v2sf) =	vpush v36, $0x0;
	_ =	sdelay $0x1  }
0x13b: {  	(v2sf) =	vpush v36, $0x1;
	_ =	sdelay $0x2  }
0x13c: {  	(v2sf) =	vpush v36, $0x2;
	_ =	sdelay $0x2  }
0x13d: {  	(v2sf) =	vpush v36, $0x3;
	_ =	sdelay $0x6  }
0x13e: {  	s5 =	spop (v2sf)  }
0x13f: {  	s4 =	sand.u32 $0xFFFFF80, s5  }
0x140: {  	s5 =	spop (v2sf);
	s4 =	sadd.s32 s0, s4  }
0x141: {  	[tilespmem:s10], [sflag:$0x1] =	stream.strided.gather [hbm4b:s4+s8], $0x1000, s9, s8, $0x38;
	[tilespmem:$0x14280] =	vst v63  }
0x142: {  	s4 =	sand.u32 $0xFFFFF80, s5  }
0x143: {  	s5 =	spop (v2sf);
	s4 =	sadd.s32 s0, s4  }
0x144: {  	[tilespmem:s11], [sflag:$0x1] =	stream.strided.gather [hbm4b:s4+s8], $0x1000, s9, s8, $0x38;
	[tilespmem:$0x14280] =	vst v63  }
0x145: {  	s4 =	sand.u32 $0xFFFFF80, s5  }
0x146: {  	s5 =	spop (v2sf);
	s4 =	sadd.s32 s0, s4  }
0x147: {  	[tilespmem:s12], [sflag:$0x1] =	stream.strided.gather [hbm4b:s4+s8], $0x1000, s9, s8, $0x38;
	[tilespmem:$0x14280] =	vst v63  }
0x148: {  	s4 =	sand.u32 $0xFFFFF80, s5  }
0x149: {  	s4 =	sadd.s32 s0, s4  }
0x14a: {  	[tilespmem:s13], [sflag:$0x1] =	stream.strided.gather [hbm4b:s4+s8], $0x1000, s9, s8, $0x38;
	[tilespmem:$0x14280] =	vst v63  }
0x14b: {  	_ =	swait.ge [sflag:s29], $0x1000  }
0x14c: {  	[sflag:s29] =	ssyncset.done $0x0  }
0x14d: {  	[sflag:s29] =	ssyncadd.s32 $0xFFFFF000  }
0x14e: {  	_ =	swait.ge [sflag:s29], $0x1000  }
0x14f: {  	[sflag:s29] =	ssyncset.done $0x0  }
0x150: {  	[sflag:s29] =	ssyncadd.s32 $0xFFFFF000  }
0x151: {  	_ =	swait.ge [sflag:s29], $0x1000  }
0x152: {  	[sflag:s29] =	ssyncset.done $0x0  }
0x153: {  	[sflag:s29] =	ssyncadd.s32 $0xFFFFF000  }
0x154: {  	_ =	swait.ge [sflag:s29], $0x1000  }
0x155: {  	[sflag:s29] =	ssyncset.done $0x0  }
0x156: {  	[sflag:s29] =	ssyncadd.s32 $0xFFFFF000  }
0x157: {  	v49 =	vld [tilespmem:s1+$0xFFFFFFF8];
	_ =	sdelay $0x4  }
0x158: {  	(v2sf) =	vpush v49, $0x0;
	_ =	sdelay $0x6  }
0x159: {  	(v2sf) =	vpush v49, $0x1;
	_ =	sdelay $0x6  }
0x15a: {  	(v2sf) =	vpush v49, $0x2  }
0x15b: {  	s5 =	spop (v2sf)  }
0x15c: {  	s4 =	sand.u32 $0x7F, s5  }
0x15d: {  	s5 =	sadd.s32 $0x4, s2;
	v50 =	vor.u32 s4, v0  }
0x15e: {  	v51 =	vmov s5;
	v52 =	vor.u32 s4, v1  }
0x15f: {  	v53 =	vshll.u32 v51, $0x3  }
0x160: {  	v38 =	vand.u32 $0x74, v51;
	v40 =	vand.u32 $0xC00, v53  }
0x161: {  	(v2sf) =	vpush v49, $0x3;
	v38 =	vor.u32 v38, v40  }
0x162: {  	s5 =	spop (v2sf);
	v55 =	vor.u32 v2, v38;
	v54 =	vld.idx.msk [tilespmem:v50+s14+$0x0], $0xffff  }
0x163: {  	s4 =	sand.u32 $0x7F, s5;
	v38 =	vor.u32 v3, v38;
	v39 =	vld.idx.msk [tilespmem:v52+s14+$0x0], $0xffff  }
0x164: {  	s5 =	sadd.s32 $0x5, s2;
	v56 =	vor.u32 s4, v0  }
0x165: {  	v57 =	vmov s5;
	v58 =	vor.u32 s4, v1  }
0x166: {  	v59 =	vshll.u32 v57, $0x3  }
0x167: {  	v60 =	vand.u32 $0x75, v57;
	v61 =	vand.u32 $0xC00, v59;
	[tilespmem:v55+s28+$0x0] =	vst.idx.msk $0xffff, v54  }
0x168: {  	v36 =	vor.u32 v60, v61;
	[tilespmem:v38+s28+$0x0] =	vst.idx.msk $0xffff, v39  }
0x169: {  	s5 =	spop (v2sf);
	v63 =	vor.u32 v2, v36;
	v62 =	vld.idx.msk [tilespmem:v56+s15+$0x0], $0xffff  }
0x16a: {  	s4 =	sand.u32 $0x7F, s5;
	v36 =	vor.u32 v3, v36;
	v39 =	vld.idx.msk [tilespmem:v58+s15+$0x0], $0xffff  }
0x16b: {  	s5 =	sadd.s32 $0x6, s2;
	v45 =	vor.u32 s4, v0  }
0x16c: {  	v46 =	vmov s5;
	v47 =	vor.u32 s4, v1  }
0x16d: {  	v48 =	vshll.u32 v46, $0x3  }
0x16e: {  	v49 =	vand.u32 $0x76, v46;
	v50 =	vand.u32 $0xC00, v48;
	[tilespmem:v63+s28+$0x0] =	vst.idx.msk $0xffff, v62  }
0x16f: {  	v51 =	vor.u32 v49, v50;
	[tilespmem:v36+s28+$0x0] =	vst.idx.msk $0xffff, v39  }
0x170: {  	v38 =	vor.u32 v2, v51;
	s5 =	spop (v2sf);
	v52 =	vld.idx.msk [tilespmem:v45+s16+$0x0], $0xffff  }
0x171: {  	s4 =	sand.u32 $0x7F, s5;
	v36 =	vor.u32 v3, v51;
	v39 =	vld.idx.msk [tilespmem:v47+s16+$0x0], $0xffff  }
0x172: {  	s5 =	sadd.s32 $0x7, s2;
	v53 =	vor.u32 s4, v0  }
0x173: {  	v54 =	vmov s5;
	v55 =	vor.u32 s4, v1  }
0x174: {  	v56 =	vshll.u32 v54, $0x3  }
0x175: {  	v57 =	vand.u32 $0x77, v54;
	v58 =	vand.u32 $0xC00, v56;
	[tilespmem:v38+s28+$0x0] =	vst.idx.msk $0xffff, v52  }
0x176: {  	v59 =	vor.u32 v57, v58;
	[tilespmem:v36+s28+$0x0] =	vst.idx.msk $0xffff, v39  }
0x177: {  	v38 =	vor.u32 v2, v59;
	v60 =	vld.idx.msk [tilespmem:v53+s17+$0x0], $0xffff  }
0x178: {  	v36 =	vor.u32 v3, v59;
	v39 =	vld.idx.msk [tilespmem:v55+s17+$0x0], $0xffff;
	_ =	sdelay $0x3  }
0x179: {  	[tilespmem:v38+s28+$0x0] =	vst.idx.msk $0xffff, v60  }
0x17a: {  	[tilespmem:v36+s28+$0x0] =	vst.idx.msk $0xffff, v39  }
0x17b: {  	v36 =	vld [tilespmem:s1+$0x8];
	_ =	sdelay $0x4  }
0x17c: {  	(v2sf) =	vpush v36, $0x0;
	_ =	sdelay $0x1  }
0x17d: {  	(v2sf) =	vpush v36, $0x1;
	_ =	sdelay $0x2  }
0x17e: {  	(v2sf) =	vpush v36, $0x2;
	_ =	sdelay $0x2  }
0x17f: {  	(v2sf) =	vpush v36, $0x3;
	_ =	sdelay $0x6  }
0x180: {  	s5 =	spop (v2sf)  }
0x181: {  	s4 =	sand.u32 $0xFFFFF80, s5  }
0x182: {  	s5 =	spop (v2sf);
	s4 =	sadd.s32 s0, s4  }
0x183: {  	[tilespmem:s14], [sflag:$0x2] =	stream.strided.gather [hbm4b:s4+s8], $0x1000, s9, s8, $0x38;
	[tilespmem:$0x14280] =	vst v63  }
0x184: {  	s4 =	sand.u32 $0xFFFFF80, s5  }
0x185: {  	s5 =	spop (v2sf);
	s4 =	sadd.s32 s0, s4  }
0x186: {  	[tilespmem:s15], [sflag:$0x2] =	stream.strided.gather [hbm4b:s4+s8], $0x1000, s9, s8, $0x38;
	[tilespmem:$0x14280] =	vst v63  }
0x187: {  	s4 =	sand.u32 $0xFFFFF80, s5  }
0x188: {  	s5 =	spop (v2sf);
	s4 =	sadd.s32 s0, s4  }
0x189: {  	[tilespmem:s16], [sflag:$0x2] =	stream.strided.gather [hbm4b:s4+s8], $0x1000, s9, s8, $0x38;
	[tilespmem:$0x14280] =	vst v63  }
0x18a: {  	s4 =	sand.u32 $0xFFFFF80, s5  }
0x18b: {  	s4 =	sadd.s32 s0, s4  }
0x18c: {  	[tilespmem:s17], [sflag:$0x2] =	stream.strided.gather [hbm4b:s4+s8], $0x1000, s9, s8, $0x38;
	[tilespmem:$0x14280] =	vst v63  }
0x18d: {  	_ =	swait.ge [sflag:s30], $0x1000  }
0x18e: {  	[sflag:s30] =	ssyncset.done $0x0  }
0x18f: {  	[sflag:s30] =	ssyncadd.s32 $0xFFFFF000  }
0x190: {  	_ =	swait.ge [sflag:s30], $0x1000  }
0x191: {  	[sflag:s30] =	ssyncset.done $0x0  }
0x192: {  	[sflag:s30] =	ssyncadd.s32 $0xFFFFF000  }
0x193: {  	_ =	swait.ge [sflag:s30], $0x1000  }
0x194: {  	[sflag:s30] =	ssyncset.done $0x0  }
0x195: {  	[sflag:s30] =	ssyncadd.s32 $0xFFFFF000  }
0x196: {  	_ =	swait.ge [sflag:s30], $0x1000  }
0x197: {  	[sflag:s30] =	ssyncset.done $0x0  }
0x198: {  	[sflag:s30] =	ssyncadd.s32 $0xFFFFF000  }
0x199: {  	v61 =	vld [tilespmem:s1+$0xFFFFFFFC];
	_ =	sdelay $0x4  }
0x19a: {  	(v2sf) =	vpush v61, $0x0;
	_ =	sdelay $0x6  }
0x19b: {  	(v2sf) =	vpush v61, $0x1;
	_ =	sdelay $0x6  }
0x19c: {  	(v2sf) =	vpush v61, $0x2  }
0x19d: {  	s5 =	spop (v2sf)  }
0x19e: {  	s4 =	sand.u32 $0x7F, s5  }
0x19f: {  	s5 =	sadd.s32 $0x8, s2;
	v62 =	vor.u32 s4, v0  }
0x1a0: {  	v63 =	vmov s5;
	v44 =	vor.u32 s4, v1  }
0x1a1: {  	v45 =	vshll.u32 v63, $0x3  }
0x1a2: {  	v38 =	vand.u32 $0x78, v63;
	v40 =	vand.u32 $0xC00, v45  }
0x1a3: {  	(v2sf) =	vpush v61, $0x3;
	v38 =	vor.u32 v38, v40  }
0x1a4: {  	s5 =	spop (v2sf);
	v47 =	vor.u32 v2, v38;
	v46 =	vld.idx.msk [tilespmem:v62+s18+$0x0], $0xffff  }
0x1a5: {  	s4 =	sand.u32 $0x7F, s5;
	v38 =	vor.u32 v3, v38;
	v39 =	vld.idx.msk [tilespmem:v44+s18+$0x0], $0xffff  }
0x1a6: {  	s5 =	sadd.s32 $0x9, s2;
	v48 =	vor.u32 s4, v0  }
0x1a7: {  	v49 =	vmov s5;
	v50 =	vor.u32 s4, v1  }
0x1a8: {  	v51 =	vshll.u32 v49, $0x3  }
0x1a9: {  	v52 =	vand.u32 $0x79, v49;
	v53 =	vand.u32 $0xC00, v51;
	[tilespmem:v47+s28+$0x0] =	vst.idx.msk $0xffff, v46  }
0x1aa: {  	v36 =	vor.u32 v52, v53;
	[tilespmem:v38+s28+$0x0] =	vst.idx.msk $0xffff, v39  }
0x1ab: {  	s5 =	spop (v2sf);
	v55 =	vor.u32 v2, v36;
	v54 =	vld.idx.msk [tilespmem:v48+s19+$0x0], $0xffff  }
0x1ac: {  	s4 =	sand.u32 $0x7F, s5;
	v36 =	vor.u32 v3, v36;
	v39 =	vld.idx.msk [tilespmem:v50+s19+$0x0], $0xffff  }
0x1ad: {  	s5 =	sadd.s32 $0xA, s2;
	v56 =	vor.u32 s4, v0  }
0x1ae: {  	v57 =	vmov s5;
	v58 =	vor.u32 s4, v1  }
0x1af: {  	v59 =	vshll.u32 v57, $0x3  }
0x1b0: {  	v60 =	vand.u32 $0x7A, v57;
	v61 =	vand.u32 $0xC00, v59;
	[tilespmem:v55+s28+$0x0] =	vst.idx.msk $0xffff, v54  }
0x1b1: {  	v62 =	vor.u32 v60, v61;
	[tilespmem:v36+s28+$0x0] =	vst.idx.msk $0xffff, v39  }
0x1b2: {  	v38 =	vor.u32 v2, v62;
	s5 =	spop (v2sf);
	v63 =	vld.idx.msk [tilespmem:v56+s20+$0x0], $0xffff  }
0x1b3: {  	s4 =	sand.u32 $0x7F, s5;
	v36 =	vor.u32 v3, v62;
	v39 =	vld.idx.msk [tilespmem:v58+s20+$0x0], $0xffff  }
0x1b4: {  	s5 =	sadd.s32 $0xB, s2;
	v45 =	vor.u32 s4, v0  }
0x1b5: {  	v46 =	vmov s5;
	v47 =	vor.u32 s4, v1  }
0x1b6: {  	v48 =	vshll.u32 v46, $0x3  }
0x1b7: {  	v49 =	vand.u32 $0x7B, v46;
	v50 =	vand.u32 $0xC00, v48;
	[tilespmem:v38+s28+$0x0] =	vst.idx.msk $0xffff, v63  }
0x1b8: {  	v51 =	vor.u32 v49, v50;
	[tilespmem:v36+s28+$0x0] =	vst.idx.msk $0xffff, v39  }
0x1b9: {  	v38 =	vor.u32 v2, v51;
	v52 =	vld.idx.msk [tilespmem:v45+s21+$0x0], $0xffff  }
0x1ba: {  	v36 =	vor.u32 v3, v51;
	v39 =	vld.idx.msk [tilespmem:v47+s21+$0x0], $0xffff;
	_ =	sdelay $0x3  }
0x1bb: {  	[tilespmem:v38+s28+$0x0] =	vst.idx.msk $0xffff, v52  }
0x1bc: {  	[tilespmem:v36+s28+$0x0] =	vst.idx.msk $0xffff, v39  }
0x1bd: {  	v36 =	vld [tilespmem:s1+$0xC];
	_ =	sdelay $0x4  }
0x1be: {  	(v2sf) =	vpush v36, $0x0;
	_ =	sdelay $0x1  }
0x1bf: {  	(v2sf) =	vpush v36, $0x1;
	_ =	sdelay $0x2  }
0x1c0: {  	(v2sf) =	vpush v36, $0x2;
	_ =	sdelay $0x2  }
0x1c1: {  	(v2sf) =	vpush v36, $0x3;
	_ =	sdelay $0x6  }
0x1c2: {  	s5 =	spop (v2sf)  }
0x1c3: {  	s4 =	sand.u32 $0xFFFFF80, s5  }
0x1c4: {  	s5 =	spop (v2sf);
	s4 =	sadd.s32 s0, s4  }
0x1c5: {  	[tilespmem:s18], [sflag:$0x3] =	stream.strided.gather [hbm4b:s4+s8], $0x1000, s9, s8, $0x38;
	[tilespmem:$0x14280] =	vst v63  }
0x1c6: {  	s4 =	sand.u32 $0xFFFFF80, s5  }
0x1c7: {  	s5 =	spop (v2sf);
	s4 =	sadd.s32 s0, s4  }
0x1c8: {  	[tilespmem:s19], [sflag:$0x3] =	stream.strided.gather [hbm4b:s4+s8], $0x1000, s9, s8, $0x38;
	[tilespmem:$0x14280] =	vst v63  }
0x1c9: {  	s4 =	sand.u32 $0xFFFFF80, s5  }
0x1ca: {  	s5 =	spop (v2sf);
	s4 =	sadd.s32 s0, s4  }
0x1cb: {  	[tilespmem:s20], [sflag:$0x3] =	stream.strided.gather [hbm4b:s4+s8], $0x1000, s9, s8, $0x38;
	[tilespmem:$0x14280] =	vst v63  }
0x1cc: {  	s4 =	sand.u32 $0xFFFFF80, s5  }
0x1cd: {  	s4 =	sadd.s32 s0, s4  }
0x1ce: {  	[tilespmem:s21], [sflag:$0x3] =	stream.strided.gather [hbm4b:s4+s8], $0x1000, s9, s8, $0x38;
	[tilespmem:$0x14280] =	vst v63  }
0x1cf: {  	_ =	swait.ge [sflag:s31], $0x1000  }
0x1d0: {  	[sflag:s31] =	ssyncset.done $0x0  }
0x1d1: {  	[sflag:s31] =	ssyncadd.s32 $0xFFFFF000  }
0x1d2: {  	_ =	swait.ge [sflag:s31], $0x1000  }
0x1d3: {  	[sflag:s31] =	ssyncset.done $0x0  }
0x1d4: {  	[sflag:s31] =	ssyncadd.s32 $0xFFFFF000  }
0x1d5: {  	_ =	swait.ge [sflag:s31], $0x1000  }
0x1d6: {  	[sflag:s31] =	ssyncset.done $0x0  }
0x1d7: {  	[sflag:s31] =	ssyncadd.s32 $0xFFFFF000  }
0x1d8: {  	_ =	swait.ge [sflag:s31], $0x1000  }
0x1d9: {  	[sflag:s31] =	ssyncset.done $0x0  }
0x1da: {  	[sflag:s31] =	ssyncadd.s32 $0xFFFFF000  }
0x1db: {  	v53 =	vld [tilespmem:s1+$0x0];
	_ =	sdelay $0x4  }
0x1dc: {  	(v2sf) =	vpush v53, $0x0;
	_ =	sdelay $0x6  }
0x1dd: {  	(v2sf) =	vpush v53, $0x1;
	_ =	sdelay $0x6  }
0x1de: {  	(v2sf) =	vpush v53, $0x2  }
0x1df: {  	s5 =	spop (v2sf)  }
0x1e0: {  	s4 =	sand.u32 $0x7F, s5  }
0x1e1: {  	s5 =	sadd.s32 $0xC, s2;
	v54 =	vor.u32 s4, v0  }
0x1e2: {  	v55 =	vmov s5;
	v56 =	vor.u32 s4, v1  }
0x1e3: {  	v57 =	vshll.u32 v55, $0x3  }
0x1e4: {  	v38 =	vand.u32 $0x7C, v55;
	v40 =	vand.u32 $0xC00, v57  }
0x1e5: {  	(v2sf) =	vpush v53, $0x3;
	v38 =	vor.u32 v38, v40  }
0x1e6: {  	s5 =	spop (v2sf);
	v59 =	vor.u32 v2, v38;
	v58 =	vld.idx.msk [tilespmem:v54+s22+$0x0], $0xffff  }
0x1e7: {  	s4 =	sand.u32 $0x7F, s5;
	v38 =	vor.u32 v3, v38;
	v39 =	vld.idx.msk [tilespmem:v56+s22+$0x0], $0xffff  }
0x1e8: {  	s5 =	sadd.s32 $0xD, s2;
	v60 =	vor.u32 s4, v0  }
0x1e9: {  	v61 =	vmov s5;
	v62 =	vor.u32 s4, v1  }
0x1ea: {  	v63 =	vshll.u32 v61, $0x3  }
0x1eb: {  	v44 =	vand.u32 $0x7D, v61;
	v45 =	vand.u32 $0xC00, v63;
	[tilespmem:v59+s28+$0x0] =	vst.idx.msk $0xffff, v58  }
0x1ec: {  	v36 =	vor.u32 v44, v45;
	[tilespmem:v38+s28+$0x0] =	vst.idx.msk $0xffff, v39  }
0x1ed: {  	s5 =	spop (v2sf);
	v47 =	vor.u32 v2, v36;
	v46 =	vld.idx.msk [tilespmem:v60+s23+$0x0], $0xffff  }
0x1ee: {  	s4 =	sand.u32 $0x7F, s5;
	v36 =	vor.u32 v3, v36;
	v39 =	vld.idx.msk [tilespmem:v62+s23+$0x0], $0xffff  }
0x1ef: {  	s5 =	sadd.s32 $0xE, s2;
	v48 =	vor.u32 s4, v0  }
0x1f0: {  	v49 =	vmov s5;
	v50 =	vor.u32 s4, v1  }
0x1f1: {  	v51 =	vshll.u32 v49, $0x3  }
0x1f2: {  	v52 =	vand.u32 $0x7E, v49;
	v53 =	vand.u32 $0xC00, v51;
	[tilespmem:v47+s28+$0x0] =	vst.idx.msk $0xffff, v46  }
0x1f3: {  	v54 =	vor.u32 v52, v53;
	[tilespmem:v36+s28+$0x0] =	vst.idx.msk $0xffff, v39  }
0x1f4: {  	v38 =	vor.u32 v2, v54;
	s5 =	spop (v2sf);
	v55 =	vld.idx.msk [tilespmem:v48+s24+$0x0], $0xffff  }
0x1f5: {  	s4 =	sand.u32 $0x7F, s5;
	v36 =	vor.u32 v3, v54;
	v39 =	vld.idx.msk [tilespmem:v50+s24+$0x0], $0xffff  }
0x1f6: {  	s5 =	sadd.s32 $0xF, s2;
	v56 =	vor.u32 s4, v0  }
0x1f7: {  	v57 =	vmov s5;
	v58 =	vor.u32 s4, v1  }
0x1f8: {  	v59 =	vshll.u32 v57, $0x3  }
0x1f9: {  	v60 =	vand.u32 $0x7F, v57;
	v61 =	vand.u32 $0xC00, v59;
	[tilespmem:v38+s28+$0x0] =	vst.idx.msk $0xffff, v55  }
0x1fa: {  	v62 =	vor.u32 v60, v61;
	[tilespmem:v36+s28+$0x0] =	vst.idx.msk $0xffff, v39  }
0x1fb: {  	v38 =	vor.u32 v2, v62;
	v63 =	vld.idx.msk [tilespmem:v56+s25+$0x0], $0xffff  }
0x1fc: {  	p0 =	sne.s32 s2, $0x1E0;
	v36 =	vor.u32 v3, v62;
	v39 =	vld.idx.msk [tilespmem:v58+s25+$0x0], $0xffff  }
.Ltmp0:
0x1fd: {  	_ = 	snop;
	(pc) =	sbr.rel @p0 .LBB2_2-.Ltmp0, $3  }
0x1fe: {  	_ =	sdelay $0x1  }
0x1ff: {  	[tilespmem:v38+s28+$0x0] =	vst.idx.msk $0xffff, v63  }
0x200: {  	s1 =	sadd.s32 $0x10, s1;
	s2 =	sadd.s32 $0x10, s2;
	[tilespmem:v36+s28+$0x0] =	vst.idx.msk $0xffff, v39  }
0x201: {  	v36 =	vld [tilespmem:$0x1FC];
	_ =	sdelay $0x4  }
0x202: {  	(v2sf) =	vpush v36, $0x0;
	_ =	sdelay $0x1  }
0x203: {  	(v2sf) =	vpush v36, $0x1;
	_ =	sdelay $0x2  }
0x204: {  	(v2sf) =	vpush v36, $0x2;
	_ =	sdelay $0x2  }
0x205: {  	(v2sf) =	vpush v36, $0x3;
	_ =	sdelay $0x6  }
0x206: {  	s1 =	spop (v2sf)  }
0x207: {  	s1 =	sand.u32 $0xFFFFF80, s1  }
0x208: {  	s4 =	spop (v2sf);
	s1 =	sadd.s32 s0, s1  }
0x209: {  	[tilespmem:s22], [sflag:$0x4] =	stream.strided.gather [hbm4b:s1+s8], $0x1000, s9, s8, $0x38;
	[tilespmem:$0x14280] =	vst v63  }
0x20a: {  	s1 =	sand.u32 $0xFFFFF80, s4  }
0x20b: {  	s5 =	spop (v2sf);
	s1 =	sadd.s32 s0, s1  }
0x20c: {  	[tilespmem:s23], [sflag:$0x4] =	stream.strided.gather [hbm4b:s1+s8], $0x1000, s9, s8, $0x38;
	[tilespmem:$0x14280] =	vst v63  }
0x20d: {  	s1 =	sand.u32 $0xFFFFF80, s5  }
0x20e: {  	s2 =	spop (v2sf);
	s1 =	sadd.s32 s0, s1  }
0x20f: {  	[tilespmem:s24], [sflag:$0x4] =	stream.strided.gather [hbm4b:s1+s8], $0x1000, s9, s8, $0x38;
	[tilespmem:$0x14280] =	vst v63  }
0x210: {  	s1 =	sand.u32 $0xFFFFF80, s2  }
0x211: {  	s1 =	sadd.s32 s0, s1  }
0x212: {  	[tilespmem:s25], [sflag:$0x4] =	stream.strided.gather [hbm4b:s1+s8], $0x1000, s9, s8, $0x38;
	[tilespmem:$0x14280] =	vst v63  }
0x213: {  	_ =	swait.ge [sflag:s26], $0x1000  }
0x214: {  	[sflag:s26] =	ssyncset.done $0x0  }
0x215: {  	[sflag:s26] =	ssyncadd.s32 $0xFFFFF000  }
0x216: {  	_ =	swait.ge [sflag:s26], $0x1000  }
0x217: {  	[sflag:s26] =	ssyncset.done $0x0  }
0x218: {  	[sflag:s26] =	ssyncadd.s32 $0xFFFFF000  }
0x219: {  	_ =	swait.ge [sflag:s26], $0x1000  }
0x21a: {  	[sflag:s26] =	ssyncset.done $0x0  }
0x21b: {  	[sflag:s26] =	ssyncadd.s32 $0xFFFFF000  }
0x21c: {  	_ =	swait.ge [sflag:s26], $0x1000  }
0x21d: {  	[sflag:s26] =	ssyncset.done $0x0  }
0x21e: {  	[sflag:s26] =	ssyncadd.s32 $0xFFFFF000  }
0x21f: {  	v45 =	vld [tilespmem:$0x1F0];
	_ =	sdelay $0x4  }
0x220: {  	(v2sf) =	vpush v45, $0x0;
	_ =	sdelay $0x6  }
0x221: {  	(v2sf) =	vpush v45, $0x1;
	_ =	sdelay $0x6  }
0x222: {  	(v2sf) =	vpush v45, $0x2  }
0x223: {  	s4 =	spop (v2sf)  }
0x224: {  	s1 =	sand.u32 $0x7F, s4  }
0x225: {  	v37 =	vor.u32 s1, v0  }
0x226: {  	v38 =	vor.u32 s1, v1;
	_ =	sdelay $0x2  }
0x227: {  	(v2sf) =	vpush v45, $0x3  }
0x228: {  	s5 =	spop (v2sf);
	v46 =	vld.idx.msk [tilespmem:v37+s10+$0x0], $0xffff  }
0x229: {  	s1 =	sand.u32 $0x7F, s5;
	v47 =	vld.idx.msk [tilespmem:v38+s10+$0x0], $0xffff  }
0x22a: {  	v48 =	vor.u32 s1, v0  }
0x22b: {  	v39 =	vor.u32 s1, v1;
	_ =	sdelay $0x1  }
0x22c: {  	[tilespmem:v4+s28+$0x0] =	vst.idx.msk $0xffff, v46  }
0x22d: {  	[tilespmem:v5+s28+$0x0] =	vst.idx.msk $0xffff, v47  }
0x22e: {  	s2 =	spop (v2sf);
	v36 =	vld.idx.msk [tilespmem:v48+s11+$0x0], $0xffff  }
0x22f: {  	s1 =	sand.u32 $0x7F, s2;
	v37 =	vld.idx.msk [tilespmem:v39+s11+$0x0], $0xffff  }
0x230: {  	v49 =	vor.u32 s1, v0  }
0x231: {  	v50 =	vor.u32 s1, v1;
	_ =	sdelay $0x1  }
0x232: {  	[tilespmem:v6+s28+$0x0] =	vst.idx.msk $0xffff, v36  }
0x233: {  	[tilespmem:v7+s28+$0x0] =	vst.idx.msk $0xffff, v37  }
0x234: {  	s4 =	spop (v2sf);
	v36 =	vld.idx.msk [tilespmem:v49+s12+$0x0], $0xffff  }
0x235: {  	s1 =	sand.u32 $0x7F, s4;
	v37 =	vld.idx.msk [tilespmem:v50+s12+$0x0], $0xffff  }
0x236: {  	v51 =	vor.u32 s1, v0  }
0x237: {  	v52 =	vor.u32 s1, v1;
	_ =	sdelay $0x1  }
0x238: {  	[tilespmem:v8+s28+$0x0] =	vst.idx.msk $0xffff, v36  }
0x239: {  	[tilespmem:v9+s28+$0x0] =	vst.idx.msk $0xffff, v37  }
0x23a: {  	v36 =	vld.idx.msk [tilespmem:v51+s13+$0x0], $0xffff  }
0x23b: {  	v37 =	vld.idx.msk [tilespmem:v52+s13+$0x0], $0xffff;
	_ =	sdelay $0x3  }
0x23c: {  	[tilespmem:v10+s28+$0x0] =	vst.idx.msk $0xffff, v36  }
0x23d: {  	[tilespmem:v11+s28+$0x0] =	vst.idx.msk $0xffff, v37  }
0x23e: {  	_ =	swait.ge [sflag:s29], $0x1000  }
0x23f: {  	[sflag:s29] =	ssyncset.done $0x0  }
0x240: {  	[sflag:s29] =	ssyncadd.s32 $0xFFFFF000  }
0x241: {  	_ =	swait.ge [sflag:s29], $0x1000  }
0x242: {  	[sflag:s29] =	ssyncset.done $0x0  }
0x243: {  	[sflag:s29] =	ssyncadd.s32 $0xFFFFF000  }
0x244: {  	_ =	swait.ge [sflag:s29], $0x1000  }
0x245: {  	[sflag:s29] =	ssyncset.done $0x0  }
0x246: {  	[sflag:s29] =	ssyncadd.s32 $0xFFFFF000  }
0x247: {  	_ =	swait.ge [sflag:s29], $0x1000  }
0x248: {  	[sflag:s29] =	ssyncset.done $0x0  }
0x249: {  	[sflag:s29] =	ssyncadd.s32 $0xFFFFF000  }
0x24a: {  	v53 =	vld [tilespmem:$0x1F4];
	_ =	sdelay $0x4  }
0x24b: {  	(v2sf) =	vpush v53, $0x0;
	_ =	sdelay $0x6  }
0x24c: {  	(v2sf) =	vpush v53, $0x1;
	_ =	sdelay $0x6  }
0x24d: {  	(v2sf) =	vpush v53, $0x2  }
0x24e: {  	s5 =	spop (v2sf)  }
0x24f: {  	s1 =	sand.u32 $0x7F, s5  }
0x250: {  	v54 =	vor.u32 s1, v0  }
0x251: {  	v55 =	vor.u32 s1, v1;
	_ =	sdelay $0x2  }
0x252: {  	(v2sf) =	vpush v53, $0x3  }
0x253: {  	s2 =	spop (v2sf);
	v56 =	vld.idx.msk [tilespmem:v54+s14+$0x0], $0xffff  }
0x254: {  	s1 =	sand.u32 $0x7F, s2;
	v57 =	vld.idx.msk [tilespmem:v55+s14+$0x0], $0xffff  }
0x255: {  	v58 =	vor.u32 s1, v0  }
0x256: {  	v59 =	vor.u32 s1, v1;
	_ =	sdelay $0x1  }
0x257: {  	[tilespmem:v12+s28+$0x0] =	vst.idx.msk $0xffff, v56  }
0x258: {  	[tilespmem:v13+s28+$0x0] =	vst.idx.msk $0xffff, v57  }
0x259: {  	s4 =	spop (v2sf);
	v36 =	vld.idx.msk [tilespmem:v58+s15+$0x0], $0xffff  }
0x25a: {  	s1 =	sand.u32 $0x7F, s4;
	v37 =	vld.idx.msk [tilespmem:v59+s15+$0x0], $0xffff  }
0x25b: {  	v60 =	vor.u32 s1, v0  }
0x25c: {  	v61 =	vor.u32 s1, v1;
	_ =	sdelay $0x1  }
0x25d: {  	[tilespmem:v14+s28+$0x0] =	vst.idx.msk $0xffff, v36  }
0x25e: {  	[tilespmem:v15+s28+$0x0] =	vst.idx.msk $0xffff, v37  }
0x25f: {  	s5 =	spop (v2sf);
	v36 =	vld.idx.msk [tilespmem:v60+s16+$0x0], $0xffff  }
0x260: {  	s1 =	sand.u32 $0x7F, s5;
	v37 =	vld.idx.msk [tilespmem:v61+s16+$0x0], $0xffff  }
0x261: {  	v62 =	vor.u32 s1, v0  }
0x262: {  	v63 =	vor.u32 s1, v1;
	_ =	sdelay $0x1  }
0x263: {  	[tilespmem:v16+s28+$0x0] =	vst.idx.msk $0xffff, v36  }
0x264: {  	[tilespmem:v17+s28+$0x0] =	vst.idx.msk $0xffff, v37  }
0x265: {  	v36 =	vld.idx.msk [tilespmem:v62+s17+$0x0], $0xffff  }
0x266: {  	v37 =	vld.idx.msk [tilespmem:v63+s17+$0x0], $0xffff;
	_ =	sdelay $0x3  }
0x267: {  	[tilespmem:v18+s28+$0x0] =	vst.idx.msk $0xffff, v36  }
0x268: {  	[tilespmem:v19+s28+$0x0] =	vst.idx.msk $0xffff, v37  }
0x269: {  	_ =	swait.ge [sflag:s30], $0x1000  }
0x26a: {  	[sflag:s30] =	ssyncset.done $0x0  }
0x26b: {  	[sflag:s30] =	ssyncadd.s32 $0xFFFFF000  }
0x26c: {  	_ =	swait.ge [sflag:s30], $0x1000  }
0x26d: {  	[sflag:s30] =	ssyncset.done $0x0  }
0x26e: {  	[sflag:s30] =	ssyncadd.s32 $0xFFFFF000  }
0x26f: {  	_ =	swait.ge [sflag:s30], $0x1000  }
0x270: {  	[sflag:s30] =	ssyncset.done $0x0  }
0x271: {  	[sflag:s30] =	ssyncadd.s32 $0xFFFFF000  }
0x272: {  	_ =	swait.ge [sflag:s30], $0x1000  }
0x273: {  	[sflag:s30] =	ssyncset.done $0x0  }
0x274: {  	[sflag:s30] =	ssyncadd.s32 $0xFFFFF000  }
0x275: {  	v42 =	vld [tilespmem:$0x1F8];
	_ =	sdelay $0x4  }
0x276: {  	(v2sf) =	vpush v42, $0x0;
	_ =	sdelay $0x6  }
0x277: {  	(v2sf) =	vpush v42, $0x1;
	_ =	sdelay $0x6  }
0x278: {  	(v2sf) =	vpush v42, $0x2  }
0x279: {  	s2 =	spop (v2sf)  }
0x27a: {  	s1 =	sand.u32 $0x7F, s2  }
0x27b: {  	v43 =	vor.u32 s1, v0  }
0x27c: {  	v44 =	vor.u32 s1, v1;
	_ =	sdelay $0x2  }
0x27d: {  	(v2sf) =	vpush v42, $0x3  }
0x27e: {  	s4 =	spop (v2sf);
	v45 =	vld.idx.msk [tilespmem:v43+s18+$0x0], $0xffff  }
0x27f: {  	s1 =	sand.u32 $0x7F, s4;
	v46 =	vld.idx.msk [tilespmem:v44+s18+$0x0], $0xffff  }
0x280: {  	v47 =	vor.u32 s1, v0  }
0x281: {  	v48 =	vor.u32 s1, v1;
	_ =	sdelay $0x1  }
0x282: {  	[tilespmem:v20+s28+$0x0] =	vst.idx.msk $0xffff, v45  }
0x283: {  	[tilespmem:v21+s28+$0x0] =	vst.idx.msk $0xffff, v46  }
0x284: {  	s5 =	spop (v2sf);
	v36 =	vld.idx.msk [tilespmem:v47+s19+$0x0], $0xffff  }
0x285: {  	s1 =	sand.u32 $0x7F, s5;
	v37 =	vld.idx.msk [tilespmem:v48+s19+$0x0], $0xffff  }
0x286: {  	v49 =	vor.u32 s1, v0  }
0x287: {  	v50 =	vor.u32 s1, v1;
	_ =	sdelay $0x1  }
0x288: {  	[tilespmem:v22+s28+$0x0] =	vst.idx.msk $0xffff, v36  }
0x289: {  	[tilespmem:v23+s28+$0x0] =	vst.idx.msk $0xffff, v37  }
0x28a: {  	s2 =	spop (v2sf);
	v36 =	vld.idx.msk [tilespmem:v49+s20+$0x0], $0xffff  }
0x28b: {  	s1 =	sand.u32 $0x7F, s2;
	v37 =	vld.idx.msk [tilespmem:v50+s20+$0x0], $0xffff  }
0x28c: {  	v51 =	vor.u32 s1, v0  }
0x28d: {  	v52 =	vor.u32 s1, v1;
	_ =	sdelay $0x1  }
0x28e: {  	[tilespmem:v24+s28+$0x0] =	vst.idx.msk $0xffff, v36  }
0x28f: {  	[tilespmem:v25+s28+$0x0] =	vst.idx.msk $0xffff, v37  }
0x290: {  	v36 =	vld.idx.msk [tilespmem:v51+s21+$0x0], $0xffff  }
0x291: {  	v37 =	vld.idx.msk [tilespmem:v52+s21+$0x0], $0xffff;
	_ =	sdelay $0x3  }
0x292: {  	[tilespmem:v26+s28+$0x0] =	vst.idx.msk $0xffff, v36  }
0x293: {  	[tilespmem:v27+s28+$0x0] =	vst.idx.msk $0xffff, v37  }
0x294: {  	_ =	swait.ge [sflag:s31], $0x1000  }
0x295: {  	[sflag:s31] =	ssyncset.done $0x0  }
0x296: {  	[sflag:s31] =	ssyncadd.s32 $0xFFFFF000  }
0x297: {  	_ =	swait.ge [sflag:s31], $0x1000  }
0x298: {  	[sflag:s31] =	ssyncset.done $0x0  }
0x299: {  	[sflag:s31] =	ssyncadd.s32 $0xFFFFF000  }
0x29a: {  	_ =	swait.ge [sflag:s31], $0x1000  }
0x29b: {  	[sflag:s31] =	ssyncset.done $0x0  }
0x29c: {  	[sflag:s31] =	ssyncadd.s32 $0xFFFFF000  }
0x29d: {  	_ =	swait.ge [sflag:s31], $0x1000  }
0x29e: {  	[sflag:s31] =	ssyncset.done $0x0  }
0x29f: {  	[sflag:s31] =	ssyncadd.s32 $0xFFFFF000  }
0x2a0: {  	v53 =	vld [tilespmem:$0x1FC];
	_ =	sdelay $0x4  }
0x2a1: {  	(v2sf) =	vpush v53, $0x0;
	_ =	sdelay $0x6  }
0x2a2: {  	(v2sf) =	vpush v53, $0x1;
	_ =	sdelay $0x6  }
0x2a3: {  	(v2sf) =	vpush v53, $0x2  }
0x2a4: {  	s4 =	spop (v2sf)  }
0x2a5: {  	s1 =	sand.u32 $0x7F, s4  }
0x2a6: {  	v54 =	vor.u32 s1, v0  }
0x2a7: {  	v55 =	vor.u32 s1, v1;
	_ =	sdelay $0x2  }
0x2a8: {  	(v2sf) =	vpush v53, $0x3  }
0x2a9: {  	s5 =	spop (v2sf);
	v56 =	vld.idx.msk [tilespmem:v54+s22+$0x0], $0xffff  }
0x2aa: {  	s1 =	sand.u32 $0x7F, s5;
	v57 =	vld.idx.msk [tilespmem:v55+s22+$0x0], $0xffff  }
0x2ab: {  	v58 =	vor.u32 s1, v0  }
0x2ac: {  	v59 =	vor.u32 s1, v1;
	_ =	sdelay $0x1  }
0x2ad: {  	[tilespmem:v28+s28+$0x0] =	vst.idx.msk $0xffff, v56  }
0x2ae: {  	[tilespmem:v29+s28+$0x0] =	vst.idx.msk $0xffff, v57  }
0x2af: {  	s2 =	spop (v2sf);
	v36 =	vld.idx.msk [tilespmem:v58+s23+$0x0], $0xffff  }
0x2b0: {  	s1 =	sand.u32 $0x7F, s2;
	v37 =	vld.idx.msk [tilespmem:v59+s23+$0x0], $0xffff  }
0x2b1: {  	v60 =	vor.u32 s1, v0  }
0x2b2: {  	v61 =	vor.u32 s1, v1;
	_ =	sdelay $0x1  }
0x2b3: {  	[tilespmem:v30+s28+$0x0] =	vst.idx.msk $0xffff, v36  }
0x2b4: {  	[tilespmem:v31+s28+$0x0] =	vst.idx.msk $0xffff, v37  }
0x2b5: {  	s4 =	spop (v2sf);
	v36 =	vld.idx.msk [tilespmem:v60+s24+$0x0], $0xffff  }
0x2b6: {  	s1 =	sand.u32 $0x7F, s4;
	v37 =	vld.idx.msk [tilespmem:v61+s24+$0x0], $0xffff  }
0x2b7: {  	v62 =	vor.u32 s1, v0  }
0x2b8: {  	v63 =	vor.u32 s1, v1;
	_ =	sdelay $0x1  }
0x2b9: {  	[tilespmem:v32+s28+$0x0] =	vst.idx.msk $0xffff, v36  }
0x2ba: {  	[tilespmem:v33+s28+$0x0] =	vst.idx.msk $0xffff, v37  }
0x2bb: {  	v36 =	vld.idx.msk [tilespmem:v62+s25+$0x0], $0xffff  }
0x2bc: {  	v37 =	vld.idx.msk [tilespmem:v63+s25+$0x0], $0xffff;
	_ =	sdelay $0x2  }
0x2bd: {  	s3 =	sadd.s32 $0x1, s3  }
0x2be: {  	p0 =	sne.s32 s3, s6;
	s5 =	rddreg [dreg:$0x5];
	[tilespmem:v34+s28+$0x0] =	vst.idx.msk $0xffff, v36  }
.Ltmp1:
0x2bf: {  	s2 =	simm.s32 $0x1000;
	s4 =	simm.s32 $0x20000;
	[tilespmem:v35+s28+$0x0] =	vst.idx.msk $0xffff, v37;
	(pc) =	sbr.rel @p0 .LBB2_1-.Ltmp1, $4  }
0x2c0: {  	[hbm4b:s5+s2] =	stream.strided.scatter [tilespmem:s28], [sflag:$0x5], $0x4000, s4, s2, $0x38;
	[tilespmem:$0x14280] =	vst v63  }
0x2c1: {  	_ =	swait.ge [sflag:s7], $0x4000  }
0x2c2: {  	[sflag:s7] =	ssyncset.done $0x0  }
0x2c3: {  	[sflag:s7] =	ssyncadd.s32 $0xFFFFC000  }
0x2c4: {  	_ =	sfence.sel $0x180000  }
0x2c5: {  	[bflag:$0x0] =	sbarrier.arrive $0xFFFF  }
0x2c6: {  	_ =	strace $0x90000047  }
0x2c7: {  	s0 =	stileid.u32;
	[bflag:$0x2] =	sbarrier.arrive $0xFFFF  }
0x2c8: {  	p0 =	sne.s32 s0, $0x0;
	s0 =	rddreg [dreg:$0x3]  }
0x2c9: {  	s0 =	sadd.s32 @!p0 $0x100000, s0  }
0x2ca: {  	[sflag:s0] =	ssyncadd.tile.s32 @!p0 $0x1;
	_ =	shalt  }
.Lfunc_end2:
_tile_overlayer_lowered:
.L_overlay_start_2:
0x2cb: {  	(tag) =	ssettag $0x2  }
0x2cc: {  	s0 =	rddreg [dreg:$0x0];
	s2 =	stileid.u32  }
0x2cd: {  	s1 =	rddreg [dreg:$0x1];
	p0 =	sne.s32 s2, $0x0  }
0x2ce: {  	s3 =	rddreg [dreg:$0x2];
	[bflag:$0x3] =	sbarrier.arrive $0xFFFF;
	s2 =	simm.s32 @!p0 $0x1C05  }
0x2cf: {  	[timem:s3], [sflag:s2] =	dma.local @!p0 [hbm:s0], s1  }
0x2d0: {  	s0 =	simm.s32 @!p0 $0x5  }
0x2d1: {  	_ =	swait.ge @!p0 [sflag:s0], s1  }
0x2d2: {  	s1 =	ssub.s32 @!p0 $0x0, s1;
	[sflag:s0] =	ssyncset.done @!p0 $0x0  }
0x2d3: {  	[sflag:s0] =	ssyncadd.s32 @!p0 s1  }
0x2d4: {  	[bflag:$0x3] =	sbarrier.arrive $0xFFFF  }
0x2d5: {  	_ =	shalt  }

</sc_bundles>
